<compile_context>
chip_gen: v7x
topology: tpu7x:2x2x1
jax: 0.10.2.dev20260603
libtpu: 0.0.44.dev20260713+nightly
codegen_flags: <defaults>
</compile_context>

<pallas_src>
import functools

import jax
import jax.numpy as jnp
from jax import lax
from jax.experimental import pallas as pl
from jax.experimental.pallas import tpu as pltpu
from jax.experimental.pallas import tpu_sc as plsc

LANES = 16
NUM_CORES = 2
NUM_SUBCORES = 16
NUM_WORKERS = NUM_CORES * NUM_SUBCORES

ROWS = 2
NSETS = 4
UNROLL = 4


def _sc_body(batch, d_model, n_blocks, x_hbm, pos_hbm, out_hbm, *refs):
    nbuf = 1 + batch
    pbs = [refs[s * nbuf] for s in range(NSETS)]
    xbs = [refs[s * nbuf + 1:s * nbuf + nbuf] for s in range(NSETS)]
    sem_in = refs[NSETS * nbuf:NSETS * nbuf + NSETS]
    sem_out = refs[NSETS * nbuf + NSETS:NSETS * nbuf + 2 * NSETS]

    wid = lax.axis_index("s") * NUM_CORES + lax.axis_index("c")
    chunk = ROWS * d_model

    def block_row(k):
        return (k * NUM_WORKERS + wid) * ROWS

    def issue_loads(k, s):
        row = block_row(k)
        pltpu.async_copy(pos_hbm.at[pl.ds(row, ROWS), :], pbs[s], sem_in[s])
        for b in range(batch):
            pltpu.async_copy(x_hbm.at[b, pl.ds(row, ROWS), :], xbs[s][b],
                             sem_in[s])

    def wait_loads(k, s):
        row = block_row(k)
        pltpu.make_async_copy(pos_hbm.at[pl.ds(row, ROWS), :], pbs[s],
                              sem_in[s]).wait()
        for b in range(batch):
            pltpu.make_async_copy(x_hbm.at[b, pl.ds(row, ROWS), :], xbs[s][b],
                                  sem_in[s]).wait()

    def issue_stores(k, s):
        row = block_row(k)
        for b in range(batch):
            pltpu.async_copy(xbs[s][b], out_hbm.at[b, pl.ds(row, ROWS), :],
                             sem_out[s])

    def wait_stores(k, s):
        row = block_row(k)
        for b in range(batch):
            pltpu.make_async_copy(xbs[s][b],
                                  out_hbm.at[b, pl.ds(row, ROWS), :],
                                  sem_out[s]).wait()

    def compute(s):
        pb, xb = pbs[s], xbs[s]

        def add_body(j, _):
            for u in range(UNROLL):
                i = (j * UNROLL + u) * LANES
                r, c = i // d_model, i % d_model
                sl = pl.ds(c, LANES)
                v = pb[r, sl]
                for b in range(batch):
                    xb[b][r, sl] = xb[b][r, sl] + v
            return _

        lax.fori_loop(0, chunk // (LANES * UNROLL), add_body, None)

    issue_loads(0, 0)
    issue_loads(1, 1)

    def body(k, s):
        s_next = (s + 2) % NSETS

        @pl.when(k >= NSETS - 2)
        def _():
            wait_stores(k - (NSETS - 2), s_next)

        @pl.when(k + 2 < n_blocks)
        def _():
            issue_loads(k + 2, s_next)

        wait_loads(k, s)
        compute(s)
        issue_stores(k, s)

    n_main = (n_blocks // NSETS) * NSETS

    def loop_body(i, _):
        for p in range(NSETS):
            body(i * NSETS + p, p)
        return _

    lax.fori_loop(0, n_main // NSETS, loop_body, None)
    for k in range(n_main, n_blocks):
        body(k, k % NSETS)

    for k in range(n_blocks - 2, n_blocks):
        wait_stores(k, k % NSETS)


def kernel(x, pos_table):
    batch, seq_len, d_model = x.shape
    per_worker = seq_len // NUM_WORKERS
    n_blocks = per_worker // ROWS
    assert per_worker % ROWS == 0 and n_blocks >= 4

    pos = pos_table[:seq_len]

    mesh = plsc.VectorSubcoreMesh(core_axis_name="c", subcore_axis_name="s")
    scratch = []
    for _ in range(NSETS):
        scratch.append(pltpu.VMEM((ROWS, d_model), jnp.float32))
        scratch.extend(pltpu.VMEM((ROWS, d_model), jnp.float32)
                       for _ in range(batch))
    scratch.extend(pltpu.SemaphoreType.DMA for _ in range(2 * NSETS))

    run = functools.partial(
        pl.kernel,
        mesh=mesh,
        out_type=jax.ShapeDtypeStruct((batch, seq_len, d_model), jnp.float32),
        scratch_types=scratch,
    )(functools.partial(_sc_body, batch, d_model, n_blocks))

    return run(x, pos)

# --- scband reference (transcript-rebuilt; emitter-appended) ---
"""Pipeline reference for scband-positional-encoding-40338332844545 (READ-ONLY COPY).

The authoritative reference and input builder live on the scoring server;
editing this copy changes nothing except your own understanding.
"""

import jax, jax.numpy as jnp
import numpy as np

D_MODEL = 2048
MAX_LENGTH = 8192
BATCH = 4
SEQ_LEN = 8192

def setup_inputs(seed: int = 0) -> dict:
    key = jax.random.key(seed)
    k_x, k_emb = jax.random.split(key)
    x = jax.random.normal(k_x, (BATCH, SEQ_LEN, D_MODEL), dtype=jnp.float32)
    # Learnable positional embedding table (keras Embedding default: uniform init)
    pos_table = jax.random.uniform(k_emb, (MAX_LENGTH, D_MODEL), dtype=jnp.float32, minval=-0.05, maxval=0.05)
    return {"x": x, "pos_table": pos_table}

def reference(x, pos_table):
    seq_len = x.shape[1]
    positions = jnp.arange(seq_len)
    pos_enc = jnp.take(pos_table, positions, axis=0)  # embedding lookup -> gather
    return x + pos_enc[None, :, :]

if __name__ == "__main__":
    import jax
    _d = setup_inputs()
    print(jax.jit(kernel)(*tuple(_d.values())))

</pallas_src>

<mosaic_0001>
#map = affine_map<(d0, d1) -> (0, 0, 0)>
#map1 = affine_map<(d0, d1) -> (0, 0)>
module attributes {stable_mosaic.version = 14 : i64} {
  func.func @_sc_body(%arg0: i32, %arg1: i32, %arg2: memref<4x8192x2048xf32, #tpu.memory_space<hbm>>, %arg3: memref<8192x2048xf32, #tpu.memory_space<hbm>>, %arg4: memref<4x8192x2048xf32, #tpu.memory_space<hbm>>, %arg5: memref<2x2048xf32, #tpu.memory_space<vmem>>, %arg6: memref<2x2048xf32, #tpu.memory_space<vmem>>, %arg7: memref<2x2048xf32, #tpu.memory_space<vmem>>, %arg8: memref<2x2048xf32, #tpu.memory_space<vmem>>, %arg9: memref<2x2048xf32, #tpu.memory_space<vmem>>, %arg10: memref<2x2048xf32, #tpu.memory_space<vmem>>, %arg11: memref<2x2048xf32, #tpu.memory_space<vmem>>, %arg12: memref<2x2048xf32, #tpu.memory_space<vmem>>, %arg13: memref<2x2048xf32, #tpu.memory_space<vmem>>, %arg14: memref<2x2048xf32, #tpu.memory_space<vmem>>, %arg15: memref<2x2048xf32, #tpu.memory_space<vmem>>, %arg16: memref<2x2048xf32, #tpu.memory_space<vmem>>, %arg17: memref<2x2048xf32, #tpu.memory_space<vmem>>, %arg18: memref<2x2048xf32, #tpu.memory_space<vmem>>, %arg19: memref<2x2048xf32, #tpu.memory_space<vmem>>, %arg20: memref<2x2048xf32, #tpu.memory_space<vmem>>, %arg21: memref<2x2048xf32, #tpu.memory_space<vmem>>, %arg22: memref<2x2048xf32, #tpu.memory_space<vmem>>, %arg23: memref<2x2048xf32, #tpu.memory_space<vmem>>, %arg24: memref<2x2048xf32, #tpu.memory_space<vmem>>, %arg25: memref<!tpu.dma_semaphore, #tpu.memory_space<semaphore_mem>>, %arg26: memref<!tpu.dma_semaphore, #tpu.memory_space<semaphore_mem>>, %arg27: memref<!tpu.dma_semaphore, #tpu.memory_space<semaphore_mem>>, %arg28: memref<!tpu.dma_semaphore, #tpu.memory_space<semaphore_mem>>, %arg29: memref<!tpu.dma_semaphore, #tpu.memory_space<semaphore_mem>>, %arg30: memref<!tpu.dma_semaphore, #tpu.memory_space<semaphore_mem>>, %arg31: memref<!tpu.dma_semaphore, #tpu.memory_space<semaphore_mem>>, %arg32: memref<!tpu.dma_semaphore, #tpu.memory_space<semaphore_mem>>) attributes {dimension_semantics = [#tpu.dimension_semantics<core_parallel>, #tpu.dimension_semantics<subcore_parallel>], iteration_bounds = array<i64: 2, 16>, scalar_prefetch = 0 : i64, scratch_operands = 28 : i64, tpu.core_type = #tpu.core_type<sc_vector_subcore>, window_params = [{transform_indices = #map}, {transform_indices = #map1}, {transform_indices = #map}]} {
    %mul3A = arith.constant 2 : i32
    %mul3A_0 = arith.muli %arg1, %mul3A : i32
    %add3A = arith.addi %mul3A_0, %arg0 : i32
    %add3A_1 = arith.constant 0 : i32
    %add3A_2 = arith.addi %add3A_1, %add3A : i32
    %mul3A_3 = arith.constant 2 : i32
    %mul3A_4 = arith.muli %add3A_2, %mul3A_3 : i32
    %dma_start3A = arith.constant 0 : i32
    %dma_start3A_5 = tpu.memref_slice %arg3[%mul3A_4, %dma_start3A] : memref<8192x2048xf32, #tpu.memory_space<hbm>> -> memref<2x2048xf32, #tpu.memory_space<hbm>>
    %dma_start3A_6 = arith.constant 0 : i32
    %dma_start3A_7 = tpu.memref_slice %arg3[%mul3A_4, %dma_start3A_6] : memref<8192x2048xf32, #tpu.memory_space<hbm>> -> memref<2x2048xf32, #tpu.memory_space<hbm>>
    tpu.enqueue_dma source(%dma_start3A_7 : memref<2x2048xf32, #tpu.memory_space<hbm>>) target(%arg5 : memref<2x2048xf32, #tpu.memory_space<vmem>>) target_semaphore(%arg25 : memref<!tpu.dma_semaphore, #tpu.memory_space<semaphore_mem>>)
    %dma_start3A_8 = arith.constant 0 : i32
    %dma_start3A_9 = arith.constant 0 : i32
    %dma_start3A_10 = tpu.memref_slice %arg2[%dma_start3A_8, %mul3A_4, %dma_start3A_9] : memref<4x8192x2048xf32, #tpu.memory_space<hbm>> -> memref<1x2x2048xf32, #tpu.memory_space<hbm>>
    %dma_start3A_11 = tpu.memref_squeeze %dma_start3A_10 : memref<1x2x2048xf32, #tpu.memory_space<hbm>> -> memref<2x2048xf32, #tpu.memory_space<hbm>>
    %dma_start3A_12 = arith.constant 0 : i32
    %dma_start3A_13 = tpu.memref_slice %arg2[%dma_start3A_8, %mul3A_4, %dma_start3A_12] : memref<4x8192x2048xf32, #tpu.memory_space<hbm>> -> memref<1x2x2048xf32, #tpu.memory_space<hbm>>
    %dma_start3A_14 = tpu.memref_squeeze %dma_start3A_13 : memref<1x2x2048xf32, #tpu.memory_space<hbm>> -> memref<2x2048xf32, #tpu.memory_space<hbm>>
    tpu.enqueue_dma source(%dma_start3A_14 : memref<2x2048xf32, #tpu.memory_space<hbm>>) target(%arg6 : memref<2x2048xf32, #tpu.memory_space<vmem>>) target_semaphore(%arg25 : memref<!tpu.dma_semaphore, #tpu.memory_space<semaphore_mem>>)
    %dma_start3A_15 = arith.constant 1 : i32
    %dma_start3A_16 = arith.constant 0 : i32
    %dma_start3A_17 = tpu.memref_slice %arg2[%dma_start3A_15, %mul3A_4, %dma_start3A_16] : memref<4x8192x2048xf32, #tpu.memory_space<hbm>> -> memref<1x2x2048xf32, #tpu.memory_space<hbm>>
    %dma_start3A_18 = tpu.memref_squeeze %dma_start3A_17 : memref<1x2x2048xf32, #tpu.memory_space<hbm>> -> memref<2x2048xf32, #tpu.memory_space<hbm>>
    %dma_start3A_19 = arith.constant 0 : i32
    %dma_start3A_20 = tpu.memref_slice %arg2[%dma_start3A_15, %mul3A_4, %dma_start3A_19] : memref<4x8192x2048xf32, #tpu.memory_space<hbm>> -> memref<1x2x2048xf32, #tpu.memory_space<hbm>>
    %dma_start3A_21 = tpu.memref_squeeze %dma_start3A_20 : memref<1x2x2048xf32, #tpu.memory_space<hbm>> -> memref<2x2048xf32, #tpu.memory_space<hbm>>
    tpu.enqueue_dma source(%dma_start3A_21 : memref<2x2048xf32, #tpu.memory_space<hbm>>) target(%arg7 : memref<2x2048xf32, #tpu.memory_space<vmem>>) target_semaphore(%arg25 : memref<!tpu.dma_semaphore, #tpu.memory_space<semaphore_mem>>)
    %dma_start3A_22 = arith.constant 2 : i32
    %dma_start3A_23 = arith.constant 0 : i32
    %dma_start3A_24 = tpu.memref_slice %arg2[%dma_start3A_22, %mul3A_4, %dma_start3A_23] : memref<4x8192x2048xf32, #tpu.memory_space<hbm>> -> memref<1x2x2048xf32, #tpu.memory_space<hbm>>
    %dma_start3A_25 = tpu.memref_squeeze %dma_start3A_24 : memref<1x2x2048xf32, #tpu.memory_space<hbm>> -> memref<2x2048xf32, #tpu.memory_space<hbm>>
    %dma_start3A_26 = arith.constant 0 : i32
    %dma_start3A_27 = tpu.memref_slice %arg2[%dma_start3A_22, %mul3A_4, %dma_start3A_26] : memref<4x8192x2048xf32, #tpu.memory_space<hbm>> -> memref<1x2x2048xf32, #tpu.memory_space<hbm>>
    %dma_start3A_28 = tpu.memref_squeeze %dma_start3A_27 : memref<1x2x2048xf32, #tpu.memory_space<hbm>> -> memref<2x2048xf32, #tpu.memory_space<hbm>>
    tpu.enqueue_dma source(%dma_start3A_28 : memref<2x2048xf32, #tpu.memory_space<hbm>>) target(%arg8 : memref<2x2048xf32, #tpu.memory_space<vmem>>) target_semaphore(%arg25 : memref<!tpu.dma_semaphore, #tpu.memory_space<semaphore_mem>>)
    %dma_start3A_29 = arith.constant 3 : i32
    %dma_start3A_30 = arith.constant 0 : i32
    %dma_start3A_31 = tpu.memref_slice %arg2[%dma_start3A_29, %mul3A_4, %dma_start3A_30] : memref<4x8192x2048xf32, #tpu.memory_space<hbm>> -> memref<1x2x2048xf32, #tpu.memory_space<hbm>>
    %dma_start3A_32 = tpu.memref_squeeze %dma_start3A_31 : memref<1x2x2048xf32, #tpu.memory_space<hbm>> -> memref<2x2048xf32, #tpu.memory_space<hbm>>
    %dma_start3A_33 = arith.constant 0 : i32
    %dma_start3A_34 = tpu.memref_slice %arg2[%dma_start3A_29, %mul3A_4, %dma_start3A_33] : memref<4x8192x2048xf32, #tpu.memory_space<hbm>> -> memref<1x2x2048xf32, #tpu.memory_space<hbm>>
    %dma_start3A_35 = tpu.memref_squeeze %dma_start3A_34 : memref<1x2x2048xf32, #tpu.memory_space<hbm>> -> memref<2x2048xf32, #tpu.memory_space<hbm>>
    tpu.enqueue_dma source(%dma_start3A_35 : memref<2x2048xf32, #tpu.memory_space<hbm>>) target(%arg9 : memref<2x2048xf32, #tpu.memory_space<vmem>>) target_semaphore(%arg25 : memref<!tpu.dma_semaphore, #tpu.memory_space<semaphore_mem>>)
    %add3A_36 = arith.constant 32 : i32
    %add3A_37 = arith.addi %add3A_36, %add3A : i32
    %mul3A_38 = arith.constant 2 : i32
    %mul3A_39 = arith.muli %add3A_37, %mul3A_38 : i32
    %dma_start3A_40 = arith.constant 0 : i32
    %dma_start3A_41 = tpu.memref_slice %arg3[%mul3A_39, %dma_start3A_40] : memref<8192x2048xf32, #tpu.memory_space<hbm>> -> memref<2x2048xf32, #tpu.memory_space<hbm>>
    %dma_start3A_42 = arith.constant 0 : i32
    %dma_start3A_43 = tpu.memref_slice %arg3[%mul3A_39, %dma_start3A_42] : memref<8192x2048xf32, #tpu.memory_space<hbm>> -> memref<2x2048xf32, #tpu.memory_space<hbm>>
    tpu.enqueue_dma source(%dma_start3A_43 : memref<2x2048xf32, #tpu.memory_space<hbm>>) target(%arg10 : memref<2x2048xf32, #tpu.memory_space<vmem>>) target_semaphore(%arg26 : memref<!tpu.dma_semaphore, #tpu.memory_space<semaphore_mem>>)
    %dma_start3A_44 = arith.constant 0 : i32
    %dma_start3A_45 = arith.constant 0 : i32
    %dma_start3A_46 = tpu.memref_slice %arg2[%dma_start3A_44, %mul3A_39, %dma_start3A_45] : memref<4x8192x2048xf32, #tpu.memory_space<hbm>> -> memref<1x2x2048xf32, #tpu.memory_space<hbm>>
    %dma_start3A_47 = tpu.memref_squeeze %dma_start3A_46 : memref<1x2x2048xf32, #tpu.memory_space<hbm>> -> memref<2x2048xf32, #tpu.memory_space<hbm>>
    %dma_start3A_48 = arith.constant 0 : i32
    %dma_start3A_49 = tpu.memref_slice %arg2[%dma_start3A_44, %mul3A_39, %dma_start3A_48] : memref<4x8192x2048xf32, #tpu.memory_space<hbm>> -> memref<1x2x2048xf32, #tpu.memory_space<hbm>>
    %dma_start3A_50 = tpu.memref_squeeze %dma_start3A_49 : memref<1x2x2048xf32, #tpu.memory_space<hbm>> -> memref<2x2048xf32, #tpu.memory_space<hbm>>
    tpu.enqueue_dma source(%dma_start3A_50 : memref<2x2048xf32, #tpu.memory_space<hbm>>) target(%arg11 : memref<2x2048xf32, #tpu.memory_space<vmem>>) target_semaphore(%arg26 : memref<!tpu.dma_semaphore, #tpu.memory_space<semaphore_mem>>)
    %dma_start3A_51 = arith.constant 1 : i32
    %dma_start3A_52 = arith.constant 0 : i32
    %dma_start3A_53 = tpu.memref_slice %arg2[%dma_start3A_51, %mul3A_39, %dma_start3A_52] : memref<4x8192x2048xf32, #tpu.memory_space<hbm>> -> memref<1x2x2048xf32, #tpu.memory_space<hbm>>
    %dma_start3A_54 = tpu.memref_squeeze %dma_start3A_53 : memref<1x2x2048xf32, #tpu.memory_space<hbm>> -> memref<2x2048xf32, #tpu.memory_space<hbm>>
    %dma_start3A_55 = arith.constant 0 : i32
    %dma_start3A_56 = tpu.memref_slice %arg2[%dma_start3A_51, %mul3A_39, %dma_start3A_55] : memref<4x8192x2048xf32, #tpu.memory_space<hbm>> -> memref<1x2x2048xf32, #tpu.memory_space<hbm>>
    %dma_start3A_57 = tpu.memref_squeeze %dma_start3A_56 : memref<1x2x2048xf32, #tpu.memory_space<hbm>> -> memref<2x2048xf32, #tpu.memory_space<hbm>>
    tpu.enqueue_dma source(%dma_start3A_57 : memref<2x2048xf32, #tpu.memory_space<hbm>>) target(%arg12 : memref<2x2048xf32, #tpu.memory_space<vmem>>) target_semaphore(%arg26 : memref<!tpu.dma_semaphore, #tpu.memory_space<semaphore_mem>>)
    %dma_start3A_58 = arith.constant 2 : i32
    %dma_start3A_59 = arith.constant 0 : i32
    %dma_start3A_60 = tpu.memref_slice %arg2[%dma_start3A_58, %mul3A_39, %dma_start3A_59] : memref<4x8192x2048xf32, #tpu.memory_space<hbm>> -> memref<1x2x2048xf32, #tpu.memory_space<hbm>>
    %dma_start3A_61 = tpu.memref_squeeze %dma_start3A_60 : memref<1x2x2048xf32, #tpu.memory_space<hbm>> -> memref<2x2048xf32, #tpu.memory_space<hbm>>
    %dma_start3A_62 = arith.constant 0 : i32
    %dma_start3A_63 = tpu.memref_slice %arg2[%dma_start3A_58, %mul3A_39, %dma_start3A_62] : memref<4x8192x2048xf32, #tpu.memory_space<hbm>> -> memref<1x2x2048xf32, #tpu.memory_space<hbm>>
    %dma_start3A_64 = tpu.memref_squeeze %dma_start3A_63 : memref<1x2x2048xf32, #tpu.memory_space<hbm>> -> memref<2x2048xf32, #tpu.memory_space<hbm>>
    tpu.enqueue_dma source(%dma_start3A_64 : memref<2x2048xf32, #tpu.memory_space<hbm>>) target(%arg13 : memref<2x2048xf32, #tpu.memory_space<vmem>>) target_semaphore(%arg26 : memref<!tpu.dma_semaphore, #tpu.memory_space<semaphore_mem>>)
    %dma_start3A_65 = arith.constant 3 : i32
    %dma_start3A_66 = arith.constant 0 : i32
    %dma_start3A_67 = tpu.memref_slice %arg2[%dma_start3A_65, %mul3A_39, %dma_start3A_66] : memref<4x8192x2048xf32, #tpu.memory_space<hbm>> -> memref<1x2x2048xf32, #tpu.memory_space<hbm>>
    %dma_start3A_68 = tpu.memref_squeeze %dma_start3A_67 : memref<1x2x2048xf32, #tpu.memory_space<hbm>> -> memref<2x2048xf32, #tpu.memory_space<hbm>>
    %dma_start3A_69 = arith.constant 0 : i32
    %dma_start3A_70 = tpu.memref_slice %arg2[%dma_start3A_65, %mul3A_39, %dma_start3A_69] : memref<4x8192x2048xf32, #tpu.memory_space<hbm>> -> memref<1x2x2048xf32, #tpu.memory_space<hbm>>
    %dma_start3A_71 = tpu.memref_squeeze %dma_start3A_70 : memref<1x2x2048xf32, #tpu.memory_space<hbm>> -> memref<2x2048xf32, #tpu.memory_space<hbm>>
    tpu.enqueue_dma source(%dma_start3A_71 : memref<2x2048xf32, #tpu.memory_space<hbm>>) target(%arg14 : memref<2x2048xf32, #tpu.memory_space<vmem>>) target_semaphore(%arg26 : memref<!tpu.dma_semaphore, #tpu.memory_space<semaphore_mem>>)
    %scan3A = arith.constant 0 : i32
    %scan3A_72 = arith.constant 32 : i32
    %scan3A_73 = arith.addi %scan3A, %scan3A_72 : i32
    %scan3A_74 = arith.constant 1 : i32
    scf.for %scan3A_139 = %scan3A to %scan3A_73 step %scan3A_74  : i32 {
      %mul3A_140 = arith.constant 4 : i32
      %mul3A_141 = arith.muli %scan3A_139, %mul3A_140 : i32
      %add3A_142 = arith.constant 0 : i32
      %add3A_143 = arith.addi %mul3A_141, %add3A_142 : i32
      %ge3A = arith.constant 2 : i32
      %ge3A_144 = arith.cmpi sge, %add3A_143, %ge3A : i32
      %convert_element_type3A = arith.extui %ge3A_144 : i1 to i32
      %cond3A = arith.constant 0 : i32
      %cond3A_145 = arith.cmpi ne, %convert_element_type3A, %cond3A : i32
      scf.if %cond3A_145 {
        %sub3A = arith.constant 2 : i32
        %sub3A_500 = arith.subi %add3A_143, %sub3A : i32
        %mul3A_501 = arith.constant 32 : i32
        %mul3A_502 = arith.muli %sub3A_500, %mul3A_501 : i32
        %add3A_503 = arith.addi %mul3A_502, %add3A : i32
        %mul3A_504 = arith.constant 2 : i32
        %mul3A_505 = arith.muli %add3A_503, %mul3A_504 : i32
        %dma_wait3A_506 = arith.constant 0 : i32
        %dma_wait3A_507 = arith.constant 0 : i32
        %dma_wait3A_508 = tpu.memref_slice %arg4[%dma_wait3A_506, %mul3A_505, %dma_wait3A_507] : memref<4x8192x2048xf32, #tpu.memory_space<hbm>> -> memref<1x2x2048xf32, #tpu.memory_space<hbm>>
        %dma_wait3A_509 = tpu.memref_squeeze %dma_wait3A_508 : memref<1x2x2048xf32, #tpu.memory_space<hbm>> -> memref<2x2048xf32, #tpu.memory_space<hbm>>
        %dma_wait3A_510 = arith.constant 0 : i32
        %dma_wait3A_511 = tpu.memref_slice %arg4[%dma_wait3A_506, %mul3A_505, %dma_wait3A_510] : memref<4x8192x2048xf32, #tpu.memory_space<hbm>> -> memref<1x2x2048xf32, #tpu.memory_space<hbm>>
        %dma_wait3A_512 = tpu.memref_squeeze %dma_wait3A_511 : memref<1x2x2048xf32, #tpu.memory_space<hbm>> -> memref<2x2048xf32, #tpu.memory_space<hbm>>
        tpu.wait_dma2 semaphore(%arg31 : memref<!tpu.dma_semaphore, #tpu.memory_space<semaphore_mem>>) src(%arg16 : memref<2x2048xf32, #tpu.memory_space<vmem>>) dst(%dma_wait3A_512 : memref<2x2048xf32, #tpu.memory_space<hbm>>)
        %dma_wait3A_513 = arith.constant 1 : i32
        %dma_wait3A_514 = arith.constant 0 : i32
        %dma_wait3A_515 = tpu.memref_slice %arg4[%dma_wait3A_513, %mul3A_505, %dma_wait3A_514] : memref<4x8192x2048xf32, #tpu.memory_space<hbm>> -> memref<1x2x2048xf32, #tpu.memory_space<hbm>>
        %dma_wait3A_516 = tpu.memref_squeeze %dma_wait3A_515 : memref<1x2x2048xf32, #tpu.memory_space<hbm>> -> memref<2x2048xf32, #tpu.memory_space<hbm>>
        %dma_wait3A_517 = arith.constant 0 : i32
        %dma_wait3A_518 = tpu.memref_slice %arg4[%dma_wait3A_513, %mul3A_505, %dma_wait3A_517] : memref<4x8192x2048xf32, #tpu.memory_space<hbm>> -> memref<1x2x2048xf32, #tpu.memory_space<hbm>>
        %dma_wait3A_519 = tpu.memref_squeeze %dma_wait3A_518 : memref<1x2x2048xf32, #tpu.memory_space<hbm>> -> memref<2x2048xf32, #tpu.memory_space<hbm>>
        tpu.wait_dma2 semaphore(%arg31 : memref<!tpu.dma_semaphore, #tpu.memory_space<semaphore_mem>>) src(%arg17 : memref<2x2048xf32, #tpu.memory_space<vmem>>) dst(%dma_wait3A_519 : memref<2x2048xf32, #tpu.memory_space<hbm>>)
        %dma_wait3A_520 = arith.constant 2 : i32
        %dma_wait3A_521 = arith.constant 0 : i32
        %dma_wait3A_522 = tpu.memref_slice %arg4[%dma_wait3A_520, %mul3A_505, %dma_wait3A_521] : memref<4x8192x2048xf32, #tpu.memory_space<hbm>> -> memref<1x2x2048xf32, #tpu.memory_space<hbm>>
        %dma_wait3A_523 = tpu.memref_squeeze %dma_wait3A_522 : memref<1x2x2048xf32, #tpu.memory_space<hbm>> -> memref<2x2048xf32, #tpu.memory_space<hbm>>
        %dma_wait3A_524 = arith.constant 0 : i32
        %dma_wait3A_525 = tpu.memref_slice %arg4[%dma_wait3A_520, %mul3A_505, %dma_wait3A_524] : memref<4x8192x2048xf32, #tpu.memory_space<hbm>> -> memref<1x2x2048xf32, #tpu.memory_space<hbm>>
        %dma_wait3A_526 = tpu.memref_squeeze %dma_wait3A_525 : memref<1x2x2048xf32, #tpu.memory_space<hbm>> -> memref<2x2048xf32, #tpu.memory_space<hbm>>
        tpu.wait_dma2 semaphore(%arg31 : memref<!tpu.dma_semaphore, #tpu.memory_space<semaphore_mem>>) src(%arg18 : memref<2x2048xf32, #tpu.memory_space<vmem>>) dst(%dma_wait3A_526 : memref<2x2048xf32, #tpu.memory_space<hbm>>)
        %dma_wait3A_527 = arith.constant 3 : i32
        %dma_wait3A_528 = arith.constant 0 : i32
        %dma_wait3A_529 = tpu.memref_slice %arg4[%dma_wait3A_527, %mul3A_505, %dma_wait3A_528] : memref<4x8192x2048xf32, #tpu.memory_space<hbm>> -> memref<1x2x2048xf32, #tpu.memory_space<hbm>>
        %dma_wait3A_530 = tpu.memref_squeeze %dma_wait3A_529 : memref<1x2x2048xf32, #tpu.memory_space<hbm>> -> memref<2x2048xf32, #tpu.memory_space<hbm>>
        %dma_wait3A_531 = arith.constant 0 : i32
        %dma_wait3A_532 = tpu.memref_slice %arg4[%dma_wait3A_527, %mul3A_505, %dma_wait3A_531] : memref<4x8192x2048xf32, #tpu.memory_space<hbm>> -> memref<1x2x2048xf32, #tpu.memory_space<hbm>>
        %dma_wait3A_533 = tpu.memref_squeeze %dma_wait3A_532 : memref<1x2x2048xf32, #tpu.memory_space<hbm>> -> memref<2x2048xf32, #tpu.memory_space<hbm>>
        tpu.wait_dma2 semaphore(%arg31 : memref<!tpu.dma_semaphore, #tpu.memory_space<semaphore_mem>>) src(%arg19 : memref<2x2048xf32, #tpu.memory_space<vmem>>) dst(%dma_wait3A_533 : memref<2x2048xf32, #tpu.memory_space<hbm>>)
      } else {
      }
      %add3A_146 = arith.constant 2 : i32
      %add3A_147 = arith.addi %add3A_143, %add3A_146 : i32
      %lt3A = arith.constant 128 : i32
      %lt3A_148 = arith.cmpi slt, %add3A_147, %lt3A : i32
      %convert_element_type3A_149 = arith.extui %lt3A_148 : i1 to i32
      %cond3A_150 = arith.constant 0 : i32
      %cond3A_151 = arith.cmpi ne, %convert_element_type3A_149, %cond3A_150 : i32
      scf.if %cond3A_151 {
        %add3A_500 = arith.constant 2 : i32
        %add3A_501 = arith.addi %add3A_143, %add3A_500 : i32
        %mul3A_502 = arith.constant 32 : i32
        %mul3A_503 = arith.muli %add3A_501, %mul3A_502 : i32
        %add3A_504 = arith.addi %mul3A_503, %add3A : i32
        %mul3A_505 = arith.constant 2 : i32
        %mul3A_506 = arith.muli %add3A_504, %mul3A_505 : i32
        %dma_start3A_507 = arith.constant 0 : i32
        %dma_start3A_508 = tpu.memref_slice %arg3[%mul3A_506, %dma_start3A_507] : memref<8192x2048xf32, #tpu.memory_space<hbm>> -> memref<2x2048xf32, #tpu.memory_space<hbm>>
        %dma_start3A_509 = arith.constant 0 : i32
        %dma_start3A_510 = tpu.memref_slice %arg3[%mul3A_506, %dma_start3A_509] : memref<8192x2048xf32, #tpu.memory_space<hbm>> -> memref<2x2048xf32, #tpu.memory_space<hbm>>
        tpu.enqueue_dma source(%dma_start3A_510 : memref<2x2048xf32, #tpu.memory_space<hbm>>) target(%arg15 : memref<2x2048xf32, #tpu.memory_space<vmem>>) target_semaphore(%arg27 : memref<!tpu.dma_semaphore, #tpu.memory_space<semaphore_mem>>)
        %dma_start3A_511 = arith.constant 0 : i32
        %dma_start3A_512 = arith.constant 0 : i32
        %dma_start3A_513 = tpu.memref_slice %arg2[%dma_start3A_511, %mul3A_506, %dma_start3A_512] : memref<4x8192x2048xf32, #tpu.memory_space<hbm>> -> memref<1x2x2048xf32, #tpu.memory_space<hbm>>
        %dma_start3A_514 = tpu.memref_squeeze %dma_start3A_513 : memref<1x2x2048xf32, #tpu.memory_space<hbm>> -> memref<2x2048xf32, #tpu.memory_space<hbm>>
        %dma_start3A_515 = arith.constant 0 : i32
        %dma_start3A_516 = tpu.memref_slice %arg2[%dma_start3A_511, %mul3A_506, %dma_start3A_515] : memref<4x8192x2048xf32, #tpu.memory_space<hbm>> -> memref<1x2x2048xf32, #tpu.memory_space<hbm>>
        %dma_start3A_517 = tpu.memref_squeeze %dma_start3A_516 : memref<1x2x2048xf32, #tpu.memory_space<hbm>> -> memref<2x2048xf32, #tpu.memory_space<hbm>>
        tpu.enqueue_dma source(%dma_start3A_517 : memref<2x2048xf32, #tpu.memory_space<hbm>>) target(%arg16 : memref<2x2048xf32, #tpu.memory_space<vmem>>) target_semaphore(%arg27 : memref<!tpu.dma_semaphore, #tpu.memory_space<semaphore_mem>>)
        %dma_start3A_518 = arith.constant 1 : i32
        %dma_start3A_519 = arith.constant 0 : i32
        %dma_start3A_520 = tpu.memref_slice %arg2[%dma_start3A_518, %mul3A_506, %dma_start3A_519] : memref<4x8192x2048xf32, #tpu.memory_space<hbm>> -> memref<1x2x2048xf32, #tpu.memory_space<hbm>>
        %dma_start3A_521 = tpu.memref_squeeze %dma_start3A_520 : memref<1x2x2048xf32, #tpu.memory_space<hbm>> -> memref<2x2048xf32, #tpu.memory_space<hbm>>
        %dma_start3A_522 = arith.constant 0 : i32
        %dma_start3A_523 = tpu.memref_slice %arg2[%dma_start3A_518, %mul3A_506, %dma_start3A_522] : memref<4x8192x2048xf32, #tpu.memory_space<hbm>> -> memref<1x2x2048xf32, #tpu.memory_space<hbm>>
        %dma_start3A_524 = tpu.memref_squeeze %dma_start3A_523 : memref<1x2x2048xf32, #tpu.memory_space<hbm>> -> memref<2x2048xf32, #tpu.memory_space<hbm>>
        tpu.enqueue_dma source(%dma_start3A_524 : memref<2x2048xf32, #tpu.memory_space<hbm>>) target(%arg17 : memref<2x2048xf32, #tpu.memory_space<vmem>>) target_semaphore(%arg27 : memref<!tpu.dma_semaphore, #tpu.memory_space<semaphore_mem>>)
        %dma_start3A_525 = arith.constant 2 : i32
        %dma_start3A_526 = arith.constant 0 : i32
        %dma_start3A_527 = tpu.memref_slice %arg2[%dma_start3A_525, %mul3A_506, %dma_start3A_526] : memref<4x8192x2048xf32, #tpu.memory_space<hbm>> -> memref<1x2x2048xf32, #tpu.memory_space<hbm>>
        %dma_start3A_528 = tpu.memref_squeeze %dma_start3A_527 : memref<1x2x2048xf32, #tpu.memory_space<hbm>> -> memref<2x2048xf32, #tpu.memory_space<hbm>>
        %dma_start3A_529 = arith.constant 0 : i32
        %dma_start3A_530 = tpu.memref_slice %arg2[%dma_start3A_525, %mul3A_506, %dma_start3A_529] : memref<4x8192x2048xf32, #tpu.memory_space<hbm>> -> memref<1x2x2048xf32, #tpu.memory_space<hbm>>
        %dma_start3A_531 = tpu.memref_squeeze %dma_start3A_530 : memref<1x2x2048xf32, #tpu.memory_space<hbm>> -> memref<2x2048xf32, #tpu.memory_space<hbm>>
        tpu.enqueue_dma source(%dma_start3A_531 : memref<2x2048xf32, #tpu.memory_space<hbm>>) target(%arg18 : memref<2x2048xf32, #tpu.memory_space<vmem>>) target_semaphore(%arg27 : memref<!tpu.dma_semaphore, #tpu.memory_space<semaphore_mem>>)
        %dma_start3A_532 = arith.constant 3 : i32
        %dma_start3A_533 = arith.constant 0 : i32
        %dma_start3A_534 = tpu.memref_slice %arg2[%dma_start3A_532, %mul3A_506, %dma_start3A_533] : memref<4x8192x2048xf32, #tpu.memory_space<hbm>> -> memref<1x2x2048xf32, #tpu.memory_space<hbm>>
        %dma_start3A_535 = tpu.memref_squeeze %dma_start3A_534 : memref<1x2x2048xf32, #tpu.memory_space<hbm>> -> memref<2x2048xf32, #tpu.memory_space<hbm>>
        %dma_start3A_536 = arith.constant 0 : i32
        %dma_start3A_537 = tpu.memref_slice %arg2[%dma_start3A_532, %mul3A_506, %dma_start3A_536] : memref<4x8192x2048xf32, #tpu.memory_space<hbm>> -> memref<1x2x2048xf32, #tpu.memory_space<hbm>>
        %dma_start3A_538 = tpu.memref_squeeze %dma_start3A_537 : memref<1x2x2048xf32, #tpu.memory_space<hbm>> -> memref<2x2048xf32, #tpu.memory_space<hbm>>
        tpu.enqueue_dma source(%dma_start3A_538 : memref<2x2048xf32, #tpu.memory_space<hbm>>) target(%arg19 : memref<2x2048xf32, #tpu.memory_space<vmem>>) target_semaphore(%arg27 : memref<!tpu.dma_semaphore, #tpu.memory_space<semaphore_mem>>)
      } else {
      }
      %mul3A_152 = arith.constant 32 : i32
      %mul3A_153 = arith.muli %add3A_143, %mul3A_152 : i32
      %add3A_154 = arith.addi %mul3A_153, %add3A : i32
      %mul3A_155 = arith.constant 2 : i32
      %mul3A_156 = arith.muli %add3A_154, %mul3A_155 : i32
      %dma_wait3A_157 = arith.constant 0 : i32
      %dma_wait3A_158 = tpu.memref_slice %arg3[%mul3A_156, %dma_wait3A_157] : memref<8192x2048xf32, #tpu.memory_space<hbm>> -> memref<2x2048xf32, #tpu.memory_space<hbm>>
      %dma_wait3A_159 = arith.constant 0 : i32
      %dma_wait3A_160 = tpu.memref_slice %arg3[%mul3A_156, %dma_wait3A_159] : memref<8192x2048xf32, #tpu.memory_space<hbm>> -> memref<2x2048xf32, #tpu.memory_space<hbm>>
      tpu.wait_dma2 semaphore(%arg25 : memref<!tpu.dma_semaphore, #tpu.memory_space<semaphore_mem>>) src(%dma_wait3A_160 : memref<2x2048xf32, #tpu.memory_space<hbm>>) dst(%arg5 : memref<2x2048xf32, #tpu.memory_space<vmem>>)
      %dma_wait3A_161 = arith.constant 0 : i32
      %dma_wait3A_162 = arith.constant 0 : i32
      %dma_wait3A_163 = tpu.memref_slice %arg2[%dma_wait3A_161, %mul3A_156, %dma_wait3A_162] : memref<4x8192x2048xf32, #tpu.memory_space<hbm>> -> memref<1x2x2048xf32, #tpu.memory_space<hbm>>
      %dma_wait3A_164 = tpu.memref_squeeze %dma_wait3A_163 : memref<1x2x2048xf32, #tpu.memory_space<hbm>> -> memref<2x2048xf32, #tpu.memory_space<hbm>>
      %dma_wait3A_165 = arith.constant 0 : i32
      %dma_wait3A_166 = tpu.memref_slice %arg2[%dma_wait3A_161, %mul3A_156, %dma_wait3A_165] : memref<4x8192x2048xf32, #tpu.memory_space<hbm>> -> memref<1x2x2048xf32, #tpu.memory_space<hbm>>
      %dma_wait3A_167 = tpu.memref_squeeze %dma_wait3A_166 : memref<1x2x2048xf32, #tpu.memory_space<hbm>> -> memref<2x2048xf32, #tpu.memory_space<hbm>>
      tpu.wait_dma2 semaphore(%arg25 : memref<!tpu.dma_semaphore, #tpu.memory_space<semaphore_mem>>) src(%dma_wait3A_167 : memref<2x2048xf32, #tpu.memory_space<hbm>>) dst(%arg6 : memref<2x2048xf32, #tpu.memory_space<vmem>>)
      %dma_wait3A_168 = arith.constant 1 : i32
      %dma_wait3A_169 = arith.constant 0 : i32
      %dma_wait3A_170 = tpu.memref_slice %arg2[%dma_wait3A_168, %mul3A_156, %dma_wait3A_169] : memref<4x8192x2048xf32, #tpu.memory_space<hbm>> -> memref<1x2x2048xf32, #tpu.memory_space<hbm>>
      %dma_wait3A_171 = tpu.memref_squeeze %dma_wait3A_170 : memref<1x2x2048xf32, #tpu.memory_space<hbm>> -> memref<2x2048xf32, #tpu.memory_space<hbm>>
      %dma_wait3A_172 = arith.constant 0 : i32
      %dma_wait3A_173 = tpu.memref_slice %arg2[%dma_wait3A_168, %mul3A_156, %dma_wait3A_172] : memref<4x8192x2048xf32, #tpu.memory_space<hbm>> -> memref<1x2x2048xf32, #tpu.memory_space<hbm>>
      %dma_wait3A_174 = tpu.memref_squeeze %dma_wait3A_173 : memref<1x2x2048xf32, #tpu.memory_space<hbm>> -> memref<2x2048xf32, #tpu.memory_space<hbm>>
      tpu.wait_dma2 semaphore(%arg25 : memref<!tpu.dma_semaphore, #tpu.memory_space<semaphore_mem>>) src(%dma_wait3A_174 : memref<2x2048xf32, #tpu.memory_space<hbm>>) dst(%arg7 : memref<2x2048xf32, #tpu.memory_space<vmem>>)
      %dma_wait3A_175 = arith.constant 2 : i32
      %dma_wait3A_176 = arith.constant 0 : i32
      %dma_wait3A_177 = tpu.memref_slice %arg2[%dma_wait3A_175, %mul3A_156, %dma_wait3A_176] : memref<4x8192x2048xf32, #tpu.memory_space<hbm>> -> memref<1x2x2048xf32, #tpu.memory_space<hbm>>
      %dma_wait3A_178 = tpu.memref_squeeze %dma_wait3A_177 : memref<1x2x2048xf32, #tpu.memory_space<hbm>> -> memref<2x2048xf32, #tpu.memory_space<hbm>>
      %dma_wait3A_179 = arith.constant 0 : i32
      %dma_wait3A_180 = tpu.memref_slice %arg2[%dma_wait3A_175, %mul3A_156, %dma_wait3A_179] : memref<4x8192x2048xf32, #tpu.memory_space<hbm>> -> memref<1x2x2048xf32, #tpu.memory_space<hbm>>
      %dma_wait3A_181 = tpu.memref_squeeze %dma_wait3A_180 : memref<1x2x2048xf32, #tpu.memory_space<hbm>> -> memref<2x2048xf32, #tpu.memory_space<hbm>>
      tpu.wait_dma2 semaphore(%arg25 : memref<!tpu.dma_semaphore, #tpu.memory_space<semaphore_mem>>) src(%dma_wait3A_181 : memref<2x2048xf32, #tpu.memory_space<hbm>>) dst(%arg8 : memref<2x2048xf32, #tpu.memory_space<vmem>>)
      %dma_wait3A_182 = arith.constant 3 : i32
      %dma_wait3A_183 = arith.constant 0 : i32
      %dma_wait3A_184 = tpu.memref_slice %arg2[%dma_wait3A_182, %mul3A_156, %dma_wait3A_183] : memref<4x8192x2048xf32, #tpu.memory_space<hbm>> -> memref<1x2x2048xf32, #tpu.memory_space<hbm>>
      %dma_wait3A_185 = tpu.memref_squeeze %dma_wait3A_184 : memref<1x2x2048xf32, #tpu.memory_space<hbm>> -> memref<2x2048xf32, #tpu.memory_space<hbm>>
      %dma_wait3A_186 = arith.constant 0 : i32
      %dma_wait3A_187 = tpu.memref_slice %arg2[%dma_wait3A_182, %mul3A_156, %dma_wait3A_186] : memref<4x8192x2048xf32, #tpu.memory_space<hbm>> -> memref<1x2x2048xf32, #tpu.memory_space<hbm>>
      %dma_wait3A_188 = tpu.memref_squeeze %dma_wait3A_187 : memref<1x2x2048xf32, #tpu.memory_space<hbm>> -> memref<2x2048xf32, #tpu.memory_space<hbm>>
      tpu.wait_dma2 semaphore(%arg25 : memref<!tpu.dma_semaphore, #tpu.memory_space<semaphore_mem>>) src(%dma_wait3A_188 : memref<2x2048xf32, #tpu.memory_space<hbm>>) dst(%arg9 : memref<2x2048xf32, #tpu.memory_space<vmem>>)
      %scan3A_189 = arith.constant 0 : i32
      %scan3A_190 = arith.constant 64 : i32
      %scan3A_191 = arith.addi %scan3A_189, %scan3A_190 : i32
      %scan3A_192 = arith.constant 1 : i32
      scf.for %scan3A_500 = %scan3A_189 to %scan3A_191 step %scan3A_192  : i32 {
        %mul3A_501 = arith.constant 4 : i32
        %mul3A_502 = arith.muli %scan3A_500, %mul3A_501 : i32
        %add3A_503 = arith.constant 0 : i32
        %add3A_504 = arith.addi %mul3A_502, %add3A_503 : i32
        %mul3A_505 = arith.constant 16 : i32
        %mul3A_506 = arith.muli %add3A_504, %mul3A_505 : i32
        %jit3A = arith.constant 2048 : i32
        %div3A = arith.divsi %mul3A_506, %jit3A : i32
        %sign3A = arith.constant 0 : i32
        %sign3A_507 = arith.cmpi sgt, %mul3A_506, %sign3A : i32
        %sign3A_508 = arith.extui %sign3A_507 : i1 to i32
        %sign3A_509 = arith.constant 0 : i32
        %sign3A_510 = arith.cmpi slt, %mul3A_506, %sign3A_509 : i32
        %sign3A_511 = arith.extui %sign3A_510 : i1 to i32
        %sign3A_512 = arith.subi %sign3A_508, %sign3A_511 : i32
        %sign3A_513 = arith.constant 0 : i32
        %sign3A_514 = arith.cmpi sgt, %jit3A, %sign3A_513 : i32
        %sign3A_515 = arith.extui %sign3A_514 : i1 to i32
        %sign3A_516 = arith.constant 0 : i32
        %sign3A_517 = arith.cmpi slt, %jit3A, %sign3A_516 : i32
        %sign3A_518 = arith.extui %sign3A_517 : i1 to i32
        %sign3A_519 = arith.subi %sign3A_515, %sign3A_518 : i32
        %ne3A = arith.cmpi ne, %sign3A_512, %sign3A_519 : i32
        %rem3A = arith.remsi %mul3A_506, %jit3A : i32
        %ne3A_520 = arith.constant 0 : i32
        %ne3A_521 = arith.cmpi ne, %rem3A, %ne3A_520 : i32
        %and3A = arith.andi %ne3A, %ne3A_521 : i1
        %sub3A = arith.constant 1 : i32
        %sub3A_522 = arith.subi %div3A, %sub3A : i32
        %select_n3A = arith.select %and3A, %sub3A_522, %div3A : i32
        %jit3A_523 = arith.constant 2048 : i32
        %eq3A = arith.constant 0 : i32
        %eq3A_524 = arith.cmpi eq, %jit3A_523, %eq3A : i32
        %jit3A_525 = arith.constant 1 : i32
        %select_n3A_526 = arith.select %eq3A_524, %jit3A_525, %jit3A_523 : i32
        %rem3A_527 = arith.remsi %mul3A_506, %select_n3A_526 : i32
        %ne3A_528 = arith.constant 0 : i32
        %ne3A_529 = arith.cmpi ne, %rem3A_527, %ne3A_528 : i32
        %lt3A_530 = arith.constant 0 : i32
        %lt3A_531 = arith.cmpi slt, %rem3A_527, %lt3A_530 : i32
        %lt3A_532 = arith.constant 0 : i32
        %lt3A_533 = arith.cmpi slt, %select_n3A_526, %lt3A_532 : i32
        %ne3A_534 = arith.xori %lt3A_531, %lt3A_533 : i1
        %and3A_535 = arith.andi %ne3A_534, %ne3A_529 : i1
        %add3A_536 = arith.addi %rem3A_527, %select_n3A_526 : i32
        %select_n3A_537 = arith.select %and3A_535, %add3A_536, %rem3A_527 : i32
        %get3A = arith.index_cast %select_n3A : i32 to index
        %get3A_538 = arith.index_cast %select_n3A_537 : i32 to index
        %get3A_539 = tpu.vector_load %arg5[%get3A, %get3A_538] {strides = array<i32>} : memref<2x2048xf32, #tpu.memory_space<vmem>>, vector<1x16xf32>,
        %get3A_540 = vector.shape_cast %get3A_539 : vector<1x16xf32> to vector<16xf32>
        %get3A_541 = arith.index_cast %select_n3A : i32 to index
        %get3A_542 = arith.index_cast %select_n3A_537 : i32 to index
        %get3A_543 = tpu.vector_load %arg6[%get3A_541, %get3A_542] {strides = array<i32>} : memref<2x2048xf32, #tpu.memory_space<vmem>>, vector<1x16xf32>,
        %get3A_544 = vector.shape_cast %get3A_543 : vector<1x16xf32> to vector<16xf32>
        %add3A_545 = arith.addf %get3A_544, %get3A_540 : vector<16xf32>
        %swap3A = arith.index_cast %select_n3A : i32 to index
        %swap3A_546 = arith.index_cast %select_n3A_537 : i32 to index
        %swap3A_547 = tpu.vector_load %arg6[%swap3A, %swap3A_546] {strides = array<i32>} : memref<2x2048xf32, #tpu.memory_space<vmem>>, vector<1x16xf32>,
        %swap3A_548 = vector.shape_cast %swap3A_547 : vector<1x16xf32> to vector<16xf32>
        %swap3A_549 = vector.shape_cast %add3A_545 : vector<16xf32> to vector<1x16xf32>
        tpu.vector_store %arg6[%swap3A, %swap3A_546], %swap3A_549 {strides = array<i32>} : memref<2x2048xf32, #tpu.memory_space<vmem>>, vector<1x16xf32>,
        %get3A_550 = arith.index_cast %select_n3A : i32 to index
        %get3A_551 = arith.index_cast %select_n3A_537 : i32 to index
        %get3A_552 = tpu.vector_load %arg7[%get3A_550, %get3A_551] {strides = array<i32>} : memref<2x2048xf32, #tpu.memory_space<vmem>>, vector<1x16xf32>,
        %get3A_553 = vector.shape_cast %get3A_552 : vector<1x16xf32> to vector<16xf32>
        %add3A_554 = arith.addf %get3A_553, %get3A_540 : vector<16xf32>
        %swap3A_555 = arith.index_cast %select_n3A : i32 to index
        %swap3A_556 = arith.index_cast %select_n3A_537 : i32 to index
        %swap3A_557 = tpu.vector_load %arg7[%swap3A_555, %swap3A_556] {strides = array<i32>} : memref<2x2048xf32, #tpu.memory_space<vmem>>, vector<1x16xf32>,
        %swap3A_558 = vector.shape_cast %swap3A_557 : vector<1x16xf32> to vector<16xf32>
        %swap3A_559 = vector.shape_cast %add3A_554 : vector<16xf32> to vector<1x16xf32>
        tpu.vector_store %arg7[%swap3A_555, %swap3A_556], %swap3A_559 {strides = array<i32>} : memref<2x2048xf32, #tpu.memory_space<vmem>>, vector<1x16xf32>,
        %get3A_560 = arith.index_cast %select_n3A : i32 to index
        %get3A_561 = arith.index_cast %select_n3A_537 : i32 to index
        %get3A_562 = tpu.vector_load %arg8[%get3A_560, %get3A_561] {strides = array<i32>} : memref<2x2048xf32, #tpu.memory_space<vmem>>, vector<1x16xf32>,
        %get3A_563 = vector.shape_cast %get3A_562 : vector<1x16xf32> to vector<16xf32>
        %add3A_564 = arith.addf %get3A_563, %get3A_540 : vector<16xf32>
        %swap3A_565 = arith.index_cast %select_n3A : i32 to index
        %swap3A_566 = arith.index_cast %select_n3A_537 : i32 to index
        %swap3A_567 = tpu.vector_load %arg8[%swap3A_565, %swap3A_566] {strides = array<i32>} : memref<2x2048xf32, #tpu.memory_space<vmem>>, vector<1x16xf32>,
        %swap3A_568 = vector.shape_cast %swap3A_567 : vector<1x16xf32> to vector<16xf32>
        %swap3A_569 = vector.shape_cast %add3A_564 : vector<16xf32> to vector<1x16xf32>
        tpu.vector_store %arg8[%swap3A_565, %swap3A_566], %swap3A_569 {strides = array<i32>} : memref<2x2048xf32, #tpu.memory_space<vmem>>, vector<1x16xf32>,
        %get3A_570 = arith.index_cast %select_n3A : i32 to index
        %get3A_571 = arith.index_cast %select_n3A_537 : i32 to index
        %get3A_572 = tpu.vector_load %arg9[%get3A_570, %get3A_571] {strides = array<i32>} : memref<2x2048xf32, #tpu.memory_space<vmem>>, vector<1x16xf32>,
        %get3A_573 = vector.shape_cast %get3A_572 : vector<1x16xf32> to vector<16xf32>
        %add3A_574 = arith.addf %get3A_573, %get3A_540 : vector<16xf32>
        %swap3A_575 = arith.index_cast %select_n3A : i32 to index
        %swap3A_576 = arith.index_cast %select_n3A_537 : i32 to index
        %swap3A_577 = tpu.vector_load %arg9[%swap3A_575, %swap3A_576] {strides = array<i32>} : memref<2x2048xf32, #tpu.memory_space<vmem>>, vector<1x16xf32>,
        %swap3A_578 = vector.shape_cast %swap3A_577 : vector<1x16xf32> to vector<16xf32>
        %swap3A_579 = vector.shape_cast %add3A_574 : vector<16xf32> to vector<1x16xf32>
        tpu.vector_store %arg9[%swap3A_575, %swap3A_576], %swap3A_579 {strides = array<i32>} : memref<2x2048xf32, #tpu.memory_space<vmem>>, vector<1x16xf32>,
        %mul3A_580 = arith.constant 4 : i32
        %mul3A_581 = arith.muli %scan3A_500, %mul3A_580 : i32
        %add3A_582 = arith.constant 1 : i32
        %add3A_583 = arith.addi %mul3A_581, %add3A_582 : i32
        %mul3A_584 = arith.constant 16 : i32
        %mul3A_585 = arith.muli %add3A_583, %mul3A_584 : i32
        %jit3A_586 = arith.constant 2048 : i32
        %div3A_587 = arith.divsi %mul3A_585, %jit3A_586 : i32
        %sign3A_588 = arith.constant 0 : i32
        %sign3A_589 = arith.cmpi sgt, %mul3A_585, %sign3A_588 : i32
        %sign3A_590 = arith.extui %sign3A_589 : i1 to i32
        %sign3A_591 = arith.constant 0 : i32
        %sign3A_592 = arith.cmpi slt, %mul3A_585, %sign3A_591 : i32
        %sign3A_593 = arith.extui %sign3A_592 : i1 to i32
        %sign3A_594 = arith.subi %sign3A_590, %sign3A_593 : i32
        %sign3A_595 = arith.constant 0 : i32
        %sign3A_596 = arith.cmpi sgt, %jit3A_586, %sign3A_595 : i32
        %sign3A_597 = arith.extui %sign3A_596 : i1 to i32
        %sign3A_598 = arith.constant 0 : i32
        %sign3A_599 = arith.cmpi slt, %jit3A_586, %sign3A_598 : i32
        %sign3A_600 = arith.extui %sign3A_599 : i1 to i32
        %sign3A_601 = arith.subi %sign3A_597, %sign3A_600 : i32
        %ne3A_602 = arith.cmpi ne, %sign3A_594, %sign3A_601 : i32
        %rem3A_603 = arith.remsi %mul3A_585, %jit3A_586 : i32
        %ne3A_604 = arith.constant 0 : i32
        %ne3A_605 = arith.cmpi ne, %rem3A_603, %ne3A_604 : i32
        %and3A_606 = arith.andi %ne3A_602, %ne3A_605 : i1
        %sub3A_607 = arith.constant 1 : i32
        %sub3A_608 = arith.subi %div3A_587, %sub3A_607 : i32
        %select_n3A_609 = arith.select %and3A_606, %sub3A_608, %div3A_587 : i32
        %jit3A_610 = arith.constant 2048 : i32
        %eq3A_611 = arith.constant 0 : i32
        %eq3A_612 = arith.cmpi eq, %jit3A_610, %eq3A_611 : i32
        %jit3A_613 = arith.constant 1 : i32
        %select_n3A_614 = arith.select %eq3A_612, %jit3A_613, %jit3A_610 : i32
        %rem3A_615 = arith.remsi %mul3A_585, %select_n3A_614 : i32
        %ne3A_616 = arith.constant 0 : i32
        %ne3A_617 = arith.cmpi ne, %rem3A_615, %ne3A_616 : i32
        %lt3A_618 = arith.constant 0 : i32
        %lt3A_619 = arith.cmpi slt, %rem3A_615, %lt3A_618 : i32
        %lt3A_620 = arith.constant 0 : i32
        %lt3A_621 = arith.cmpi slt, %select_n3A_614, %lt3A_620 : i32
        %ne3A_622 = arith.xori %lt3A_619, %lt3A_621 : i1
        %and3A_623 = arith.andi %ne3A_622, %ne3A_617 : i1
        %add3A_624 = arith.addi %rem3A_615, %select_n3A_614 : i32
        %select_n3A_625 = arith.select %and3A_623, %add3A_624, %rem3A_615 : i32
        %get3A_626 = arith.index_cast %select_n3A_609 : i32 to index
        %get3A_627 = arith.index_cast %select_n3A_625 : i32 to index
        %get3A_628 = tpu.vector_load %arg5[%get3A_626, %get3A_627] {strides = array<i32>} : memref<2x2048xf32, #tpu.memory_space<vmem>>, vector<1x16xf32>,
        %get3A_629 = vector.shape_cast %get3A_628 : vector<1x16xf32> to vector<16xf32>
        %get3A_630 = arith.index_cast %select_n3A_609 : i32 to index
        %get3A_631 = arith.index_cast %select_n3A_625 : i32 to index
        %get3A_632 = tpu.vector_load %arg6[%get3A_630, %get3A_631] {strides = array<i32>} : memref<2x2048xf32, #tpu.memory_space<vmem>>, vector<1x16xf32>,
        %get3A_633 = vector.shape_cast %get3A_632 : vector<1x16xf32> to vector<16xf32>
        %add3A_634 = arith.addf %get3A_633, %get3A_629 : vector<16xf32>
        %swap3A_635 = arith.index_cast %select_n3A_609 : i32 to index
        %swap3A_636 = arith.index_cast %select_n3A_625 : i32 to index
        %swap3A_637 = tpu.vector_load %arg6[%swap3A_635, %swap3A_636] {strides = array<i32>} : memref<2x2048xf32, #tpu.memory_space<vmem>>, vector<1x16xf32>,
        %swap3A_638 = vector.shape_cast %swap3A_637 : vector<1x16xf32> to vector<16xf32>
        %swap3A_639 = vector.shape_cast %add3A_634 : vector<16xf32> to vector<1x16xf32>
        tpu.vector_store %arg6[%swap3A_635, %swap3A_636], %swap3A_639 {strides = array<i32>} : memref<2x2048xf32, #tpu.memory_space<vmem>>, vector<1x16xf32>,
        %get3A_640 = arith.index_cast %select_n3A_609 : i32 to index
        %get3A_641 = arith.index_cast %select_n3A_625 : i32 to index
        %get3A_642 = tpu.vector_load %arg7[%get3A_640, %get3A_641] {strides = array<i32>} : memref<2x2048xf32, #tpu.memory_space<vmem>>, vector<1x16xf32>,
        %get3A_643 = vector.shape_cast %get3A_642 : vector<1x16xf32> to vector<16xf32>
        %add3A_644 = arith.addf %get3A_643, %get3A_629 : vector<16xf32>
        %swap3A_645 = arith.index_cast %select_n3A_609 : i32 to index
        %swap3A_646 = arith.index_cast %select_n3A_625 : i32 to index
        %swap3A_647 = tpu.vector_load %arg7[%swap3A_645, %swap3A_646] {strides = array<i32>} : memref<2x2048xf32, #tpu.memory_space<vmem>>, vector<1x16xf32>,
        %swap3A_648 = vector.shape_cast %swap3A_647 : vector<1x16xf32> to vector<16xf32>
        %swap3A_649 = vector.shape_cast %add3A_644 : vector<16xf32> to vector<1x16xf32>
        tpu.vector_store %arg7[%swap3A_645, %swap3A_646], %swap3A_649 {strides = array<i32>} : memref<2x2048xf32, #tpu.memory_space<vmem>>, vector<1x16xf32>,
        %get3A_650 = arith.index_cast %select_n3A_609 : i32 to index
        %get3A_651 = arith.index_cast %select_n3A_625 : i32 to index
        %get3A_652 = tpu.vector_load %arg8[%get3A_650, %get3A_651] {strides = array<i32>} : memref<2x2048xf32, #tpu.memory_space<vmem>>, vector<1x16xf32>,
        %get3A_653 = vector.shape_cast %get3A_652 : vector<1x16xf32> to vector<16xf32>
        %add3A_654 = arith.addf %get3A_653, %get3A_629 : vector<16xf32>
        %swap3A_655 = arith.index_cast %select_n3A_609 : i32 to index
        %swap3A_656 = arith.index_cast %select_n3A_625 : i32 to index
        %swap3A_657 = tpu.vector_load %arg8[%swap3A_655, %swap3A_656] {strides = array<i32>} : memref<2x2048xf32, #tpu.memory_space<vmem>>, vector<1x16xf32>,
        %swap3A_658 = vector.shape_cast %swap3A_657 : vector<1x16xf32> to vector<16xf32>
        %swap3A_659 = vector.shape_cast %add3A_654 : vector<16xf32> to vector<1x16xf32>
        tpu.vector_store %arg8[%swap3A_655, %swap3A_656], %swap3A_659 {strides = array<i32>} : memref<2x2048xf32, #tpu.memory_space<vmem>>, vector<1x16xf32>,
        %get3A_660 = arith.index_cast %select_n3A_609 : i32 to index
        %get3A_661 = arith.index_cast %select_n3A_625 : i32 to index
        %get3A_662 = tpu.vector_load %arg9[%get3A_660, %get3A_661] {strides = array<i32>} : memref<2x2048xf32, #tpu.memory_space<vmem>>, vector<1x16xf32>,
        %get3A_663 = vector.shape_cast %get3A_662 : vector<1x16xf32> to vector<16xf32>
        %add3A_664 = arith.addf %get3A_663, %get3A_629 : vector<16xf32>
        %swap3A_665 = arith.index_cast %select_n3A_609 : i32 to index
        %swap3A_666 = arith.index_cast %select_n3A_625 : i32 to index
        %swap3A_667 = tpu.vector_load %arg9[%swap3A_665, %swap3A_666] {strides = array<i32>} : memref<2x2048xf32, #tpu.memory_space<vmem>>, vector<1x16xf32>,
        %swap3A_668 = vector.shape_cast %swap3A_667 : vector<1x16xf32> to vector<16xf32>
        %swap3A_669 = vector.shape_cast %add3A_664 : vector<16xf32> to vector<1x16xf32>
        tpu.vector_store %arg9[%swap3A_665, %swap3A_666], %swap3A_669 {strides = array<i32>} : memref<2x2048xf32, #tpu.memory_space<vmem>>, vector<1x16xf32>,
        %mul3A_670 = arith.constant 4 : i32
        %mul3A_671 = arith.muli %scan3A_500, %mul3A_670 : i32
        %add3A_672 = arith.constant 2 : i32
        %add3A_673 = arith.addi %mul3A_671, %add3A_672 : i32
        %mul3A_674 = arith.constant 16 : i32
        %mul3A_675 = arith.muli %add3A_673, %mul3A_674 : i32
        %jit3A_676 = arith.constant 2048 : i32
        %div3A_677 = arith.divsi %mul3A_675, %jit3A_676 : i32
        %sign3A_678 = arith.constant 0 : i32
        %sign3A_679 = arith.cmpi sgt, %mul3A_675, %sign3A_678 : i32
        %sign3A_680 = arith.extui %sign3A_679 : i1 to i32
        %sign3A_681 = arith.constant 0 : i32
        %sign3A_682 = arith.cmpi slt, %mul3A_675, %sign3A_681 : i32
        %sign3A_683 = arith.extui %sign3A_682 : i1 to i32
        %sign3A_684 = arith.subi %sign3A_680, %sign3A_683 : i32
        %sign3A_685 = arith.constant 0 : i32
        %sign3A_686 = arith.cmpi sgt, %jit3A_676, %sign3A_685 : i32
        %sign3A_687 = arith.extui %sign3A_686 : i1 to i32
        %sign3A_688 = arith.constant 0 : i32
        %sign3A_689 = arith.cmpi slt, %jit3A_676, %sign3A_688 : i32
        %sign3A_690 = arith.extui %sign3A_689 : i1 to i32
        %sign3A_691 = arith.subi %sign3A_687, %sign3A_690 : i32
        %ne3A_692 = arith.cmpi ne, %sign3A_684, %sign3A_691 : i32
        %rem3A_693 = arith.remsi %mul3A_675, %jit3A_676 : i32
        %ne3A_694 = arith.constant 0 : i32
        %ne3A_695 = arith.cmpi ne, %rem3A_693, %ne3A_694 : i32
        %and3A_696 = arith.andi %ne3A_692, %ne3A_695 : i1
        %sub3A_697 = arith.constant 1 : i32
        %sub3A_698 = arith.subi %div3A_677, %sub3A_697 : i32
        %select_n3A_699 = arith.select %and3A_696, %sub3A_698, %div3A_677 : i32
        %jit3A_700 = arith.constant 2048 : i32
        %eq3A_701 = arith.constant 0 : i32
        %eq3A_702 = arith.cmpi eq, %jit3A_700, %eq3A_701 : i32
        %jit3A_703 = arith.constant 1 : i32
        %select_n3A_704 = arith.select %eq3A_702, %jit3A_703, %jit3A_700 : i32
        %rem3A_705 = arith.remsi %mul3A_675, %select_n3A_704 : i32
        %ne3A_706 = arith.constant 0 : i32
        %ne3A_707 = arith.cmpi ne, %rem3A_705, %ne3A_706 : i32
        %lt3A_708 = arith.constant 0 : i32
        %lt3A_709 = arith.cmpi slt, %rem3A_705, %lt3A_708 : i32
        %lt3A_710 = arith.constant 0 : i32
        %lt3A_711 = arith.cmpi slt, %select_n3A_704, %lt3A_710 : i32
        %ne3A_712 = arith.xori %lt3A_709, %lt3A_711 : i1
        %and3A_713 = arith.andi %ne3A_712, %ne3A_707 : i1
        %add3A_714 = arith.addi %rem3A_705, %select_n3A_704 : i32
        %select_n3A_715 = arith.select %and3A_713, %add3A_714, %rem3A_705 : i32
        %get3A_716 = arith.index_cast %select_n3A_699 : i32 to index
        %get3A_717 = arith.index_cast %select_n3A_715 : i32 to index
        %get3A_718 = tpu.vector_load %arg5[%get3A_716, %get3A_717] {strides = array<i32>} : memref<2x2048xf32, #tpu.memory_space<vmem>>, vector<1x16xf32>,
        %get3A_719 = vector.shape_cast %get3A_718 : vector<1x16xf32> to vector<16xf32>
        %get3A_720 = arith.index_cast %select_n3A_699 : i32 to index
        %get3A_721 = arith.index_cast %select_n3A_715 : i32 to index
        %get3A_722 = tpu.vector_load %arg6[%get3A_720, %get3A_721] {strides = array<i32>} : memref<2x2048xf32, #tpu.memory_space<vmem>>, vector<1x16xf32>,
        %get3A_723 = vector.shape_cast %get3A_722 : vector<1x16xf32> to vector<16xf32>
        %add3A_724 = arith.addf %get3A_723, %get3A_719 : vector<16xf32>
        %swap3A_725 = arith.index_cast %select_n3A_699 : i32 to index
        %swap3A_726 = arith.index_cast %select_n3A_715 : i32 to index
        %swap3A_727 = tpu.vector_load %arg6[%swap3A_725, %swap3A_726] {strides = array<i32>} : memref<2x2048xf32, #tpu.memory_space<vmem>>, vector<1x16xf32>,
        %swap3A_728 = vector.shape_cast %swap3A_727 : vector<1x16xf32> to vector<16xf32>
        %swap3A_729 = vector.shape_cast %add3A_724 : vector<16xf32> to vector<1x16xf32>
        tpu.vector_store %arg6[%swap3A_725, %swap3A_726], %swap3A_729 {strides = array<i32>} : memref<2x2048xf32, #tpu.memory_space<vmem>>, vector<1x16xf32>,
        %get3A_730 = arith.index_cast %select_n3A_699 : i32 to index
        %get3A_731 = arith.index_cast %select_n3A_715 : i32 to index
        %get3A_732 = tpu.vector_load %arg7[%get3A_730, %get3A_731] {strides = array<i32>} : memref<2x2048xf32, #tpu.memory_space<vmem>>, vector<1x16xf32>,
        %get3A_733 = vector.shape_cast %get3A_732 : vector<1x16xf32> to vector<16xf32>
        %add3A_734 = arith.addf %get3A_733, %get3A_719 : vector<16xf32>
        %swap3A_735 = arith.index_cast %select_n3A_699 : i32 to index
        %swap3A_736 = arith.index_cast %select_n3A_715 : i32 to index
        %swap3A_737 = tpu.vector_load %arg7[%swap3A_735, %swap3A_736] {strides = array<i32>} : memref<2x2048xf32, #tpu.memory_space<vmem>>, vector<1x16xf32>,
        %swap3A_738 = vector.shape_cast %swap3A_737 : vector<1x16xf32> to vector<16xf32>
        %swap3A_739 = vector.shape_cast %add3A_734 : vector<16xf32> to vector<1x16xf32>
        tpu.vector_store %arg7[%swap3A_735, %swap3A_736], %swap3A_739 {strides = array<i32>} : memref<2x2048xf32, #tpu.memory_space<vmem>>, vector<1x16xf32>,
        %get3A_740 = arith.index_cast %select_n3A_699 : i32 to index
        %get3A_741 = arith.index_cast %select_n3A_715 : i32 to index
        %get3A_742 = tpu.vector_load %arg8[%get3A_740, %get3A_741] {strides = array<i32>} : memref<2x2048xf32, #tpu.memory_space<vmem>>, vector<1x16xf32>,
        %get3A_743 = vector.shape_cast %get3A_742 : vector<1x16xf32> to vector<16xf32>
        %add3A_744 = arith.addf %get3A_743, %get3A_719 : vector<16xf32>
        %swap3A_745 = arith.index_cast %select_n3A_699 : i32 to index
        %swap3A_746 = arith.index_cast %select_n3A_715 : i32 to index
        %swap3A_747 = tpu.vector_load %arg8[%swap3A_745, %swap3A_746] {strides = array<i32>} : memref<2x2048xf32, #tpu.memory_space<vmem>>, vector<1x16xf32>,
        %swap3A_748 = vector.shape_cast %swap3A_747 : vector<1x16xf32> to vector<16xf32>
        %swap3A_749 = vector.shape_cast %add3A_744 : vector<16xf32> to vector<1x16xf32>
        tpu.vector_store %arg8[%swap3A_745, %swap3A_746], %swap3A_749 {strides = array<i32>} : memref<2x2048xf32, #tpu.memory_space<vmem>>, vector<1x16xf32>,
        %get3A_750 = arith.index_cast %select_n3A_699 : i32 to index
        %get3A_751 = arith.index_cast %select_n3A_715 : i32 to index
        %get3A_752 = tpu.vector_load %arg9[%get3A_750, %get3A_751] {strides = array<i32>} : memref<2x2048xf32, #tpu.memory_space<vmem>>, vector<1x16xf32>,
        %get3A_753 = vector.shape_cast %get3A_752 : vector<1x16xf32> to vector<16xf32>
        %add3A_754 = arith.addf %get3A_753, %get3A_719 : vector<16xf32>
        %swap3A_755 = arith.index_cast %select_n3A_699 : i32 to index
        %swap3A_756 = arith.index_cast %select_n3A_715 : i32 to index
        %swap3A_757 = tpu.vector_load %arg9[%swap3A_755, %swap3A_756] {strides = array<i32>} : memref<2x2048xf32, #tpu.memory_space<vmem>>, vector<1x16xf32>,
        %swap3A_758 = vector.shape_cast %swap3A_757 : vector<1x16xf32> to vector<16xf32>
        %swap3A_759 = vector.shape_cast %add3A_754 : vector<16xf32> to vector<1x16xf32>
        tpu.vector_store %arg9[%swap3A_755, %swap3A_756], %swap3A_759 {strides = array<i32>} : memref<2x2048xf32, #tpu.memory_space<vmem>>, vector<1x16xf32>,
        %mul3A_760 = arith.constant 4 : i32
        %mul3A_761 = arith.muli %scan3A_500, %mul3A_760 : i32
        %add3A_762 = arith.constant 3 : i32
        %add3A_763 = arith.addi %mul3A_761, %add3A_762 : i32
        %mul3A_764 = arith.constant 16 : i32
        %mul3A_765 = arith.muli %add3A_763, %mul3A_764 : i32
        %jit3A_766 = arith.constant 2048 : i32
        %div3A_767 = arith.divsi %mul3A_765, %jit3A_766 : i32
        %sign3A_768 = arith.constant 0 : i32
        %sign3A_769 = arith.cmpi sgt, %mul3A_765, %sign3A_768 : i32
        %sign3A_770 = arith.extui %sign3A_769 : i1 to i32
        %sign3A_771 = arith.constant 0 : i32
        %sign3A_772 = arith.cmpi slt, %mul3A_765, %sign3A_771 : i32
        %sign3A_773 = arith.extui %sign3A_772 : i1 to i32
        %sign3A_774 = arith.subi %sign3A_770, %sign3A_773 : i32
        %sign3A_775 = arith.constant 0 : i32
        %sign3A_776 = arith.cmpi sgt, %jit3A_766, %sign3A_775 : i32
        %sign3A_777 = arith.extui %sign3A_776 : i1 to i32
        %sign3A_778 = arith.constant 0 : i32
        %sign3A_779 = arith.cmpi slt, %jit3A_766, %sign3A_778 : i32
        %sign3A_780 = arith.extui %sign3A_779 : i1 to i32
        %sign3A_781 = arith.subi %sign3A_777, %sign3A_780 : i32
        %ne3A_782 = arith.cmpi ne, %sign3A_774, %sign3A_781 : i32
        %rem3A_783 = arith.remsi %mul3A_765, %jit3A_766 : i32
        %ne3A_784 = arith.constant 0 : i32
        %ne3A_785 = arith.cmpi ne, %rem3A_783, %ne3A_784 : i32
        %and3A_786 = arith.andi %ne3A_782, %ne3A_785 : i1
        %sub3A_787 = arith.constant 1 : i32
        %sub3A_788 = arith.subi %div3A_767, %sub3A_787 : i32
        %select_n3A_789 = arith.select %and3A_786, %sub3A_788, %div3A_767 : i32
        %jit3A_790 = arith.constant 2048 : i32
        %eq3A_791 = arith.constant 0 : i32
        %eq3A_792 = arith.cmpi eq, %jit3A_790, %eq3A_791 : i32
        %jit3A_793 = arith.constant 1 : i32
        %select_n3A_794 = arith.select %eq3A_792, %jit3A_793, %jit3A_790 : i32
        %rem3A_795 = arith.remsi %mul3A_765, %select_n3A_794 : i32
        %ne3A_796 = arith.constant 0 : i32
        %ne3A_797 = arith.cmpi ne, %rem3A_795, %ne3A_796 : i32
        %lt3A_798 = arith.constant 0 : i32
        %lt3A_799 = arith.cmpi slt, %rem3A_795, %lt3A_798 : i32
        %lt3A_800 = arith.constant 0 : i32
        %lt3A_801 = arith.cmpi slt, %select_n3A_794, %lt3A_800 : i32
        %ne3A_802 = arith.xori %lt3A_799, %lt3A_801 : i1
        %and3A_803 = arith.andi %ne3A_802, %ne3A_797 : i1
        %add3A_804 = arith.addi %rem3A_795, %select_n3A_794 : i32
        %select_n3A_805 = arith.select %and3A_803, %add3A_804, %rem3A_795 : i32
        %get3A_806 = arith.index_cast %select_n3A_789 : i32 to index
        %get3A_807 = arith.index_cast %select_n3A_805 : i32 to index
        %get3A_808 = tpu.vector_load %arg5[%get3A_806, %get3A_807] {strides = array<i32>} : memref<2x2048xf32, #tpu.memory_space<vmem>>, vector<1x16xf32>,
        %get3A_809 = vector.shape_cast %get3A_808 : vector<1x16xf32> to vector<16xf32>
        %get3A_810 = arith.index_cast %select_n3A_789 : i32 to index
        %get3A_811 = arith.index_cast %select_n3A_805 : i32 to index
        %get3A_812 = tpu.vector_load %arg6[%get3A_810, %get3A_811] {strides = array<i32>} : memref<2x2048xf32, #tpu.memory_space<vmem>>, vector<1x16xf32>,
        %get3A_813 = vector.shape_cast %get3A_812 : vector<1x16xf32> to vector<16xf32>
        %add3A_814 = arith.addf %get3A_813, %get3A_809 : vector<16xf32>
        %swap3A_815 = arith.index_cast %select_n3A_789 : i32 to index
        %swap3A_816 = arith.index_cast %select_n3A_805 : i32 to index
        %swap3A_817 = tpu.vector_load %arg6[%swap3A_815, %swap3A_816] {strides = array<i32>} : memref<2x2048xf32, #tpu.memory_space<vmem>>, vector<1x16xf32>,
        %swap3A_818 = vector.shape_cast %swap3A_817 : vector<1x16xf32> to vector<16xf32>
        %swap3A_819 = vector.shape_cast %add3A_814 : vector<16xf32> to vector<1x16xf32>
        tpu.vector_store %arg6[%swap3A_815, %swap3A_816], %swap3A_819 {strides = array<i32>} : memref<2x2048xf32, #tpu.memory_space<vmem>>, vector<1x16xf32>,
        %get3A_820 = arith.index_cast %select_n3A_789 : i32 to index
        %get3A_821 = arith.index_cast %select_n3A_805 : i32 to index
        %get3A_822 = tpu.vector_load %arg7[%get3A_820, %get3A_821] {strides = array<i32>} : memref<2x2048xf32, #tpu.memory_space<vmem>>, vector<1x16xf32>,
        %get3A_823 = vector.shape_cast %get3A_822 : vector<1x16xf32> to vector<16xf32>
        %add3A_824 = arith.addf %get3A_823, %get3A_809 : vector<16xf32>
        %swap3A_825 = arith.index_cast %select_n3A_789 : i32 to index
        %swap3A_826 = arith.index_cast %select_n3A_805 : i32 to index
        %swap3A_827 = tpu.vector_load %arg7[%swap3A_825, %swap3A_826] {strides = array<i32>} : memref<2x2048xf32, #tpu.memory_space<vmem>>, vector<1x16xf32>,
        %swap3A_828 = vector.shape_cast %swap3A_827 : vector<1x16xf32> to vector<16xf32>
        %swap3A_829 = vector.shape_cast %add3A_824 : vector<16xf32> to vector<1x16xf32>
        tpu.vector_store %arg7[%swap3A_825, %swap3A_826], %swap3A_829 {strides = array<i32>} : memref<2x2048xf32, #tpu.memory_space<vmem>>, vector<1x16xf32>,
        %get3A_830 = arith.index_cast %select_n3A_789 : i32 to index
        %get3A_831 = arith.index_cast %select_n3A_805 : i32 to index
        %get3A_832 = tpu.vector_load %arg8[%get3A_830, %get3A_831] {strides = array<i32>} : memref<2x2048xf32, #tpu.memory_space<vmem>>, vector<1x16xf32>,
        %get3A_833 = vector.shape_cast %get3A_832 : vector<1x16xf32> to vector<16xf32>
        %add3A_834 = arith.addf %get3A_833, %get3A_809 : vector<16xf32>
        %swap3A_835 = arith.index_cast %select_n3A_789 : i32 to index
        %swap3A_836 = arith.index_cast %select_n3A_805 : i32 to index
        %swap3A_837 = tpu.vector_load %arg8[%swap3A_835, %swap3A_836] {strides = array<i32>} : memref<2x2048xf32, #tpu.memory_space<vmem>>, vector<1x16xf32>,
        %swap3A_838 = vector.shape_cast %swap3A_837 : vector<1x16xf32> to vector<16xf32>
        %swap3A_839 = vector.shape_cast %add3A_834 : vector<16xf32> to vector<1x16xf32>
        tpu.vector_store %arg8[%swap3A_835, %swap3A_836], %swap3A_839 {strides = array<i32>} : memref<2x2048xf32, #tpu.memory_space<vmem>>, vector<1x16xf32>,
        %get3A_840 = arith.index_cast %select_n3A_789 : i32 to index
        %get3A_841 = arith.index_cast %select_n3A_805 : i32 to index
        %get3A_842 = tpu.vector_load %arg9[%get3A_840, %get3A_841] {strides = array<i32>} : memref<2x2048xf32, #tpu.memory_space<vmem>>, vector<1x16xf32>,
        %get3A_843 = vector.shape_cast %get3A_842 : vector<1x16xf32> to vector<16xf32>
        %add3A_844 = arith.addf %get3A_843, %get3A_809 : vector<16xf32>
        %swap3A_845 = arith.index_cast %select_n3A_789 : i32 to index
        %swap3A_846 = arith.index_cast %select_n3A_805 : i32 to index
        %swap3A_847 = tpu.vector_load %arg9[%swap3A_845, %swap3A_846] {strides = array<i32>} : memref<2x2048xf32, #tpu.memory_space<vmem>>, vector<1x16xf32>,
        %swap3A_848 = vector.shape_cast %swap3A_847 : vector<1x16xf32> to vector<16xf32>
        %swap3A_849 = vector.shape_cast %add3A_844 : vector<16xf32> to vector<1x16xf32>
        tpu.vector_store %arg9[%swap3A_845, %swap3A_846], %swap3A_849 {strides = array<i32>} : memref<2x2048xf32, #tpu.memory_space<vmem>>, vector<1x16xf32>,
      }
      %scan3A_193 = arith.constant 64 : i32
      %mul3A_194 = arith.constant 32 : i32
      %mul3A_195 = arith.muli %add3A_143, %mul3A_194 : i32
      %add3A_196 = arith.addi %mul3A_195, %add3A : i32
      %mul3A_197 = arith.constant 2 : i32
      %mul3A_198 = arith.muli %add3A_196, %mul3A_197 : i32
      %dma_start3A_199 = arith.constant 0 : i32
      %dma_start3A_200 = arith.constant 0 : i32
      %dma_start3A_201 = tpu.memref_slice %arg4[%dma_start3A_199, %mul3A_198, %dma_start3A_200] : memref<4x8192x2048xf32, #tpu.memory_space<hbm>> -> memref<1x2x2048xf32, #tpu.memory_space<hbm>>
      %dma_start3A_202 = tpu.memref_squeeze %dma_start3A_201 : memref<1x2x2048xf32, #tpu.memory_space<hbm>> -> memref<2x2048xf32, #tpu.memory_space<hbm>>
      %dma_start3A_203 = arith.constant 0 : i32
      %dma_start3A_204 = tpu.memref_slice %arg4[%dma_start3A_199, %mul3A_198, %dma_start3A_203] : memref<4x8192x2048xf32, #tpu.memory_space<hbm>> -> memref<1x2x2048xf32, #tpu.memory_space<hbm>>
      %dma_start3A_205 = tpu.memref_squeeze %dma_start3A_204 : memref<1x2x2048xf32, #tpu.memory_space<hbm>> -> memref<2x2048xf32, #tpu.memory_space<hbm>>
      tpu.enqueue_dma source(%arg6 : memref<2x2048xf32, #tpu.memory_space<vmem>>) target(%dma_start3A_205 : memref<2x2048xf32, #tpu.memory_space<hbm>>) target_semaphore(%arg29 : memref<!tpu.dma_semaphore, #tpu.memory_space<semaphore_mem>>)
      %dma_start3A_206 = arith.constant 1 : i32
      %dma_start3A_207 = arith.constant 0 : i32
      %dma_start3A_208 = tpu.memref_slice %arg4[%dma_start3A_206, %mul3A_198, %dma_start3A_207] : memref<4x8192x2048xf32, #tpu.memory_space<hbm>> -> memref<1x2x2048xf32, #tpu.memory_space<hbm>>
      %dma_start3A_209 = tpu.memref_squeeze %dma_start3A_208 : memref<1x2x2048xf32, #tpu.memory_space<hbm>> -> memref<2x2048xf32, #tpu.memory_space<hbm>>
      %dma_start3A_210 = arith.constant 0 : i32
      %dma_start3A_211 = tpu.memref_slice %arg4[%dma_start3A_206, %mul3A_198, %dma_start3A_210] : memref<4x8192x2048xf32, #tpu.memory_space<hbm>> -> memref<1x2x2048xf32, #tpu.memory_space<hbm>>
      %dma_start3A_212 = tpu.memref_squeeze %dma_start3A_211 : memref<1x2x2048xf32, #tpu.memory_space<hbm>> -> memref<2x2048xf32, #tpu.memory_space<hbm>>
      tpu.enqueue_dma source(%arg7 : memref<2x2048xf32, #tpu.memory_space<vmem>>) target(%dma_start3A_212 : memref<2x2048xf32, #tpu.memory_space<hbm>>) target_semaphore(%arg29 : memref<!tpu.dma_semaphore, #tpu.memory_space<semaphore_mem>>)
      %dma_start3A_213 = arith.constant 2 : i32
      %dma_start3A_214 = arith.constant 0 : i32
      %dma_start3A_215 = tpu.memref_slice %arg4[%dma_start3A_213, %mul3A_198, %dma_start3A_214] : memref<4x8192x2048xf32, #tpu.memory_space<hbm>> -> memref<1x2x2048xf32, #tpu.memory_space<hbm>>
      %dma_start3A_216 = tpu.memref_squeeze %dma_start3A_215 : memref<1x2x2048xf32, #tpu.memory_space<hbm>> -> memref<2x2048xf32, #tpu.memory_space<hbm>>
      %dma_start3A_217 = arith.constant 0 : i32
      %dma_start3A_218 = tpu.memref_slice %arg4[%dma_start3A_213, %mul3A_198, %dma_start3A_217] : memref<4x8192x2048xf32, #tpu.memory_space<hbm>> -> memref<1x2x2048xf32, #tpu.memory_space<hbm>>
      %dma_start3A_219 = tpu.memref_squeeze %dma_start3A_218 : memref<1x2x2048xf32, #tpu.memory_space<hbm>> -> memref<2x2048xf32, #tpu.memory_space<hbm>>
      tpu.enqueue_dma source(%arg8 : memref<2x2048xf32, #tpu.memory_space<vmem>>) target(%dma_start3A_219 : memref<2x2048xf32, #tpu.memory_space<hbm>>) target_semaphore(%arg29 : memref<!tpu.dma_semaphore, #tpu.memory_space<semaphore_mem>>)
      %dma_start3A_220 = arith.constant 3 : i32
      %dma_start3A_221 = arith.constant 0 : i32
      %dma_start3A_222 = tpu.memref_slice %arg4[%dma_start3A_220, %mul3A_198, %dma_start3A_221] : memref<4x8192x2048xf32, #tpu.memory_space<hbm>> -> memref<1x2x2048xf32, #tpu.memory_space<hbm>>
      %dma_start3A_223 = tpu.memref_squeeze %dma_start3A_222 : memref<1x2x2048xf32, #tpu.memory_space<hbm>> -> memref<2x2048xf32, #tpu.memory_space<hbm>>
      %dma_start3A_224 = arith.constant 0 : i32
      %dma_start3A_225 = tpu.memref_slice %arg4[%dma_start3A_220, %mul3A_198, %dma_start3A_224] : memref<4x8192x2048xf32, #tpu.memory_space<hbm>> -> memref<1x2x2048xf32, #tpu.memory_space<hbm>>
      %dma_start3A_226 = tpu.memref_squeeze %dma_start3A_225 : memref<1x2x2048xf32, #tpu.memory_space<hbm>> -> memref<2x2048xf32, #tpu.memory_space<hbm>>
      tpu.enqueue_dma source(%arg9 : memref<2x2048xf32, #tpu.memory_space<vmem>>) target(%dma_start3A_226 : memref<2x2048xf32, #tpu.memory_space<hbm>>) target_semaphore(%arg29 : memref<!tpu.dma_semaphore, #tpu.memory_space<semaphore_mem>>)
      %mul3A_227 = arith.constant 4 : i32
      %mul3A_228 = arith.muli %scan3A_139, %mul3A_227 : i32
      %add3A_229 = arith.constant 1 : i32
      %add3A_230 = arith.addi %mul3A_228, %add3A_229 : i32
      %ge3A_231 = arith.constant 2 : i32
      %ge3A_232 = arith.cmpi sge, %add3A_230, %ge3A_231 : i32
      %convert_element_type3A_233 = arith.extui %ge3A_232 : i1 to i32
      %cond3A_234 = arith.constant 0 : i32
      %cond3A_235 = arith.cmpi ne, %convert_element_type3A_233, %cond3A_234 : i32
      scf.if %cond3A_235 {
        %sub3A = arith.constant 2 : i32
        %sub3A_500 = arith.subi %add3A_230, %sub3A : i32
        %mul3A_501 = arith.constant 32 : i32
        %mul3A_502 = arith.muli %sub3A_500, %mul3A_501 : i32
        %add3A_503 = arith.addi %mul3A_502, %add3A : i32
        %mul3A_504 = arith.constant 2 : i32
        %mul3A_505 = arith.muli %add3A_503, %mul3A_504 : i32
        %dma_wait3A_506 = arith.constant 0 : i32
        %dma_wait3A_507 = arith.constant 0 : i32
        %dma_wait3A_508 = tpu.memref_slice %arg4[%dma_wait3A_506, %mul3A_505, %dma_wait3A_507] : memref<4x8192x2048xf32, #tpu.memory_space<hbm>> -> memref<1x2x2048xf32, #tpu.memory_space<hbm>>
        %dma_wait3A_509 = tpu.memref_squeeze %dma_wait3A_508 : memref<1x2x2048xf32, #tpu.memory_space<hbm>> -> memref<2x2048xf32, #tpu.memory_space<hbm>>
        %dma_wait3A_510 = arith.constant 0 : i32
        %dma_wait3A_511 = tpu.memref_slice %arg4[%dma_wait3A_506, %mul3A_505, %dma_wait3A_510] : memref<4x8192x2048xf32, #tpu.memory_space<hbm>> -> memref<1x2x2048xf32, #tpu.memory_space<hbm>>
        %dma_wait3A_512 = tpu.memref_squeeze %dma_wait3A_511 : memref<1x2x2048xf32, #tpu.memory_space<hbm>> -> memref<2x2048xf32, #tpu.memory_space<hbm>>
        tpu.wait_dma2 semaphore(%arg32 : memref<!tpu.dma_semaphore, #tpu.memory_space<semaphore_mem>>) src(%arg21 : memref<2x2048xf32, #tpu.memory_space<vmem>>) dst(%dma_wait3A_512 : memref<2x2048xf32, #tpu.memory_space<hbm>>)
        %dma_wait3A_513 = arith.constant 1 : i32
        %dma_wait3A_514 = arith.constant 0 : i32
        %dma_wait3A_515 = tpu.memref_slice %arg4[%dma_wait3A_513, %mul3A_505, %dma_wait3A_514] : memref<4x8192x2048xf32, #tpu.memory_space<hbm>> -> memref<1x2x2048xf32, #tpu.memory_space<hbm>>
        %dma_wait3A_516 = tpu.memref_squeeze %dma_wait3A_515 : memref<1x2x2048xf32, #tpu.memory_space<hbm>> -> memref<2x2048xf32, #tpu.memory_space<hbm>>
        %dma_wait3A_517 = arith.constant 0 : i32
        %dma_wait3A_518 = tpu.memref_slice %arg4[%dma_wait3A_513, %mul3A_505, %dma_wait3A_517] : memref<4x8192x2048xf32, #tpu.memory_space<hbm>> -> memref<1x2x2048xf32, #tpu.memory_space<hbm>>
        %dma_wait3A_519 = tpu.memref_squeeze %dma_wait3A_518 : memref<1x2x2048xf32, #tpu.memory_space<hbm>> -> memref<2x2048xf32, #tpu.memory_space<hbm>>
        tpu.wait_dma2 semaphore(%arg32 : memref<!tpu.dma_semaphore, #tpu.memory_space<semaphore_mem>>) src(%arg22 : memref<2x2048xf32, #tpu.memory_space<vmem>>) dst(%dma_wait3A_519 : memref<2x2048xf32, #tpu.memory_space<hbm>>)
        %dma_wait3A_520 = arith.constant 2 : i32
        %dma_wait3A_521 = arith.constant 0 : i32
        %dma_wait3A_522 = tpu.memref_slice %arg4[%dma_wait3A_520, %mul3A_505, %dma_wait3A_521] : memref<4x8192x2048xf32, #tpu.memory_space<hbm>> -> memref<1x2x2048xf32, #tpu.memory_space<hbm>>
        %dma_wait3A_523 = tpu.memref_squeeze %dma_wait3A_522 : memref<1x2x2048xf32, #tpu.memory_space<hbm>> -> memref<2x2048xf32, #tpu.memory_space<hbm>>
        %dma_wait3A_524 = arith.constant 0 : i32
        %dma_wait3A_525 = tpu.memref_slice %arg4[%dma_wait3A_520, %mul3A_505, %dma_wait3A_524] : memref<4x8192x2048xf32, #tpu.memory_space<hbm>> -> memref<1x2x2048xf32, #tpu.memory_space<hbm>>
        %dma_wait3A_526 = tpu.memref_squeeze %dma_wait3A_525 : memref<1x2x2048xf32, #tpu.memory_space<hbm>> -> memref<2x2048xf32, #tpu.memory_space<hbm>>
        tpu.wait_dma2 semaphore(%arg32 : memref<!tpu.dma_semaphore, #tpu.memory_space<semaphore_mem>>) src(%arg23 : memref<2x2048xf32, #tpu.memory_space<vmem>>) dst(%dma_wait3A_526 : memref<2x2048xf32, #tpu.memory_space<hbm>>)
        %dma_wait3A_527 = arith.constant 3 : i32
        %dma_wait3A_528 = arith.constant 0 : i32
        %dma_wait3A_529 = tpu.memref_slice %arg4[%dma_wait3A_527, %mul3A_505, %dma_wait3A_528] : memref<4x8192x2048xf32, #tpu.memory_space<hbm>> -> memref<1x2x2048xf32, #tpu.memory_space<hbm>>
        %dma_wait3A_530 = tpu.memref_squeeze %dma_wait3A_529 : memref<1x2x2048xf32, #tpu.memory_space<hbm>> -> memref<2x2048xf32, #tpu.memory_space<hbm>>
        %dma_wait3A_531 = arith.constant 0 : i32
        %dma_wait3A_532 = tpu.memref_slice %arg4[%dma_wait3A_527, %mul3A_505, %dma_wait3A_531] : memref<4x8192x2048xf32, #tpu.memory_space<hbm>> -> memref<1x2x2048xf32, #tpu.memory_space<hbm>>
        %dma_wait3A_533 = tpu.memref_squeeze %dma_wait3A_532 : memref<1x2x2048xf32, #tpu.memory_space<hbm>> -> memref<2x2048xf32, #tpu.memory_space<hbm>>
        tpu.wait_dma2 semaphore(%arg32 : memref<!tpu.dma_semaphore, #tpu.memory_space<semaphore_mem>>) src(%arg24 : memref<2x2048xf32, #tpu.memory_space<vmem>>) dst(%dma_wait3A_533 : memref<2x2048xf32, #tpu.memory_space<hbm>>)
      } else {
      }
      %add3A_236 = arith.constant 2 : i32
      %add3A_237 = arith.addi %add3A_230, %add3A_236 : i32
      %lt3A_238 = arith.constant 128 : i32
      %lt3A_239 = arith.cmpi slt, %add3A_237, %lt3A_238 : i32
      %convert_element_type3A_240 = arith.extui %lt3A_239 : i1 to i32
      %cond3A_241 = arith.constant 0 : i32
      %cond3A_242 = arith.cmpi ne, %convert_element_type3A_240, %cond3A_241 : i32
      scf.if %cond3A_242 {
        %add3A_500 = arith.constant 2 : i32
        %add3A_501 = arith.addi %add3A_230, %add3A_500 : i32
        %mul3A_502 = arith.constant 32 : i32
        %mul3A_503 = arith.muli %add3A_501, %mul3A_502 : i32
        %add3A_504 = arith.addi %mul3A_503, %add3A : i32
        %mul3A_505 = arith.constant 2 : i32
        %mul3A_506 = arith.muli %add3A_504, %mul3A_505 : i32
        %dma_start3A_507 = arith.constant 0 : i32
        %dma_start3A_508 = tpu.memref_slice %arg3[%mul3A_506, %dma_start3A_507] : memref<8192x2048xf32, #tpu.memory_space<hbm>> -> memref<2x2048xf32, #tpu.memory_space<hbm>>
        %dma_start3A_509 = arith.constant 0 : i32
        %dma_start3A_510 = tpu.memref_slice %arg3[%mul3A_506, %dma_start3A_509] : memref<8192x2048xf32, #tpu.memory_space<hbm>> -> memref<2x2048xf32, #tpu.memory_space<hbm>>
        tpu.enqueue_dma source(%dma_start3A_510 : memref<2x2048xf32, #tpu.memory_space<hbm>>) target(%arg20 : memref<2x2048xf32, #tpu.memory_space<vmem>>) target_semaphore(%arg28 : memref<!tpu.dma_semaphore, #tpu.memory_space<semaphore_mem>>)
        %dma_start3A_511 = arith.constant 0 : i32
        %dma_start3A_512 = arith.constant 0 : i32
        %dma_start3A_513 = tpu.memref_slice %arg2[%dma_start3A_511, %mul3A_506, %dma_start3A_512] : memref<4x8192x2048xf32, #tpu.memory_space<hbm>> -> memref<1x2x2048xf32, #tpu.memory_space<hbm>>
        %dma_start3A_514 = tpu.memref_squeeze %dma_start3A_513 : memref<1x2x2048xf32, #tpu.memory_space<hbm>> -> memref<2x2048xf32, #tpu.memory_space<hbm>>
        %dma_start3A_515 = arith.constant 0 : i32
        %dma_start3A_516 = tpu.memref_slice %arg2[%dma_start3A_511, %mul3A_506, %dma_start3A_515] : memref<4x8192x2048xf32, #tpu.memory_space<hbm>> -> memref<1x2x2048xf32, #tpu.memory_space<hbm>>
        %dma_start3A_517 = tpu.memref_squeeze %dma_start3A_516 : memref<1x2x2048xf32, #tpu.memory_space<hbm>> -> memref<2x2048xf32, #tpu.memory_space<hbm>>
        tpu.enqueue_dma source(%dma_start3A_517 : memref<2x2048xf32, #tpu.memory_space<hbm>>) target(%arg21 : memref<2x2048xf32, #tpu.memory_space<vmem>>) target_semaphore(%arg28 : memref<!tpu.dma_semaphore, #tpu.memory_space<semaphore_mem>>)
        %dma_start3A_518 = arith.constant 1 : i32
        %dma_start3A_519 = arith.constant 0 : i32
        %dma_start3A_520 = tpu.memref_slice %arg2[%dma_start3A_518, %mul3A_506, %dma_start3A_519] : memref<4x8192x2048xf32, #tpu.memory_space<hbm>> -> memref<1x2x2048xf32, #tpu.memory_space<hbm>>
        %dma_start3A_521 = tpu.memref_squeeze %dma_start3A_520 : memref<1x2x2048xf32, #tpu.memory_space<hbm>> -> memref<2x2048xf32, #tpu.memory_space<hbm>>
        %dma_start3A_522 = arith.constant 0 : i32
        %dma_start3A_523 = tpu.memref_slice %arg2[%dma_start3A_518, %mul3A_506, %dma_start3A_522] : memref<4x8192x2048xf32, #tpu.memory_space<hbm>> -> memref<1x2x2048xf32, #tpu.memory_space<hbm>>
        %dma_start3A_524 = tpu.memref_squeeze %dma_start3A_523 : memref<1x2x2048xf32, #tpu.memory_space<hbm>> -> memref<2x2048xf32, #tpu.memory_space<hbm>>
        tpu.enqueue_dma source(%dma_start3A_524 : memref<2x2048xf32, #tpu.memory_space<hbm>>) target(%arg22 : memref<2x2048xf32, #tpu.memory_space<vmem>>) target_semaphore(%arg28 : memref<!tpu.dma_semaphore, #tpu.memory_space<semaphore_mem>>)
        %dma_start3A_525 = arith.constant 2 : i32
        %dma_start3A_526 = arith.constant 0 : i32
        %dma_start3A_527 = tpu.memref_slice %arg2[%dma_start3A_525, %mul3A_506, %dma_start3A_526] : memref<4x8192x2048xf32, #tpu.memory_space<hbm>> -> memref<1x2x2048xf32, #tpu.memory_space<hbm>>
        %dma_start3A_528 = tpu.memref_squeeze %dma_start3A_527 : memref<1x2x2048xf32, #tpu.memory_space<hbm>> -> memref<2x2048xf32, #tpu.memory_space<hbm>>
        %dma_start3A_529 = arith.constant 0 : i32
        %dma_start3A_530 = tpu.memref_slice %arg2[%dma_start3A_525, %mul3A_506, %dma_start3A_529] : memref<4x8192x2048xf32, #tpu.memory_space<hbm>> -> memref<1x2x2048xf32, #tpu.memory_space<hbm>>
        %dma_start3A_531 = tpu.memref_squeeze %dma_start3A_530 : memref<1x2x2048xf32, #tpu.memory_space<hbm>> -> memref<2x2048xf32, #tpu.memory_space<hbm>>
        tpu.enqueue_dma source(%dma_start3A_531 : memref<2x2048xf32, #tpu.memory_space<hbm>>) target(%arg23 : memref<2x2048xf32, #tpu.memory_space<vmem>>) target_semaphore(%arg28 : memref<!tpu.dma_semaphore, #tpu.memory_space<semaphore_mem>>)
        %dma_start3A_532 = arith.constant 3 : i32
        %dma_start3A_533 = arith.constant 0 : i32
        %dma_start3A_534 = tpu.memref_slice %arg2[%dma_start3A_532, %mul3A_506, %dma_start3A_533] : memref<4x8192x2048xf32, #tpu.memory_space<hbm>> -> memref<1x2x2048xf32, #tpu.memory_space<hbm>>
        %dma_start3A_535 = tpu.memref_squeeze %dma_start3A_534 : memref<1x2x2048xf32, #tpu.memory_space<hbm>> -> memref<2x2048xf32, #tpu.memory_space<hbm>>
        %dma_start3A_536 = arith.constant 0 : i32
        %dma_start3A_537 = tpu.memref_slice %arg2[%dma_start3A_532, %mul3A_506, %dma_start3A_536] : memref<4x8192x2048xf32, #tpu.memory_space<hbm>> -> memref<1x2x2048xf32, #tpu.memory_space<hbm>>
        %dma_start3A_538 = tpu.memref_squeeze %dma_start3A_537 : memref<1x2x2048xf32, #tpu.memory_space<hbm>> -> memref<2x2048xf32, #tpu.memory_space<hbm>>
        tpu.enqueue_dma source(%dma_start3A_538 : memref<2x2048xf32, #tpu.memory_space<hbm>>) target(%arg24 : memref<2x2048xf32, #tpu.memory_space<vmem>>) target_semaphore(%arg28 : memref<!tpu.dma_semaphore, #tpu.memory_space<semaphore_mem>>)
      } else {
      }
      %mul3A_243 = arith.constant 32 : i32
      %mul3A_244 = arith.muli %add3A_230, %mul3A_243 : i32
      %add3A_245 = arith.addi %mul3A_244, %add3A : i32
      %mul3A_246 = arith.constant 2 : i32
      %mul3A_247 = arith.muli %add3A_245, %mul3A_246 : i32
      %dma_wait3A_248 = arith.constant 0 : i32
      %dma_wait3A_249 = tpu.memref_slice %arg3[%mul3A_247, %dma_wait3A_248] : memref<8192x2048xf32, #tpu.memory_space<hbm>> -> memref<2x2048xf32, #tpu.memory_space<hbm>>
      %dma_wait3A_250 = arith.constant 0 : i32
      %dma_wait3A_251 = tpu.memref_slice %arg3[%mul3A_247, %dma_wait3A_250] : memref<8192x2048xf32, #tpu.memory_space<hbm>> -> memref<2x2048xf32, #tpu.memory_space<hbm>>
      tpu.wait_dma2 semaphore(%arg26 : memref<!tpu.dma_semaphore, #tpu.memory_space<semaphore_mem>>) src(%dma_wait3A_251 : memref<2x2048xf32, #tpu.memory_space<hbm>>) dst(%arg10 : memref<2x2048xf32, #tpu.memory_space<vmem>>)
      %dma_wait3A_252 = arith.constant 0 : i32
      %dma_wait3A_253 = arith.constant 0 : i32
      %dma_wait3A_254 = tpu.memref_slice %arg2[%dma_wait3A_252, %mul3A_247, %dma_wait3A_253] : memref<4x8192x2048xf32, #tpu.memory_space<hbm>> -> memref<1x2x2048xf32, #tpu.memory_space<hbm>>
      %dma_wait3A_255 = tpu.memref_squeeze %dma_wait3A_254 : memref<1x2x2048xf32, #tpu.memory_space<hbm>> -> memref<2x2048xf32, #tpu.memory_space<hbm>>
      %dma_wait3A_256 = arith.constant 0 : i32
      %dma_wait3A_257 = tpu.memref_slice %arg2[%dma_wait3A_252, %mul3A_247, %dma_wait3A_256] : memref<4x8192x2048xf32, #tpu.memory_space<hbm>> -> memref<1x2x2048xf32, #tpu.memory_space<hbm>>
      %dma_wait3A_258 = tpu.memref_squeeze %dma_wait3A_257 : memref<1x2x2048xf32, #tpu.memory_space<hbm>> -> memref<2x2048xf32, #tpu.memory_space<hbm>>
      tpu.wait_dma2 semaphore(%arg26 : memref<!tpu.dma_semaphore, #tpu.memory_space<semaphore_mem>>) src(%dma_wait3A_258 : memref<2x2048xf32, #tpu.memory_space<hbm>>) dst(%arg11 : memref<2x2048xf32, #tpu.memory_space<vmem>>)
      %dma_wait3A_259 = arith.constant 1 : i32
      %dma_wait3A_260 = arith.constant 0 : i32
      %dma_wait3A_261 = tpu.memref_slice %arg2[%dma_wait3A_259, %mul3A_247, %dma_wait3A_260] : memref<4x8192x2048xf32, #tpu.memory_space<hbm>> -> memref<1x2x2048xf32, #tpu.memory_space<hbm>>
      %dma_wait3A_262 = tpu.memref_squeeze %dma_wait3A_261 : memref<1x2x2048xf32, #tpu.memory_space<hbm>> -> memref<2x2048xf32, #tpu.memory_space<hbm>>
      %dma_wait3A_263 = arith.constant 0 : i32
      %dma_wait3A_264 = tpu.memref_slice %arg2[%dma_wait3A_259, %mul3A_247, %dma_wait3A_263] : memref<4x8192x2048xf32, #tpu.memory_space<hbm>> -> memref<1x2x2048xf32, #tpu.memory_space<hbm>>
      %dma_wait3A_265 = tpu.memref_squeeze %dma_wait3A_264 : memref<1x2x2048xf32, #tpu.memory_space<hbm>> -> memref<2x2048xf32, #tpu.memory_space<hbm>>
      tpu.wait_dma2 semaphore(%arg26 : memref<!tpu.dma_semaphore, #tpu.memory_space<semaphore_mem>>) src(%dma_wait3A_265 : memref<2x2048xf32, #tpu.memory_space<hbm>>) dst(%arg12 : memref<2x2048xf32, #tpu.memory_space<vmem>>)
      %dma_wait3A_266 = arith.constant 2 : i32
      %dma_wait3A_267 = arith.constant 0 : i32
      %dma_wait3A_268 = tpu.memref_slice %arg2[%dma_wait3A_266, %mul3A_247, %dma_wait3A_267] : memref<4x8192x2048xf32, #tpu.memory_space<hbm>> -> memref<1x2x2048xf32, #tpu.memory_space<hbm>>
      %dma_wait3A_269 = tpu.memref_squeeze %dma_wait3A_268 : memref<1x2x2048xf32, #tpu.memory_space<hbm>> -> memref<2x2048xf32, #tpu.memory_space<hbm>>
      %dma_wait3A_270 = arith.constant 0 : i32
      %dma_wait3A_271 = tpu.memref_slice %arg2[%dma_wait3A_266, %mul3A_247, %dma_wait3A_270] : memref<4x8192x2048xf32, #tpu.memory_space<hbm>> -> memref<1x2x2048xf32, #tpu.memory_space<hbm>>
      %dma_wait3A_272 = tpu.memref_squeeze %dma_wait3A_271 : memref<1x2x2048xf32, #tpu.memory_space<hbm>> -> memref<2x2048xf32, #tpu.memory_space<hbm>>
      tpu.wait_dma2 semaphore(%arg26 : memref<!tpu.dma_semaphore, #tpu.memory_space<semaphore_mem>>) src(%dma_wait3A_272 : memref<2x2048xf32, #tpu.memory_space<hbm>>) dst(%arg13 : memref<2x2048xf32, #tpu.memory_space<vmem>>)
      %dma_wait3A_273 = arith.constant 3 : i32
      %dma_wait3A_274 = arith.constant 0 : i32
      %dma_wait3A_275 = tpu.memref_slice %arg2[%dma_wait3A_273, %mul3A_247, %dma_wait3A_274] : memref<4x8192x2048xf32, #tpu.memory_space<hbm>> -> memref<1x2x2048xf32, #tpu.memory_space<hbm>>
      %dma_wait3A_276 = tpu.memref_squeeze %dma_wait3A_275 : memref<1x2x2048xf32, #tpu.memory_space<hbm>> -> memref<2x2048xf32, #tpu.memory_space<hbm>>
      %dma_wait3A_277 = arith.constant 0 : i32
      %dma_wait3A_278 = tpu.memref_slice %arg2[%dma_wait3A_273, %mul3A_247, %dma_wait3A_277] : memref<4x8192x2048xf32, #tpu.memory_space<hbm>> -> memref<1x2x2048xf32, #tpu.memory_space<hbm>>
      %dma_wait3A_279 = tpu.memref_squeeze %dma_wait3A_278 : memref<1x2x2048xf32, #tpu.memory_space<hbm>> -> memref<2x2048xf32, #tpu.memory_space<hbm>>
      tpu.wait_dma2 semaphore(%arg26 : memref<!tpu.dma_semaphore, #tpu.memory_space<semaphore_mem>>) src(%dma_wait3A_279 : memref<2x2048xf32, #tpu.memory_space<hbm>>) dst(%arg14 : memref<2x2048xf32, #tpu.memory_space<vmem>>)
      %scan3A_280 = arith.constant 0 : i32
      %scan3A_281 = arith.constant 64 : i32
      %scan3A_282 = arith.addi %scan3A_280, %scan3A_281 : i32
      %scan3A_283 = arith.constant 1 : i32
      scf.for %scan3A_500 = %scan3A_280 to %scan3A_282 step %scan3A_283  : i32 {
        %mul3A_501 = arith.constant 4 : i32
        %mul3A_502 = arith.muli %scan3A_500, %mul3A_501 : i32
        %add3A_503 = arith.constant 0 : i32
        %add3A_504 = arith.addi %mul3A_502, %add3A_503 : i32
        %mul3A_505 = arith.constant 16 : i32
        %mul3A_506 = arith.muli %add3A_504, %mul3A_505 : i32
        %jit3A = arith.constant 2048 : i32
        %div3A = arith.divsi %mul3A_506, %jit3A : i32
        %sign3A = arith.constant 0 : i32
        %sign3A_507 = arith.cmpi sgt, %mul3A_506, %sign3A : i32
        %sign3A_508 = arith.extui %sign3A_507 : i1 to i32
        %sign3A_509 = arith.constant 0 : i32
        %sign3A_510 = arith.cmpi slt, %mul3A_506, %sign3A_509 : i32
        %sign3A_511 = arith.extui %sign3A_510 : i1 to i32
        %sign3A_512 = arith.subi %sign3A_508, %sign3A_511 : i32
        %sign3A_513 = arith.constant 0 : i32
        %sign3A_514 = arith.cmpi sgt, %jit3A, %sign3A_513 : i32
        %sign3A_515 = arith.extui %sign3A_514 : i1 to i32
        %sign3A_516 = arith.constant 0 : i32
        %sign3A_517 = arith.cmpi slt, %jit3A, %sign3A_516 : i32
        %sign3A_518 = arith.extui %sign3A_517 : i1 to i32
        %sign3A_519 = arith.subi %sign3A_515, %sign3A_518 : i32
        %ne3A = arith.cmpi ne, %sign3A_512, %sign3A_519 : i32
        %rem3A = arith.remsi %mul3A_506, %jit3A : i32
        %ne3A_520 = arith.constant 0 : i32
        %ne3A_521 = arith.cmpi ne, %rem3A, %ne3A_520 : i32
        %and3A = arith.andi %ne3A, %ne3A_521 : i1
        %sub3A = arith.constant 1 : i32
        %sub3A_522 = arith.subi %div3A, %sub3A : i32
        %select_n3A = arith.select %and3A, %sub3A_522, %div3A : i32
        %jit3A_523 = arith.constant 2048 : i32
        %eq3A = arith.constant 0 : i32
        %eq3A_524 = arith.cmpi eq, %jit3A_523, %eq3A : i32
        %jit3A_525 = arith.constant 1 : i32
        %select_n3A_526 = arith.select %eq3A_524, %jit3A_525, %jit3A_523 : i32
        %rem3A_527 = arith.remsi %mul3A_506, %select_n3A_526 : i32
        %ne3A_528 = arith.constant 0 : i32
        %ne3A_529 = arith.cmpi ne, %rem3A_527, %ne3A_528 : i32
        %lt3A_530 = arith.constant 0 : i32
        %lt3A_531 = arith.cmpi slt, %rem3A_527, %lt3A_530 : i32
        %lt3A_532 = arith.constant 0 : i32
        %lt3A_533 = arith.cmpi slt, %select_n3A_526, %lt3A_532 : i32
        %ne3A_534 = arith.xori %lt3A_531, %lt3A_533 : i1
        %and3A_535 = arith.andi %ne3A_534, %ne3A_529 : i1
        %add3A_536 = arith.addi %rem3A_527, %select_n3A_526 : i32
        %select_n3A_537 = arith.select %and3A_535, %add3A_536, %rem3A_527 : i32
        %get3A = arith.index_cast %select_n3A : i32 to index
        %get3A_538 = arith.index_cast %select_n3A_537 : i32 to index
        %get3A_539 = tpu.vector_load %arg10[%get3A, %get3A_538] {strides = array<i32>} : memref<2x2048xf32, #tpu.memory_space<vmem>>, vector<1x16xf32>,
        %get3A_540 = vector.shape_cast %get3A_539 : vector<1x16xf32> to vector<16xf32>
        %get3A_541 = arith.index_cast %select_n3A : i32 to index
        %get3A_542 = arith.index_cast %select_n3A_537 : i32 to index
        %get3A_543 = tpu.vector_load %arg11[%get3A_541, %get3A_542] {strides = array<i32>} : memref<2x2048xf32, #tpu.memory_space<vmem>>, vector<1x16xf32>,
        %get3A_544 = vector.shape_cast %get3A_543 : vector<1x16xf32> to vector<16xf32>
        %add3A_545 = arith.addf %get3A_544, %get3A_540 : vector<16xf32>
        %swap3A = arith.index_cast %select_n3A : i32 to index
        %swap3A_546 = arith.index_cast %select_n3A_537 : i32 to index
        %swap3A_547 = tpu.vector_load %arg11[%swap3A, %swap3A_546] {strides = array<i32>} : memref<2x2048xf32, #tpu.memory_space<vmem>>, vector<1x16xf32>,
        %swap3A_548 = vector.shape_cast %swap3A_547 : vector<1x16xf32> to vector<16xf32>
        %swap3A_549 = vector.shape_cast %add3A_545 : vector<16xf32> to vector<1x16xf32>
        tpu.vector_store %arg11[%swap3A, %swap3A_546], %swap3A_549 {strides = array<i32>} : memref<2x2048xf32, #tpu.memory_space<vmem>>, vector<1x16xf32>,
        %get3A_550 = arith.index_cast %select_n3A : i32 to index
        %get3A_551 = arith.index_cast %select_n3A_537 : i32 to index
        %get3A_552 = tpu.vector_load %arg12[%get3A_550, %get3A_551] {strides = array<i32>} : memref<2x2048xf32, #tpu.memory_space<vmem>>, vector<1x16xf32>,
        %get3A_553 = vector.shape_cast %get3A_552 : vector<1x16xf32> to vector<16xf32>
        %add3A_554 = arith.addf %get3A_553, %get3A_540 : vector<16xf32>
        %swap3A_555 = arith.index_cast %select_n3A : i32 to index
        %swap3A_556 = arith.index_cast %select_n3A_537 : i32 to index
        %swap3A_557 = tpu.vector_load %arg12[%swap3A_555, %swap3A_556] {strides = array<i32>} : memref<2x2048xf32, #tpu.memory_space<vmem>>, vector<1x16xf32>,
        %swap3A_558 = vector.shape_cast %swap3A_557 : vector<1x16xf32> to vector<16xf32>
        %swap3A_559 = vector.shape_cast %add3A_554 : vector<16xf32> to vector<1x16xf32>
        tpu.vector_store %arg12[%swap3A_555, %swap3A_556], %swap3A_559 {strides = array<i32>} : memref<2x2048xf32, #tpu.memory_space<vmem>>, vector<1x16xf32>,
        %get3A_560 = arith.index_cast %select_n3A : i32 to index
        %get3A_561 = arith.index_cast %select_n3A_537 : i32 to index
        %get3A_562 = tpu.vector_load %arg13[%get3A_560, %get3A_561] {strides = array<i32>} : memref<2x2048xf32, #tpu.memory_space<vmem>>, vector<1x16xf32>,
        %get3A_563 = vector.shape_cast %get3A_562 : vector<1x16xf32> to vector<16xf32>
        %add3A_564 = arith.addf %get3A_563, %get3A_540 : vector<16xf32>
        %swap3A_565 = arith.index_cast %select_n3A : i32 to index
        %swap3A_566 = arith.index_cast %select_n3A_537 : i32 to index
        %swap3A_567 = tpu.vector_load %arg13[%swap3A_565, %swap3A_566] {strides = array<i32>} : memref<2x2048xf32, #tpu.memory_space<vmem>>, vector<1x16xf32>,
        %swap3A_568 = vector.shape_cast %swap3A_567 : vector<1x16xf32> to vector<16xf32>
        %swap3A_569 = vector.shape_cast %add3A_564 : vector<16xf32> to vector<1x16xf32>
        tpu.vector_store %arg13[%swap3A_565, %swap3A_566], %swap3A_569 {strides = array<i32>} : memref<2x2048xf32, #tpu.memory_space<vmem>>, vector<1x16xf32>,
        %get3A_570 = arith.index_cast %select_n3A : i32 to index
        %get3A_571 = arith.index_cast %select_n3A_537 : i32 to index
        %get3A_572 = tpu.vector_load %arg14[%get3A_570, %get3A_571] {strides = array<i32>} : memref<2x2048xf32, #tpu.memory_space<vmem>>, vector<1x16xf32>,
        %get3A_573 = vector.shape_cast %get3A_572 : vector<1x16xf32> to vector<16xf32>
        %add3A_574 = arith.addf %get3A_573, %get3A_540 : vector<16xf32>
        %swap3A_575 = arith.index_cast %select_n3A : i32 to index
        %swap3A_576 = arith.index_cast %select_n3A_537 : i32 to index
        %swap3A_577 = tpu.vector_load %arg14[%swap3A_575, %swap3A_576] {strides = array<i32>} : memref<2x2048xf32, #tpu.memory_space<vmem>>, vector<1x16xf32>,
        %swap3A_578 = vector.shape_cast %swap3A_577 : vector<1x16xf32> to vector<16xf32>
        %swap3A_579 = vector.shape_cast %add3A_574 : vector<16xf32> to vector<1x16xf32>
        tpu.vector_store %arg14[%swap3A_575, %swap3A_576], %swap3A_579 {strides = array<i32>} : memref<2x2048xf32, #tpu.memory_space<vmem>>, vector<1x16xf32>,
        %mul3A_580 = arith.constant 4 : i32
        %mul3A_581 = arith.muli %scan3A_500, %mul3A_580 : i32
        %add3A_582 = arith.constant 1 : i32
        %add3A_583 = arith.addi %mul3A_581, %add3A_582 : i32
        %mul3A_584 = arith.constant 16 : i32
        %mul3A_585 = arith.muli %add3A_583, %mul3A_584 : i32
        %jit3A_586 = arith.constant 2048 : i32
        %div3A_587 = arith.divsi %mul3A_585, %jit3A_586 : i32
        %sign3A_588 = arith.constant 0 : i32
        %sign3A_589 = arith.cmpi sgt, %mul3A_585, %sign3A_588 : i32
        %sign3A_590 = arith.extui %sign3A_589 : i1 to i32
        %sign3A_591 = arith.constant 0 : i32
        %sign3A_592 = arith.cmpi slt, %mul3A_585, %sign3A_591 : i32
        %sign3A_593 = arith.extui %sign3A_592 : i1 to i32
        %sign3A_594 = arith.subi %sign3A_590, %sign3A_593 : i32
        %sign3A_595 = arith.constant 0 : i32
        %sign3A_596 = arith.cmpi sgt, %jit3A_586, %sign3A_595 : i32
        %sign3A_597 = arith.extui %sign3A_596 : i1 to i32
        %sign3A_598 = arith.constant 0 : i32
        %sign3A_599 = arith.cmpi slt, %jit3A_586, %sign3A_598 : i32
        %sign3A_600 = arith.extui %sign3A_599 : i1 to i32
        %sign3A_601 = arith.subi %sign3A_597, %sign3A_600 : i32
        %ne3A_602 = arith.cmpi ne, %sign3A_594, %sign3A_601 : i32
        %rem3A_603 = arith.remsi %mul3A_585, %jit3A_586 : i32
        %ne3A_604 = arith.constant 0 : i32
        %ne3A_605 = arith.cmpi ne, %rem3A_603, %ne3A_604 : i32
        %and3A_606 = arith.andi %ne3A_602, %ne3A_605 : i1
        %sub3A_607 = arith.constant 1 : i32
        %sub3A_608 = arith.subi %div3A_587, %sub3A_607 : i32
        %select_n3A_609 = arith.select %and3A_606, %sub3A_608, %div3A_587 : i32
        %jit3A_610 = arith.constant 2048 : i32
        %eq3A_611 = arith.constant 0 : i32
        %eq3A_612 = arith.cmpi eq, %jit3A_610, %eq3A_611 : i32
        %jit3A_613 = arith.constant 1 : i32
        %select_n3A_614 = arith.select %eq3A_612, %jit3A_613, %jit3A_610 : i32
        %rem3A_615 = arith.remsi %mul3A_585, %select_n3A_614 : i32
        %ne3A_616 = arith.constant 0 : i32
        %ne3A_617 = arith.cmpi ne, %rem3A_615, %ne3A_616 : i32
        %lt3A_618 = arith.constant 0 : i32
        %lt3A_619 = arith.cmpi slt, %rem3A_615, %lt3A_618 : i32
        %lt3A_620 = arith.constant 0 : i32
        %lt3A_621 = arith.cmpi slt, %select_n3A_614, %lt3A_620 : i32
        %ne3A_622 = arith.xori %lt3A_619, %lt3A_621 : i1
        %and3A_623 = arith.andi %ne3A_622, %ne3A_617 : i1
        %add3A_624 = arith.addi %rem3A_615, %select_n3A_614 : i32
        %select_n3A_625 = arith.select %and3A_623, %add3A_624, %rem3A_615 : i32
        %get3A_626 = arith.index_cast %select_n3A_609 : i32 to index
        %get3A_627 = arith.index_cast %select_n3A_625 : i32 to index
        %get3A_628 = tpu.vector_load %arg10[%get3A_626, %get3A_627] {strides = array<i32>} : memref<2x2048xf32, #tpu.memory_space<vmem>>, vector<1x16xf32>,
        %get3A_629 = vector.shape_cast %get3A_628 : vector<1x16xf32> to vector<16xf32>
        %get3A_630 = arith.index_cast %select_n3A_609 : i32 to index
        %get3A_631 = arith.index_cast %select_n3A_625 : i32 to index
        %get3A_632 = tpu.vector_load %arg11[%get3A_630, %get3A_631] {strides = array<i32>} : memref<2x2048xf32, #tpu.memory_space<vmem>>, vector<1x16xf32>,
        %get3A_633 = vector.shape_cast %get3A_632 : vector<1x16xf32> to vector<16xf32>
        %add3A_634 = arith.addf %get3A_633, %get3A_629 : vector<16xf32>
        %swap3A_635 = arith.index_cast %select_n3A_609 : i32 to index
        %swap3A_636 = arith.index_cast %select_n3A_625 : i32 to index
        %swap3A_637 = tpu.vector_load %arg11[%swap3A_635, %swap3A_636] {strides = array<i32>} : memref<2x2048xf32, #tpu.memory_space<vmem>>, vector<1x16xf32>,
        %swap3A_638 = vector.shape_cast %swap3A_637 : vector<1x16xf32> to vector<16xf32>
        %swap3A_639 = vector.shape_cast %add3A_634 : vector<16xf32> to vector<1x16xf32>
        tpu.vector_store %arg11[%swap3A_635, %swap3A_636], %swap3A_639 {strides = array<i32>} : memref<2x2048xf32, #tpu.memory_space<vmem>>, vector<1x16xf32>,
        %get3A_640 = arith.index_cast %select_n3A_609 : i32 to index
        %get3A_641 = arith.index_cast %select_n3A_625 : i32 to index
        %get3A_642 = tpu.vector_load %arg12[%get3A_640, %get3A_641] {strides = array<i32>} : memref<2x2048xf32, #tpu.memory_space<vmem>>, vector<1x16xf32>,
        %get3A_643 = vector.shape_cast %get3A_642 : vector<1x16xf32> to vector<16xf32>
        %add3A_644 = arith.addf %get3A_643, %get3A_629 : vector<16xf32>
        %swap3A_645 = arith.index_cast %select_n3A_609 : i32 to index
        %swap3A_646 = arith.index_cast %select_n3A_625 : i32 to index
        %swap3A_647 = tpu.vector_load %arg12[%swap3A_645, %swap3A_646] {strides = array<i32>} : memref<2x2048xf32, #tpu.memory_space<vmem>>, vector<1x16xf32>,
        %swap3A_648 = vector.shape_cast %swap3A_647 : vector<1x16xf32> to vector<16xf32>
        %swap3A_649 = vector.shape_cast %add3A_644 : vector<16xf32> to vector<1x16xf32>
        tpu.vector_store %arg12[%swap3A_645, %swap3A_646], %swap3A_649 {strides = array<i32>} : memref<2x2048xf32, #tpu.memory_space<vmem>>, vector<1x16xf32>,
        %get3A_650 = arith.index_cast %select_n3A_609 : i32 to index
        %get3A_651 = arith.index_cast %select_n3A_625 : i32 to index
        %get3A_652 = tpu.vector_load %arg13[%get3A_650, %get3A_651] {strides = array<i32>} : memref<2x2048xf32, #tpu.memory_space<vmem>>, vector<1x16xf32>,
        %get3A_653 = vector.shape_cast %get3A_652 : vector<1x16xf32> to vector<16xf32>
        %add3A_654 = arith.addf %get3A_653, %get3A_629 : vector<16xf32>
        %swap3A_655 = arith.index_cast %select_n3A_609 : i32 to index
        %swap3A_656 = arith.index_cast %select_n3A_625 : i32 to index
        %swap3A_657 = tpu.vector_load %arg13[%swap3A_655, %swap3A_656] {strides = array<i32>} : memref<2x2048xf32, #tpu.memory_space<vmem>>, vector<1x16xf32>,
        %swap3A_658 = vector.shape_cast %swap3A_657 : vector<1x16xf32> to vector<16xf32>
        %swap3A_659 = vector.shape_cast %add3A_654 : vector<16xf32> to vector<1x16xf32>
        tpu.vector_store %arg13[%swap3A_655, %swap3A_656], %swap3A_659 {strides = array<i32>} : memref<2x2048xf32, #tpu.memory_space<vmem>>, vector<1x16xf32>,
        %get3A_660 = arith.index_cast %select_n3A_609 : i32 to index
        %get3A_661 = arith.index_cast %select_n3A_625 : i32 to index
        %get3A_662 = tpu.vector_load %arg14[%get3A_660, %get3A_661] {strides = array<i32>} : memref<2x2048xf32, #tpu.memory_space<vmem>>, vector<1x16xf32>,
        %get3A_663 = vector.shape_cast %get3A_662 : vector<1x16xf32> to vector<16xf32>
        %add3A_664 = arith.addf %get3A_663, %get3A_629 : vector<16xf32>
        %swap3A_665 = arith.index_cast %select_n3A_609 : i32 to index
        %swap3A_666 = arith.index_cast %select_n3A_625 : i32 to index
        %swap3A_667 = tpu.vector_load %arg14[%swap3A_665, %swap3A_666] {strides = array<i32>} : memref<2x2048xf32, #tpu.memory_space<vmem>>, vector<1x16xf32>,
        %swap3A_668 = vector.shape_cast %swap3A_667 : vector<1x16xf32> to vector<16xf32>
        %swap3A_669 = vector.shape_cast %add3A_664 : vector<16xf32> to vector<1x16xf32>
        tpu.vector_store %arg14[%swap3A_665, %swap3A_666], %swap3A_669 {strides = array<i32>} : memref<2x2048xf32, #tpu.memory_space<vmem>>, vector<1x16xf32>,
        %mul3A_670 = arith.constant 4 : i32
        %mul3A_671 = arith.muli %scan3A_500, %mul3A_670 : i32
        %add3A_672 = arith.constant 2 : i32
        %add3A_673 = arith.addi %mul3A_671, %add3A_672 : i32
        %mul3A_674 = arith.constant 16 : i32
        %mul3A_675 = arith.muli %add3A_673, %mul3A_674 : i32
        %jit3A_676 = arith.constant 2048 : i32
        %div3A_677 = arith.divsi %mul3A_675, %jit3A_676 : i32
        %sign3A_678 = arith.constant 0 : i32
        %sign3A_679 = arith.cmpi sgt, %mul3A_675, %sign3A_678 : i32
        %sign3A_680 = arith.extui %sign3A_679 : i1 to i32
        %sign3A_681 = arith.constant 0 : i32
        %sign3A_682 = arith.cmpi slt, %mul3A_675, %sign3A_681 : i32
        %sign3A_683 = arith.extui %sign3A_682 : i1 to i32
        %sign3A_684 = arith.subi %sign3A_680, %sign3A_683 : i32
        %sign3A_685 = arith.constant 0 : i32
        %sign3A_686 = arith.cmpi sgt, %jit3A_676, %sign3A_685 : i32
        %sign3A_687 = arith.extui %sign3A_686 : i1 to i32
        %sign3A_688 = arith.constant 0 : i32
        %sign3A_689 = arith.cmpi slt, %jit3A_676, %sign3A_688 : i32
        %sign3A_690 = arith.extui %sign3A_689 : i1 to i32
        %sign3A_691 = arith.subi %sign3A_687, %sign3A_690 : i32
        %ne3A_692 = arith.cmpi ne, %sign3A_684, %sign3A_691 : i32
        %rem3A_693 = arith.remsi %mul3A_675, %jit3A_676 : i32
        %ne3A_694 = arith.constant 0 : i32
        %ne3A_695 = arith.cmpi ne, %rem3A_693, %ne3A_694 : i32
        %and3A_696 = arith.andi %ne3A_692, %ne3A_695 : i1
        %sub3A_697 = arith.constant 1 : i32
        %sub3A_698 = arith.subi %div3A_677, %sub3A_697 : i32
        %select_n3A_699 = arith.select %and3A_696, %sub3A_698, %div3A_677 : i32
        %jit3A_700 = arith.constant 2048 : i32
        %eq3A_701 = arith.constant 0 : i32
        %eq3A_702 = arith.cmpi eq, %jit3A_700, %eq3A_701 : i32
        %jit3A_703 = arith.constant 1 : i32
        %select_n3A_704 = arith.select %eq3A_702, %jit3A_703, %jit3A_700 : i32
        %rem3A_705 = arith.remsi %mul3A_675, %select_n3A_704 : i32
        %ne3A_706 = arith.constant 0 : i32
        %ne3A_707 = arith.cmpi ne, %rem3A_705, %ne3A_706 : i32
        %lt3A_708 = arith.constant 0 : i32
        %lt3A_709 = arith.cmpi slt, %rem3A_705, %lt3A_708 : i32
        %lt3A_710 = arith.constant 0 : i32
        %lt3A_711 = arith.cmpi slt, %select_n3A_704, %lt3A_710 : i32
        %ne3A_712 = arith.xori %lt3A_709, %lt3A_711 : i1
        %and3A_713 = arith.andi %ne3A_712, %ne3A_707 : i1
        %add3A_714 = arith.addi %rem3A_705, %select_n3A_704 : i32
        %select_n3A_715 = arith.select %and3A_713, %add3A_714, %rem3A_705 : i32
        %get3A_716 = arith.index_cast %select_n3A_699 : i32 to index
        %get3A_717 = arith.index_cast %select_n3A_715 : i32 to index
        %get3A_718 = tpu.vector_load %arg10[%get3A_716, %get3A_717] {strides = array<i32>} : memref<2x2048xf32, #tpu.memory_space<vmem>>, vector<1x16xf32>,
        %get3A_719 = vector.shape_cast %get3A_718 : vector<1x16xf32> to vector<16xf32>
        %get3A_720 = arith.index_cast %select_n3A_699 : i32 to index
        %get3A_721 = arith.index_cast %select_n3A_715 : i32 to index
        %get3A_722 = tpu.vector_load %arg11[%get3A_720, %get3A_721] {strides = array<i32>} : memref<2x2048xf32, #tpu.memory_space<vmem>>, vector<1x16xf32>,
        %get3A_723 = vector.shape_cast %get3A_722 : vector<1x16xf32> to vector<16xf32>
        %add3A_724 = arith.addf %get3A_723, %get3A_719 : vector<16xf32>
        %swap3A_725 = arith.index_cast %select_n3A_699 : i32 to index
        %swap3A_726 = arith.index_cast %select_n3A_715 : i32 to index
        %swap3A_727 = tpu.vector_load %arg11[%swap3A_725, %swap3A_726] {strides = array<i32>} : memref<2x2048xf32, #tpu.memory_space<vmem>>, vector<1x16xf32>,
        %swap3A_728 = vector.shape_cast %swap3A_727 : vector<1x16xf32> to vector<16xf32>
        %swap3A_729 = vector.shape_cast %add3A_724 : vector<16xf32> to vector<1x16xf32>
        tpu.vector_store %arg11[%swap3A_725, %swap3A_726], %swap3A_729 {strides = array<i32>} : memref<2x2048xf32, #tpu.memory_space<vmem>>, vector<1x16xf32>,
        %get3A_730 = arith.index_cast %select_n3A_699 : i32 to index
        %get3A_731 = arith.index_cast %select_n3A_715 : i32 to index
        %get3A_732 = tpu.vector_load %arg12[%get3A_730, %get3A_731] {strides = array<i32>} : memref<2x2048xf32, #tpu.memory_space<vmem>>, vector<1x16xf32>,
        %get3A_733 = vector.shape_cast %get3A_732 : vector<1x16xf32> to vector<16xf32>
        %add3A_734 = arith.addf %get3A_733, %get3A_719 : vector<16xf32>
        %swap3A_735 = arith.index_cast %select_n3A_699 : i32 to index
        %swap3A_736 = arith.index_cast %select_n3A_715 : i32 to index
        %swap3A_737 = tpu.vector_load %arg12[%swap3A_735, %swap3A_736] {strides = array<i32>} : memref<2x2048xf32, #tpu.memory_space<vmem>>, vector<1x16xf32>,
        %swap3A_738 = vector.shape_cast %swap3A_737 : vector<1x16xf32> to vector<16xf32>
        %swap3A_739 = vector.shape_cast %add3A_734 : vector<16xf32> to vector<1x16xf32>
        tpu.vector_store %arg12[%swap3A_735, %swap3A_736], %swap3A_739 {strides = array<i32>} : memref<2x2048xf32, #tpu.memory_space<vmem>>, vector<1x16xf32>,
        %get3A_740 = arith.index_cast %select_n3A_699 : i32 to index
        %get3A_741 = arith.index_cast %select_n3A_715 : i32 to index
        %get3A_742 = tpu.vector_load %arg13[%get3A_740, %get3A_741] {strides = array<i32>} : memref<2x2048xf32, #tpu.memory_space<vmem>>, vector<1x16xf32>,
        %get3A_743 = vector.shape_cast %get3A_742 : vector<1x16xf32> to vector<16xf32>
        %add3A_744 = arith.addf %get3A_743, %get3A_719 : vector<16xf32>
        %swap3A_745 = arith.index_cast %select_n3A_699 : i32 to index
        %swap3A_746 = arith.index_cast %select_n3A_715 : i32 to index
        %swap3A_747 = tpu.vector_load %arg13[%swap3A_745, %swap3A_746] {strides = array<i32>} : memref<2x2048xf32, #tpu.memory_space<vmem>>, vector<1x16xf32>,
        %swap3A_748 = vector.shape_cast %swap3A_747 : vector<1x16xf32> to vector<16xf32>
        %swap3A_749 = vector.shape_cast %add3A_744 : vector<16xf32> to vector<1x16xf32>
        tpu.vector_store %arg13[%swap3A_745, %swap3A_746], %swap3A_749 {strides = array<i32>} : memref<2x2048xf32, #tpu.memory_space<vmem>>, vector<1x16xf32>,
        %get3A_750 = arith.index_cast %select_n3A_699 : i32 to index
        %get3A_751 = arith.index_cast %select_n3A_715 : i32 to index
        %get3A_752 = tpu.vector_load %arg14[%get3A_750, %get3A_751] {strides = array<i32>} : memref<2x2048xf32, #tpu.memory_space<vmem>>, vector<1x16xf32>,
        %get3A_753 = vector.shape_cast %get3A_752 : vector<1x16xf32> to vector<16xf32>
        %add3A_754 = arith.addf %get3A_753, %get3A_719 : vector<16xf32>
        %swap3A_755 = arith.index_cast %select_n3A_699 : i32 to index
        %swap3A_756 = arith.index_cast %select_n3A_715 : i32 to index
        %swap3A_757 = tpu.vector_load %arg14[%swap3A_755, %swap3A_756] {strides = array<i32>} : memref<2x2048xf32, #tpu.memory_space<vmem>>, vector<1x16xf32>,
        %swap3A_758 = vector.shape_cast %swap3A_757 : vector<1x16xf32> to vector<16xf32>
        %swap3A_759 = vector.shape_cast %add3A_754 : vector<16xf32> to vector<1x16xf32>
        tpu.vector_store %arg14[%swap3A_755, %swap3A_756], %swap3A_759 {strides = array<i32>} : memref<2x2048xf32, #tpu.memory_space<vmem>>, vector<1x16xf32>,
        %mul3A_760 = arith.constant 4 : i32
        %mul3A_761 = arith.muli %scan3A_500, %mul3A_760 : i32
        %add3A_762 = arith.constant 3 : i32
        %add3A_763 = arith.addi %mul3A_761, %add3A_762 : i32
        %mul3A_764 = arith.constant 16 : i32
        %mul3A_765 = arith.muli %add3A_763, %mul3A_764 : i32
        %jit3A_766 = arith.constant 2048 : i32
        %div3A_767 = arith.divsi %mul3A_765, %jit3A_766 : i32
        %sign3A_768 = arith.constant 0 : i32
        %sign3A_769 = arith.cmpi sgt, %mul3A_765, %sign3A_768 : i32
        %sign3A_770 = arith.extui %sign3A_769 : i1 to i32
        %sign3A_771 = arith.constant 0 : i32
        %sign3A_772 = arith.cmpi slt, %mul3A_765, %sign3A_771 : i32
        %sign3A_773 = arith.extui %sign3A_772 : i1 to i32
        %sign3A_774 = arith.subi %sign3A_770, %sign3A_773 : i32
        %sign3A_775 = arith.constant 0 : i32
        %sign3A_776 = arith.cmpi sgt, %jit3A_766, %sign3A_775 : i32
        %sign3A_777 = arith.extui %sign3A_776 : i1 to i32
        %sign3A_778 = arith.constant 0 : i32
        %sign3A_779 = arith.cmpi slt, %jit3A_766, %sign3A_778 : i32
        %sign3A_780 = arith.extui %sign3A_779 : i1 to i32
        %sign3A_781 = arith.subi %sign3A_777, %sign3A_780 : i32
        %ne3A_782 = arith.cmpi ne, %sign3A_774, %sign3A_781 : i32
        %rem3A_783 = arith.remsi %mul3A_765, %jit3A_766 : i32
        %ne3A_784 = arith.constant 0 : i32
        %ne3A_785 = arith.cmpi ne, %rem3A_783, %ne3A_784 : i32
        %and3A_786 = arith.andi %ne3A_782, %ne3A_785 : i1
        %sub3A_787 = arith.constant 1 : i32
        %sub3A_788 = arith.subi %div3A_767, %sub3A_787 : i32
        %select_n3A_789 = arith.select %and3A_786, %sub3A_788, %div3A_767 : i32
        %jit3A_790 = arith.constant 2048 : i32
        %eq3A_791 = arith.constant 0 : i32
        %eq3A_792 = arith.cmpi eq, %jit3A_790, %eq3A_791 : i32
        %jit3A_793 = arith.constant 1 : i32
        %select_n3A_794 = arith.select %eq3A_792, %jit3A_793, %jit3A_790 : i32
        %rem3A_795 = arith.remsi %mul3A_765, %select_n3A_794 : i32
        %ne3A_796 = arith.constant 0 : i32
        %ne3A_797 = arith.cmpi ne, %rem3A_795, %ne3A_796 : i32
        %lt3A_798 = arith.constant 0 : i32
        %lt3A_799 = arith.cmpi slt, %rem3A_795, %lt3A_798 : i32
        %lt3A_800 = arith.constant 0 : i32
        %lt3A_801 = arith.cmpi slt, %select_n3A_794, %lt3A_800 : i32
        %ne3A_802 = arith.xori %lt3A_799, %lt3A_801 : i1
        %and3A_803 = arith.andi %ne3A_802, %ne3A_797 : i1
        %add3A_804 = arith.addi %rem3A_795, %select_n3A_794 : i32
        %select_n3A_805 = arith.select %and3A_803, %add3A_804, %rem3A_795 : i32
        %get3A_806 = arith.index_cast %select_n3A_789 : i32 to index
        %get3A_807 = arith.index_cast %select_n3A_805 : i32 to index
        %get3A_808 = tpu.vector_load %arg10[%get3A_806, %get3A_807] {strides = array<i32>} : memref<2x2048xf32, #tpu.memory_space<vmem>>, vector<1x16xf32>,
        %get3A_809 = vector.shape_cast %get3A_808 : vector<1x16xf32> to vector<16xf32>
        %get3A_810 = arith.index_cast %select_n3A_789 : i32 to index
        %get3A_811 = arith.index_cast %select_n3A_805 : i32 to index
        %get3A_812 = tpu.vector_load %arg11[%get3A_810, %get3A_811] {strides = array<i32>} : memref<2x2048xf32, #tpu.memory_space<vmem>>, vector<1x16xf32>,
        %get3A_813 = vector.shape_cast %get3A_812 : vector<1x16xf32> to vector<16xf32>
        %add3A_814 = arith.addf %get3A_813, %get3A_809 : vector<16xf32>
        %swap3A_815 = arith.index_cast %select_n3A_789 : i32 to index
        %swap3A_816 = arith.index_cast %select_n3A_805 : i32 to index
        %swap3A_817 = tpu.vector_load %arg11[%swap3A_815, %swap3A_816] {strides = array<i32>} : memref<2x2048xf32, #tpu.memory_space<vmem>>, vector<1x16xf32>,
        %swap3A_818 = vector.shape_cast %swap3A_817 : vector<1x16xf32> to vector<16xf32>
        %swap3A_819 = vector.shape_cast %add3A_814 : vector<16xf32> to vector<1x16xf32>
        tpu.vector_store %arg11[%swap3A_815, %swap3A_816], %swap3A_819 {strides = array<i32>} : memref<2x2048xf32, #tpu.memory_space<vmem>>, vector<1x16xf32>,
        %get3A_820 = arith.index_cast %select_n3A_789 : i32 to index
        %get3A_821 = arith.index_cast %select_n3A_805 : i32 to index
        %get3A_822 = tpu.vector_load %arg12[%get3A_820, %get3A_821] {strides = array<i32>} : memref<2x2048xf32, #tpu.memory_space<vmem>>, vector<1x16xf32>,
        %get3A_823 = vector.shape_cast %get3A_822 : vector<1x16xf32> to vector<16xf32>
        %add3A_824 = arith.addf %get3A_823, %get3A_809 : vector<16xf32>
        %swap3A_825 = arith.index_cast %select_n3A_789 : i32 to index
        %swap3A_826 = arith.index_cast %select_n3A_805 : i32 to index
        %swap3A_827 = tpu.vector_load %arg12[%swap3A_825, %swap3A_826] {strides = array<i32>} : memref<2x2048xf32, #tpu.memory_space<vmem>>, vector<1x16xf32>,
        %swap3A_828 = vector.shape_cast %swap3A_827 : vector<1x16xf32> to vector<16xf32>
        %swap3A_829 = vector.shape_cast %add3A_824 : vector<16xf32> to vector<1x16xf32>
        tpu.vector_store %arg12[%swap3A_825, %swap3A_826], %swap3A_829 {strides = array<i32>} : memref<2x2048xf32, #tpu.memory_space<vmem>>, vector<1x16xf32>,
        %get3A_830 = arith.index_cast %select_n3A_789 : i32 to index
        %get3A_831 = arith.index_cast %select_n3A_805 : i32 to index
        %get3A_832 = tpu.vector_load %arg13[%get3A_830, %get3A_831] {strides = array<i32>} : memref<2x2048xf32, #tpu.memory_space<vmem>>, vector<1x16xf32>,
        %get3A_833 = vector.shape_cast %get3A_832 : vector<1x16xf32> to vector<16xf32>
        %add3A_834 = arith.addf %get3A_833, %get3A_809 : vector<16xf32>
        %swap3A_835 = arith.index_cast %select_n3A_789 : i32 to index
        %swap3A_836 = arith.index_cast %select_n3A_805 : i32 to index
        %swap3A_837 = tpu.vector_load %arg13[%swap3A_835, %swap3A_836] {strides = array<i32>} : memref<2x2048xf32, #tpu.memory_space<vmem>>, vector<1x16xf32>,
        %swap3A_838 = vector.shape_cast %swap3A_837 : vector<1x16xf32> to vector<16xf32>
        %swap3A_839 = vector.shape_cast %add3A_834 : vector<16xf32> to vector<1x16xf32>
        tpu.vector_store %arg13[%swap3A_835, %swap3A_836], %swap3A_839 {strides = array<i32>} : memref<2x2048xf32, #tpu.memory_space<vmem>>, vector<1x16xf32>,
        %get3A_840 = arith.index_cast %select_n3A_789 : i32 to index
        %get3A_841 = arith.index_cast %select_n3A_805 : i32 to index
        %get3A_842 = tpu.vector_load %arg14[%get3A_840, %get3A_841] {strides = array<i32>} : memref<2x2048xf32, #tpu.memory_space<vmem>>, vector<1x16xf32>,
        %get3A_843 = vector.shape_cast %get3A_842 : vector<1x16xf32> to vector<16xf32>
        %add3A_844 = arith.addf %get3A_843, %get3A_809 : vector<16xf32>
        %swap3A_845 = arith.index_cast %select_n3A_789 : i32 to index
        %swap3A_846 = arith.index_cast %select_n3A_805 : i32 to index
        %swap3A_847 = tpu.vector_load %arg14[%swap3A_845, %swap3A_846] {strides = array<i32>} : memref<2x2048xf32, #tpu.memory_space<vmem>>, vector<1x16xf32>,
        %swap3A_848 = vector.shape_cast %swap3A_847 : vector<1x16xf32> to vector<16xf32>
        %swap3A_849 = vector.shape_cast %add3A_844 : vector<16xf32> to vector<1x16xf32>
        tpu.vector_store %arg14[%swap3A_845, %swap3A_846], %swap3A_849 {strides = array<i32>} : memref<2x2048xf32, #tpu.memory_space<vmem>>, vector<1x16xf32>,
      }
      %scan3A_284 = arith.constant 64 : i32
      %mul3A_285 = arith.constant 32 : i32
      %mul3A_286 = arith.muli %add3A_230, %mul3A_285 : i32
      %add3A_287 = arith.addi %mul3A_286, %add3A : i32
      %mul3A_288 = arith.constant 2 : i32
      %mul3A_289 = arith.muli %add3A_287, %mul3A_288 : i32
      %dma_start3A_290 = arith.constant 0 : i32
      %dma_start3A_291 = arith.constant 0 : i32
      %dma_start3A_292 = tpu.memref_slice %arg4[%dma_start3A_290, %mul3A_289, %dma_start3A_291] : memref<4x8192x2048xf32, #tpu.memory_space<hbm>> -> memref<1x2x2048xf32, #tpu.memory_space<hbm>>
      %dma_start3A_293 = tpu.memref_squeeze %dma_start3A_292 : memref<1x2x2048xf32, #tpu.memory_space<hbm>> -> memref<2x2048xf32, #tpu.memory_space<hbm>>
      %dma_start3A_294 = arith.constant 0 : i32
      %dma_start3A_295 = tpu.memref_slice %arg4[%dma_start3A_290, %mul3A_289, %dma_start3A_294] : memref<4x8192x2048xf32, #tpu.memory_space<hbm>> -> memref<1x2x2048xf32, #tpu.memory_space<hbm>>
      %dma_start3A_296 = tpu.memref_squeeze %dma_start3A_295 : memref<1x2x2048xf32, #tpu.memory_space<hbm>> -> memref<2x2048xf32, #tpu.memory_space<hbm>>
      tpu.enqueue_dma source(%arg11 : memref<2x2048xf32, #tpu.memory_space<vmem>>) target(%dma_start3A_296 : memref<2x2048xf32, #tpu.memory_space<hbm>>) target_semaphore(%arg30 : memref<!tpu.dma_semaphore, #tpu.memory_space<semaphore_mem>>)
      %dma_start3A_297 = arith.constant 1 : i32
      %dma_start3A_298 = arith.constant 0 : i32
      %dma_start3A_299 = tpu.memref_slice %arg4[%dma_start3A_297, %mul3A_289, %dma_start3A_298] : memref<4x8192x2048xf32, #tpu.memory_space<hbm>> -> memref<1x2x2048xf32, #tpu.memory_space<hbm>>
      %dma_start3A_300 = tpu.memref_squeeze %dma_start3A_299 : memref<1x2x2048xf32, #tpu.memory_space<hbm>> -> memref<2x2048xf32, #tpu.memory_space<hbm>>
      %dma_start3A_301 = arith.constant 0 : i32
      %dma_start3A_302 = tpu.memref_slice %arg4[%dma_start3A_297, %mul3A_289, %dma_start3A_301] : memref<4x8192x2048xf32, #tpu.memory_space<hbm>> -> memref<1x2x2048xf32, #tpu.memory_space<hbm>>
      %dma_start3A_303 = tpu.memref_squeeze %dma_start3A_302 : memref<1x2x2048xf32, #tpu.memory_space<hbm>> -> memref<2x2048xf32, #tpu.memory_space<hbm>>
      tpu.enqueue_dma source(%arg12 : memref<2x2048xf32, #tpu.memory_space<vmem>>) target(%dma_start3A_303 : memref<2x2048xf32, #tpu.memory_space<hbm>>) target_semaphore(%arg30 : memref<!tpu.dma_semaphore, #tpu.memory_space<semaphore_mem>>)
      %dma_start3A_304 = arith.constant 2 : i32
      %dma_start3A_305 = arith.constant 0 : i32
      %dma_start3A_306 = tpu.memref_slice %arg4[%dma_start3A_304, %mul3A_289, %dma_start3A_305] : memref<4x8192x2048xf32, #tpu.memory_space<hbm>> -> memref<1x2x2048xf32, #tpu.memory_space<hbm>>
      %dma_start3A_307 = tpu.memref_squeeze %dma_start3A_306 : memref<1x2x2048xf32, #tpu.memory_space<hbm>> -> memref<2x2048xf32, #tpu.memory_space<hbm>>
      %dma_start3A_308 = arith.constant 0 : i32
      %dma_start3A_309 = tpu.memref_slice %arg4[%dma_start3A_304, %mul3A_289, %dma_start3A_308] : memref<4x8192x2048xf32, #tpu.memory_space<hbm>> -> memref<1x2x2048xf32, #tpu.memory_space<hbm>>
      %dma_start3A_310 = tpu.memref_squeeze %dma_start3A_309 : memref<1x2x2048xf32, #tpu.memory_space<hbm>> -> memref<2x2048xf32, #tpu.memory_space<hbm>>
      tpu.enqueue_dma source(%arg13 : memref<2x2048xf32, #tpu.memory_space<vmem>>) target(%dma_start3A_310 : memref<2x2048xf32, #tpu.memory_space<hbm>>) target_semaphore(%arg30 : memref<!tpu.dma_semaphore, #tpu.memory_space<semaphore_mem>>)
      %dma_start3A_311 = arith.constant 3 : i32
      %dma_start3A_312 = arith.constant 0 : i32
      %dma_start3A_313 = tpu.memref_slice %arg4[%dma_start3A_311, %mul3A_289, %dma_start3A_312] : memref<4x8192x2048xf32, #tpu.memory_space<hbm>> -> memref<1x2x2048xf32, #tpu.memory_space<hbm>>
      %dma_start3A_314 = tpu.memref_squeeze %dma_start3A_313 : memref<1x2x2048xf32, #tpu.memory_space<hbm>> -> memref<2x2048xf32, #tpu.memory_space<hbm>>
      %dma_start3A_315 = arith.constant 0 : i32
      %dma_start3A_316 = tpu.memref_slice %arg4[%dma_start3A_311, %mul3A_289, %dma_start3A_315] : memref<4x8192x2048xf32, #tpu.memory_space<hbm>> -> memref<1x2x2048xf32, #tpu.memory_space<hbm>>
      %dma_start3A_317 = tpu.memref_squeeze %dma_start3A_316 : memref<1x2x2048xf32, #tpu.memory_space<hbm>> -> memref<2x2048xf32, #tpu.memory_space<hbm>>
      tpu.enqueue_dma source(%arg14 : memref<2x2048xf32, #tpu.memory_space<vmem>>) target(%dma_start3A_317 : memref<2x2048xf32, #tpu.memory_space<hbm>>) target_semaphore(%arg30 : memref<!tpu.dma_semaphore, #tpu.memory_space<semaphore_mem>>)
      %mul3A_318 = arith.constant 4 : i32
      %mul3A_319 = arith.muli %scan3A_139, %mul3A_318 : i32
      %add3A_320 = arith.constant 2 : i32
      %add3A_321 = arith.addi %mul3A_319, %add3A_320 : i32
      %ge3A_322 = arith.constant 2 : i32
      %ge3A_323 = arith.cmpi sge, %add3A_321, %ge3A_322 : i32
      %convert_element_type3A_324 = arith.extui %ge3A_323 : i1 to i32
      %cond3A_325 = arith.constant 0 : i32
      %cond3A_326 = arith.cmpi ne, %convert_element_type3A_324, %cond3A_325 : i32
      scf.if %cond3A_326 {
        %sub3A = arith.constant 2 : i32
        %sub3A_500 = arith.subi %add3A_321, %sub3A : i32
        %mul3A_501 = arith.constant 32 : i32
        %mul3A_502 = arith.muli %sub3A_500, %mul3A_501 : i32
        %add3A_503 = arith.addi %mul3A_502, %add3A : i32
        %mul3A_504 = arith.constant 2 : i32
        %mul3A_505 = arith.muli %add3A_503, %mul3A_504 : i32
        %dma_wait3A_506 = arith.constant 0 : i32
        %dma_wait3A_507 = arith.constant 0 : i32
        %dma_wait3A_508 = tpu.memref_slice %arg4[%dma_wait3A_506, %mul3A_505, %dma_wait3A_507] : memref<4x8192x2048xf32, #tpu.memory_space<hbm>> -> memref<1x2x2048xf32, #tpu.memory_space<hbm>>
        %dma_wait3A_509 = tpu.memref_squeeze %dma_wait3A_508 : memref<1x2x2048xf32, #tpu.memory_space<hbm>> -> memref<2x2048xf32, #tpu.memory_space<hbm>>
        %dma_wait3A_510 = arith.constant 0 : i32
        %dma_wait3A_511 = tpu.memref_slice %arg4[%dma_wait3A_506, %mul3A_505, %dma_wait3A_510] : memref<4x8192x2048xf32, #tpu.memory_space<hbm>> -> memref<1x2x2048xf32, #tpu.memory_space<hbm>>
        %dma_wait3A_512 = tpu.memref_squeeze %dma_wait3A_511 : memref<1x2x2048xf32, #tpu.memory_space<hbm>> -> memref<2x2048xf32, #tpu.memory_space<hbm>>
        tpu.wait_dma2 semaphore(%arg29 : memref<!tpu.dma_semaphore, #tpu.memory_space<semaphore_mem>>) src(%arg6 : memref<2x2048xf32, #tpu.memory_space<vmem>>) dst(%dma_wait3A_512 : memref<2x2048xf32, #tpu.memory_space<hbm>>)
        %dma_wait3A_513 = arith.constant 1 : i32
        %dma_wait3A_514 = arith.constant 0 : i32
        %dma_wait3A_515 = tpu.memref_slice %arg4[%dma_wait3A_513, %mul3A_505, %dma_wait3A_514] : memref<4x8192x2048xf32, #tpu.memory_space<hbm>> -> memref<1x2x2048xf32, #tpu.memory_space<hbm>>
        %dma_wait3A_516 = tpu.memref_squeeze %dma_wait3A_515 : memref<1x2x2048xf32, #tpu.memory_space<hbm>> -> memref<2x2048xf32, #tpu.memory_space<hbm>>
        %dma_wait3A_517 = arith.constant 0 : i32
        %dma_wait3A_518 = tpu.memref_slice %arg4[%dma_wait3A_513, %mul3A_505, %dma_wait3A_517] : memref<4x8192x2048xf32, #tpu.memory_space<hbm>> -> memref<1x2x2048xf32, #tpu.memory_space<hbm>>
        %dma_wait3A_519 = tpu.memref_squeeze %dma_wait3A_518 : memref<1x2x2048xf32, #tpu.memory_space<hbm>> -> memref<2x2048xf32, #tpu.memory_space<hbm>>
        tpu.wait_dma2 semaphore(%arg29 : memref<!tpu.dma_semaphore, #tpu.memory_space<semaphore_mem>>) src(%arg7 : memref<2x2048xf32, #tpu.memory_space<vmem>>) dst(%dma_wait3A_519 : memref<2x2048xf32, #tpu.memory_space<hbm>>)
        %dma_wait3A_520 = arith.constant 2 : i32
        %dma_wait3A_521 = arith.constant 0 : i32
        %dma_wait3A_522 = tpu.memref_slice %arg4[%dma_wait3A_520, %mul3A_505, %dma_wait3A_521] : memref<4x8192x2048xf32, #tpu.memory_space<hbm>> -> memref<1x2x2048xf32, #tpu.memory_space<hbm>>
        %dma_wait3A_523 = tpu.memref_squeeze %dma_wait3A_522 : memref<1x2x2048xf32, #tpu.memory_space<hbm>> -> memref<2x2048xf32, #tpu.memory_space<hbm>>
        %dma_wait3A_524 = arith.constant 0 : i32
        %dma_wait3A_525 = tpu.memref_slice %arg4[%dma_wait3A_520, %mul3A_505, %dma_wait3A_524] : memref<4x8192x2048xf32, #tpu.memory_space<hbm>> -> memref<1x2x2048xf32, #tpu.memory_space<hbm>>
        %dma_wait3A_526 = tpu.memref_squeeze %dma_wait3A_525 : memref<1x2x2048xf32, #tpu.memory_space<hbm>> -> memref<2x2048xf32, #tpu.memory_space<hbm>>
        tpu.wait_dma2 semaphore(%arg29 : memref<!tpu.dma_semaphore, #tpu.memory_space<semaphore_mem>>) src(%arg8 : memref<2x2048xf32, #tpu.memory_space<vmem>>) dst(%dma_wait3A_526 : memref<2x2048xf32, #tpu.memory_space<hbm>>)
        %dma_wait3A_527 = arith.constant 3 : i32
        %dma_wait3A_528 = arith.constant 0 : i32
        %dma_wait3A_529 = tpu.memref_slice %arg4[%dma_wait3A_527, %mul3A_505, %dma_wait3A_528] : memref<4x8192x2048xf32, #tpu.memory_space<hbm>> -> memref<1x2x2048xf32, #tpu.memory_space<hbm>>
        %dma_wait3A_530 = tpu.memref_squeeze %dma_wait3A_529 : memref<1x2x2048xf32, #tpu.memory_space<hbm>> -> memref<2x2048xf32, #tpu.memory_space<hbm>>
        %dma_wait3A_531 = arith.constant 0 : i32
        %dma_wait3A_532 = tpu.memref_slice %arg4[%dma_wait3A_527, %mul3A_505, %dma_wait3A_531] : memref<4x8192x2048xf32, #tpu.memory_space<hbm>> -> memref<1x2x2048xf32, #tpu.memory_space<hbm>>
        %dma_wait3A_533 = tpu.memref_squeeze %dma_wait3A_532 : memref<1x2x2048xf32, #tpu.memory_space<hbm>> -> memref<2x2048xf32, #tpu.memory_space<hbm>>
        tpu.wait_dma2 semaphore(%arg29 : memref<!tpu.dma_semaphore, #tpu.memory_space<semaphore_mem>>) src(%arg9 : memref<2x2048xf32, #tpu.memory_space<vmem>>) dst(%dma_wait3A_533 : memref<2x2048xf32, #tpu.memory_space<hbm>>)
      } else {
      }
      %add3A_327 = arith.constant 2 : i32
      %add3A_328 = arith.addi %add3A_321, %add3A_327 : i32
      %lt3A_329 = arith.constant 128 : i32
      %lt3A_330 = arith.cmpi slt, %add3A_328, %lt3A_329 : i32
      %convert_element_type3A_331 = arith.extui %lt3A_330 : i1 to i32
      %cond3A_332 = arith.constant 0 : i32
      %cond3A_333 = arith.cmpi ne, %convert_element_type3A_331, %cond3A_332 : i32
      scf.if %cond3A_333 {
        %add3A_500 = arith.constant 2 : i32
        %add3A_501 = arith.addi %add3A_321, %add3A_500 : i32
        %mul3A_502 = arith.constant 32 : i32
        %mul3A_503 = arith.muli %add3A_501, %mul3A_502 : i32
        %add3A_504 = arith.addi %mul3A_503, %add3A : i32
        %mul3A_505 = arith.constant 2 : i32
        %mul3A_506 = arith.muli %add3A_504, %mul3A_505 : i32
        %dma_start3A_507 = arith.constant 0 : i32
        %dma_start3A_508 = tpu.memref_slice %arg3[%mul3A_506, %dma_start3A_507] : memref<8192x2048xf32, #tpu.memory_space<hbm>> -> memref<2x2048xf32, #tpu.memory_space<hbm>>
        %dma_start3A_509 = arith.constant 0 : i32
        %dma_start3A_510 = tpu.memref_slice %arg3[%mul3A_506, %dma_start3A_509] : memref<8192x2048xf32, #tpu.memory_space<hbm>> -> memref<2x2048xf32, #tpu.memory_space<hbm>>
        tpu.enqueue_dma source(%dma_start3A_510 : memref<2x2048xf32, #tpu.memory_space<hbm>>) target(%arg5 : memref<2x2048xf32, #tpu.memory_space<vmem>>) target_semaphore(%arg25 : memref<!tpu.dma_semaphore, #tpu.memory_space<semaphore_mem>>)
        %dma_start3A_511 = arith.constant 0 : i32
        %dma_start3A_512 = arith.constant 0 : i32
        %dma_start3A_513 = tpu.memref_slice %arg2[%dma_start3A_511, %mul3A_506, %dma_start3A_512] : memref<4x8192x2048xf32, #tpu.memory_space<hbm>> -> memref<1x2x2048xf32, #tpu.memory_space<hbm>>
        %dma_start3A_514 = tpu.memref_squeeze %dma_start3A_513 : memref<1x2x2048xf32, #tpu.memory_space<hbm>> -> memref<2x2048xf32, #tpu.memory_space<hbm>>
        %dma_start3A_515 = arith.constant 0 : i32
        %dma_start3A_516 = tpu.memref_slice %arg2[%dma_start3A_511, %mul3A_506, %dma_start3A_515] : memref<4x8192x2048xf32, #tpu.memory_space<hbm>> -> memref<1x2x2048xf32, #tpu.memory_space<hbm>>
        %dma_start3A_517 = tpu.memref_squeeze %dma_start3A_516 : memref<1x2x2048xf32, #tpu.memory_space<hbm>> -> memref<2x2048xf32, #tpu.memory_space<hbm>>
        tpu.enqueue_dma source(%dma_start3A_517 : memref<2x2048xf32, #tpu.memory_space<hbm>>) target(%arg6 : memref<2x2048xf32, #tpu.memory_space<vmem>>) target_semaphore(%arg25 : memref<!tpu.dma_semaphore, #tpu.memory_space<semaphore_mem>>)
        %dma_start3A_518 = arith.constant 1 : i32
        %dma_start3A_519 = arith.constant 0 : i32
        %dma_start3A_520 = tpu.memref_slice %arg2[%dma_start3A_518, %mul3A_506, %dma_start3A_519] : memref<4x8192x2048xf32, #tpu.memory_space<hbm>> -> memref<1x2x2048xf32, #tpu.memory_space<hbm>>
        %dma_start3A_521 = tpu.memref_squeeze %dma_start3A_520 : memref<1x2x2048xf32, #tpu.memory_space<hbm>> -> memref<2x2048xf32, #tpu.memory_space<hbm>>
        %dma_start3A_522 = arith.constant 0 : i32
        %dma_start3A_523 = tpu.memref_slice %arg2[%dma_start3A_518, %mul3A_506, %dma_start3A_522] : memref<4x8192x2048xf32, #tpu.memory_space<hbm>> -> memref<1x2x2048xf32, #tpu.memory_space<hbm>>
        %dma_start3A_524 = tpu.memref_squeeze %dma_start3A_523 : memref<1x2x2048xf32, #tpu.memory_space<hbm>> -> memref<2x2048xf32, #tpu.memory_space<hbm>>
        tpu.enqueue_dma source(%dma_start3A_524 : memref<2x2048xf32, #tpu.memory_space<hbm>>) target(%arg7 : memref<2x2048xf32, #tpu.memory_space<vmem>>) target_semaphore(%arg25 : memref<!tpu.dma_semaphore, #tpu.memory_space<semaphore_mem>>)
        %dma_start3A_525 = arith.constant 2 : i32
        %dma_start3A_526 = arith.constant 0 : i32
        %dma_start3A_527 = tpu.memref_slice %arg2[%dma_start3A_525, %mul3A_506, %dma_start3A_526] : memref<4x8192x2048xf32, #tpu.memory_space<hbm>> -> memref<1x2x2048xf32, #tpu.memory_space<hbm>>
        %dma_start3A_528 = tpu.memref_squeeze %dma_start3A_527 : memref<1x2x2048xf32, #tpu.memory_space<hbm>> -> memref<2x2048xf32, #tpu.memory_space<hbm>>
        %dma_start3A_529 = arith.constant 0 : i32
        %dma_start3A_530 = tpu.memref_slice %arg2[%dma_start3A_525, %mul3A_506, %dma_start3A_529] : memref<4x8192x2048xf32, #tpu.memory_space<hbm>> -> memref<1x2x2048xf32, #tpu.memory_space<hbm>>
        %dma_start3A_531 = tpu.memref_squeeze %dma_start3A_530 : memref<1x2x2048xf32, #tpu.memory_space<hbm>> -> memref<2x2048xf32, #tpu.memory_space<hbm>>
        tpu.enqueue_dma source(%dma_start3A_531 : memref<2x2048xf32, #tpu.memory_space<hbm>>) target(%arg8 : memref<2x2048xf32, #tpu.memory_space<vmem>>) target_semaphore(%arg25 : memref<!tpu.dma_semaphore, #tpu.memory_space<semaphore_mem>>)
        %dma_start3A_532 = arith.constant 3 : i32
        %dma_start3A_533 = arith.constant 0 : i32
        %dma_start3A_534 = tpu.memref_slice %arg2[%dma_start3A_532, %mul3A_506, %dma_start3A_533] : memref<4x8192x2048xf32, #tpu.memory_space<hbm>> -> memref<1x2x2048xf32, #tpu.memory_space<hbm>>
        %dma_start3A_535 = tpu.memref_squeeze %dma_start3A_534 : memref<1x2x2048xf32, #tpu.memory_space<hbm>> -> memref<2x2048xf32, #tpu.memory_space<hbm>>
        %dma_start3A_536 = arith.constant 0 : i32
        %dma_start3A_537 = tpu.memref_slice %arg2[%dma_start3A_532, %mul3A_506, %dma_start3A_536] : memref<4x8192x2048xf32, #tpu.memory_space<hbm>> -> memref<1x2x2048xf32, #tpu.memory_space<hbm>>
        %dma_start3A_538 = tpu.memref_squeeze %dma_start3A_537 : memref<1x2x2048xf32, #tpu.memory_space<hbm>> -> memref<2x2048xf32, #tpu.memory_space<hbm>>
        tpu.enqueue_dma source(%dma_start3A_538 : memref<2x2048xf32, #tpu.memory_space<hbm>>) target(%arg9 : memref<2x2048xf32, #tpu.memory_space<vmem>>) target_semaphore(%arg25 : memref<!tpu.dma_semaphore, #tpu.memory_space<semaphore_mem>>)
      } else {
      }
      %mul3A_334 = arith.constant 32 : i32
      %mul3A_335 = arith.muli %add3A_321, %mul3A_334 : i32
      %add3A_336 = arith.addi %mul3A_335, %add3A : i32
      %mul3A_337 = arith.constant 2 : i32
      %mul3A_338 = arith.muli %add3A_336, %mul3A_337 : i32
      %dma_wait3A_339 = arith.constant 0 : i32
      %dma_wait3A_340 = tpu.memref_slice %arg3[%mul3A_338, %dma_wait3A_339] : memref<8192x2048xf32, #tpu.memory_space<hbm>> -> memref<2x2048xf32, #tpu.memory_space<hbm>>
      %dma_wait3A_341 = arith.constant 0 : i32
      %dma_wait3A_342 = tpu.memref_slice %arg3[%mul3A_338, %dma_wait3A_341] : memref<8192x2048xf32, #tpu.memory_space<hbm>> -> memref<2x2048xf32, #tpu.memory_space<hbm>>
      tpu.wait_dma2 semaphore(%arg27 : memref<!tpu.dma_semaphore, #tpu.memory_space<semaphore_mem>>) src(%dma_wait3A_342 : memref<2x2048xf32, #tpu.memory_space<hbm>>) dst(%arg15 : memref<2x2048xf32, #tpu.memory_space<vmem>>)
      %dma_wait3A_343 = arith.constant 0 : i32
      %dma_wait3A_344 = arith.constant 0 : i32
      %dma_wait3A_345 = tpu.memref_slice %arg2[%dma_wait3A_343, %mul3A_338, %dma_wait3A_344] : memref<4x8192x2048xf32, #tpu.memory_space<hbm>> -> memref<1x2x2048xf32, #tpu.memory_space<hbm>>
      %dma_wait3A_346 = tpu.memref_squeeze %dma_wait3A_345 : memref<1x2x2048xf32, #tpu.memory_space<hbm>> -> memref<2x2048xf32, #tpu.memory_space<hbm>>
      %dma_wait3A_347 = arith.constant 0 : i32
      %dma_wait3A_348 = tpu.memref_slice %arg2[%dma_wait3A_343, %mul3A_338, %dma_wait3A_347] : memref<4x8192x2048xf32, #tpu.memory_space<hbm>> -> memref<1x2x2048xf32, #tpu.memory_space<hbm>>
      %dma_wait3A_349 = tpu.memref_squeeze %dma_wait3A_348 : memref<1x2x2048xf32, #tpu.memory_space<hbm>> -> memref<2x2048xf32, #tpu.memory_space<hbm>>
      tpu.wait_dma2 semaphore(%arg27 : memref<!tpu.dma_semaphore, #tpu.memory_space<semaphore_mem>>) src(%dma_wait3A_349 : memref<2x2048xf32, #tpu.memory_space<hbm>>) dst(%arg16 : memref<2x2048xf32, #tpu.memory_space<vmem>>)
      %dma_wait3A_350 = arith.constant 1 : i32
      %dma_wait3A_351 = arith.constant 0 : i32
      %dma_wait3A_352 = tpu.memref_slice %arg2[%dma_wait3A_350, %mul3A_338, %dma_wait3A_351] : memref<4x8192x2048xf32, #tpu.memory_space<hbm>> -> memref<1x2x2048xf32, #tpu.memory_space<hbm>>
      %dma_wait3A_353 = tpu.memref_squeeze %dma_wait3A_352 : memref<1x2x2048xf32, #tpu.memory_space<hbm>> -> memref<2x2048xf32, #tpu.memory_space<hbm>>
      %dma_wait3A_354 = arith.constant 0 : i32
      %dma_wait3A_355 = tpu.memref_slice %arg2[%dma_wait3A_350, %mul3A_338, %dma_wait3A_354] : memref<4x8192x2048xf32, #tpu.memory_space<hbm>> -> memref<1x2x2048xf32, #tpu.memory_space<hbm>>
      %dma_wait3A_356 = tpu.memref_squeeze %dma_wait3A_355 : memref<1x2x2048xf32, #tpu.memory_space<hbm>> -> memref<2x2048xf32, #tpu.memory_space<hbm>>
      tpu.wait_dma2 semaphore(%arg27 : memref<!tpu.dma_semaphore, #tpu.memory_space<semaphore_mem>>) src(%dma_wait3A_356 : memref<2x2048xf32, #tpu.memory_space<hbm>>) dst(%arg17 : memref<2x2048xf32, #tpu.memory_space<vmem>>)
      %dma_wait3A_357 = arith.constant 2 : i32
      %dma_wait3A_358 = arith.constant 0 : i32
      %dma_wait3A_359 = tpu.memref_slice %arg2[%dma_wait3A_357, %mul3A_338, %dma_wait3A_358] : memref<4x8192x2048xf32, #tpu.memory_space<hbm>> -> memref<1x2x2048xf32, #tpu.memory_space<hbm>>
      %dma_wait3A_360 = tpu.memref_squeeze %dma_wait3A_359 : memref<1x2x2048xf32, #tpu.memory_space<hbm>> -> memref<2x2048xf32, #tpu.memory_space<hbm>>
      %dma_wait3A_361 = arith.constant 0 : i32
      %dma_wait3A_362 = tpu.memref_slice %arg2[%dma_wait3A_357, %mul3A_338, %dma_wait3A_361] : memref<4x8192x2048xf32, #tpu.memory_space<hbm>> -> memref<1x2x2048xf32, #tpu.memory_space<hbm>>
      %dma_wait3A_363 = tpu.memref_squeeze %dma_wait3A_362 : memref<1x2x2048xf32, #tpu.memory_space<hbm>> -> memref<2x2048xf32, #tpu.memory_space<hbm>>
      tpu.wait_dma2 semaphore(%arg27 : memref<!tpu.dma_semaphore, #tpu.memory_space<semaphore_mem>>) src(%dma_wait3A_363 : memref<2x2048xf32, #tpu.memory_space<hbm>>) dst(%arg18 : memref<2x2048xf32, #tpu.memory_space<vmem>>)
      %dma_wait3A_364 = arith.constant 3 : i32
      %dma_wait3A_365 = arith.constant 0 : i32
      %dma_wait3A_366 = tpu.memref_slice %arg2[%dma_wait3A_364, %mul3A_338, %dma_wait3A_365] : memref<4x8192x2048xf32, #tpu.memory_space<hbm>> -> memref<1x2x2048xf32, #tpu.memory_space<hbm>>
      %dma_wait3A_367 = tpu.memref_squeeze %dma_wait3A_366 : memref<1x2x2048xf32, #tpu.memory_space<hbm>> -> memref<2x2048xf32, #tpu.memory_space<hbm>>
      %dma_wait3A_368 = arith.constant 0 : i32
      %dma_wait3A_369 = tpu.memref_slice %arg2[%dma_wait3A_364, %mul3A_338, %dma_wait3A_368] : memref<4x8192x2048xf32, #tpu.memory_space<hbm>> -> memref<1x2x2048xf32, #tpu.memory_space<hbm>>
      %dma_wait3A_370 = tpu.memref_squeeze %dma_wait3A_369 : memref<1x2x2048xf32, #tpu.memory_space<hbm>> -> memref<2x2048xf32, #tpu.memory_space<hbm>>
      tpu.wait_dma2 semaphore(%arg27 : memref<!tpu.dma_semaphore, #tpu.memory_space<semaphore_mem>>) src(%dma_wait3A_370 : memref<2x2048xf32, #tpu.memory_space<hbm>>) dst(%arg19 : memref<2x2048xf32, #tpu.memory_space<vmem>>)
      %scan3A_371 = arith.constant 0 : i32
      %scan3A_372 = arith.constant 64 : i32
      %scan3A_373 = arith.addi %scan3A_371, %scan3A_372 : i32
      %scan3A_374 = arith.constant 1 : i32
      scf.for %scan3A_500 = %scan3A_371 to %scan3A_373 step %scan3A_374  : i32 {
        %mul3A_501 = arith.constant 4 : i32
        %mul3A_502 = arith.muli %scan3A_500, %mul3A_501 : i32
        %add3A_503 = arith.constant 0 : i32
        %add3A_504 = arith.addi %mul3A_502, %add3A_503 : i32
        %mul3A_505 = arith.constant 16 : i32
        %mul3A_506 = arith.muli %add3A_504, %mul3A_505 : i32
        %jit3A = arith.constant 2048 : i32
        %div3A = arith.divsi %mul3A_506, %jit3A : i32
        %sign3A = arith.constant 0 : i32
        %sign3A_507 = arith.cmpi sgt, %mul3A_506, %sign3A : i32
        %sign3A_508 = arith.extui %sign3A_507 : i1 to i32
        %sign3A_509 = arith.constant 0 : i32
        %sign3A_510 = arith.cmpi slt, %mul3A_506, %sign3A_509 : i32
        %sign3A_511 = arith.extui %sign3A_510 : i1 to i32
        %sign3A_512 = arith.subi %sign3A_508, %sign3A_511 : i32
        %sign3A_513 = arith.constant 0 : i32
        %sign3A_514 = arith.cmpi sgt, %jit3A, %sign3A_513 : i32
        %sign3A_515 = arith.extui %sign3A_514 : i1 to i32
        %sign3A_516 = arith.constant 0 : i32
        %sign3A_517 = arith.cmpi slt, %jit3A, %sign3A_516 : i32
        %sign3A_518 = arith.extui %sign3A_517 : i1 to i32
        %sign3A_519 = arith.subi %sign3A_515, %sign3A_518 : i32
        %ne3A = arith.cmpi ne, %sign3A_512, %sign3A_519 : i32
        %rem3A = arith.remsi %mul3A_506, %jit3A : i32
        %ne3A_520 = arith.constant 0 : i32
        %ne3A_521 = arith.cmpi ne, %rem3A, %ne3A_520 : i32
        %and3A = arith.andi %ne3A, %ne3A_521 : i1
        %sub3A = arith.constant 1 : i32
        %sub3A_522 = arith.subi %div3A, %sub3A : i32
        %select_n3A = arith.select %and3A, %sub3A_522, %div3A : i32
        %jit3A_523 = arith.constant 2048 : i32
        %eq3A = arith.constant 0 : i32
        %eq3A_524 = arith.cmpi eq, %jit3A_523, %eq3A : i32
        %jit3A_525 = arith.constant 1 : i32
        %select_n3A_526 = arith.select %eq3A_524, %jit3A_525, %jit3A_523 : i32
        %rem3A_527 = arith.remsi %mul3A_506, %select_n3A_526 : i32
        %ne3A_528 = arith.constant 0 : i32
        %ne3A_529 = arith.cmpi ne, %rem3A_527, %ne3A_528 : i32
        %lt3A_530 = arith.constant 0 : i32
        %lt3A_531 = arith.cmpi slt, %rem3A_527, %lt3A_530 : i32
        %lt3A_532 = arith.constant 0 : i32
        %lt3A_533 = arith.cmpi slt, %select_n3A_526, %lt3A_532 : i32
        %ne3A_534 = arith.xori %lt3A_531, %lt3A_533 : i1
        %and3A_535 = arith.andi %ne3A_534, %ne3A_529 : i1
        %add3A_536 = arith.addi %rem3A_527, %select_n3A_526 : i32
        %select_n3A_537 = arith.select %and3A_535, %add3A_536, %rem3A_527 : i32
        %get3A = arith.index_cast %select_n3A : i32 to index
        %get3A_538 = arith.index_cast %select_n3A_537 : i32 to index
        %get3A_539 = tpu.vector_load %arg15[%get3A, %get3A_538] {strides = array<i32>} : memref<2x2048xf32, #tpu.memory_space<vmem>>, vector<1x16xf32>,
        %get3A_540 = vector.shape_cast %get3A_539 : vector<1x16xf32> to vector<16xf32>
        %get3A_541 = arith.index_cast %select_n3A : i32 to index
        %get3A_542 = arith.index_cast %select_n3A_537 : i32 to index
        %get3A_543 = tpu.vector_load %arg16[%get3A_541, %get3A_542] {strides = array<i32>} : memref<2x2048xf32, #tpu.memory_space<vmem>>, vector<1x16xf32>,
        %get3A_544 = vector.shape_cast %get3A_543 : vector<1x16xf32> to vector<16xf32>
        %add3A_545 = arith.addf %get3A_544, %get3A_540 : vector<16xf32>
        %swap3A = arith.index_cast %select_n3A : i32 to index
        %swap3A_546 = arith.index_cast %select_n3A_537 : i32 to index
        %swap3A_547 = tpu.vector_load %arg16[%swap3A, %swap3A_546] {strides = array<i32>} : memref<2x2048xf32, #tpu.memory_space<vmem>>, vector<1x16xf32>,
        %swap3A_548 = vector.shape_cast %swap3A_547 : vector<1x16xf32> to vector<16xf32>
        %swap3A_549 = vector.shape_cast %add3A_545 : vector<16xf32> to vector<1x16xf32>
        tpu.vector_store %arg16[%swap3A, %swap3A_546], %swap3A_549 {strides = array<i32>} : memref<2x2048xf32, #tpu.memory_space<vmem>>, vector<1x16xf32>,
        %get3A_550 = arith.index_cast %select_n3A : i32 to index
        %get3A_551 = arith.index_cast %select_n3A_537 : i32 to index
        %get3A_552 = tpu.vector_load %arg17[%get3A_550, %get3A_551] {strides = array<i32>} : memref<2x2048xf32, #tpu.memory_space<vmem>>, vector<1x16xf32>,
        %get3A_553 = vector.shape_cast %get3A_552 : vector<1x16xf32> to vector<16xf32>
        %add3A_554 = arith.addf %get3A_553, %get3A_540 : vector<16xf32>
        %swap3A_555 = arith.index_cast %select_n3A : i32 to index
        %swap3A_556 = arith.index_cast %select_n3A_537 : i32 to index
        %swap3A_557 = tpu.vector_load %arg17[%swap3A_555, %swap3A_556] {strides = array<i32>} : memref<2x2048xf32, #tpu.memory_space<vmem>>, vector<1x16xf32>,
        %swap3A_558 = vector.shape_cast %swap3A_557 : vector<1x16xf32> to vector<16xf32>
        %swap3A_559 = vector.shape_cast %add3A_554 : vector<16xf32> to vector<1x16xf32>
        tpu.vector_store %arg17[%swap3A_555, %swap3A_556], %swap3A_559 {strides = array<i32>} : memref<2x2048xf32, #tpu.memory_space<vmem>>, vector<1x16xf32>,
        %get3A_560 = arith.index_cast %select_n3A : i32 to index
        %get3A_561 = arith.index_cast %select_n3A_537 : i32 to index
        %get3A_562 = tpu.vector_load %arg18[%get3A_560, %get3A_561] {strides = array<i32>} : memref<2x2048xf32, #tpu.memory_space<vmem>>, vector<1x16xf32>,
        %get3A_563 = vector.shape_cast %get3A_562 : vector<1x16xf32> to vector<16xf32>
        %add3A_564 = arith.addf %get3A_563, %get3A_540 : vector<16xf32>
        %swap3A_565 = arith.index_cast %select_n3A : i32 to index
        %swap3A_566 = arith.index_cast %select_n3A_537 : i32 to index
        %swap3A_567 = tpu.vector_load %arg18[%swap3A_565, %swap3A_566] {strides = array<i32>} : memref<2x2048xf32, #tpu.memory_space<vmem>>, vector<1x16xf32>,
        %swap3A_568 = vector.shape_cast %swap3A_567 : vector<1x16xf32> to vector<16xf32>
        %swap3A_569 = vector.shape_cast %add3A_564 : vector<16xf32> to vector<1x16xf32>
        tpu.vector_store %arg18[%swap3A_565, %swap3A_566], %swap3A_569 {strides = array<i32>} : memref<2x2048xf32, #tpu.memory_space<vmem>>, vector<1x16xf32>,
        %get3A_570 = arith.index_cast %select_n3A : i32 to index
        %get3A_571 = arith.index_cast %select_n3A_537 : i32 to index
        %get3A_572 = tpu.vector_load %arg19[%get3A_570, %get3A_571] {strides = array<i32>} : memref<2x2048xf32, #tpu.memory_space<vmem>>, vector<1x16xf32>,
        %get3A_573 = vector.shape_cast %get3A_572 : vector<1x16xf32> to vector<16xf32>
        %add3A_574 = arith.addf %get3A_573, %get3A_540 : vector<16xf32>
        %swap3A_575 = arith.index_cast %select_n3A : i32 to index
        %swap3A_576 = arith.index_cast %select_n3A_537 : i32 to index
        %swap3A_577 = tpu.vector_load %arg19[%swap3A_575, %swap3A_576] {strides = array<i32>} : memref<2x2048xf32, #tpu.memory_space<vmem>>, vector<1x16xf32>,
        %swap3A_578 = vector.shape_cast %swap3A_577 : vector<1x16xf32> to vector<16xf32>
        %swap3A_579 = vector.shape_cast %add3A_574 : vector<16xf32> to vector<1x16xf32>
        tpu.vector_store %arg19[%swap3A_575, %swap3A_576], %swap3A_579 {strides = array<i32>} : memref<2x2048xf32, #tpu.memory_space<vmem>>, vector<1x16xf32>,
        %mul3A_580 = arith.constant 4 : i32
        %mul3A_581 = arith.muli %scan3A_500, %mul3A_580 : i32
        %add3A_582 = arith.constant 1 : i32
        %add3A_583 = arith.addi %mul3A_581, %add3A_582 : i32
        %mul3A_584 = arith.constant 16 : i32
        %mul3A_585 = arith.muli %add3A_583, %mul3A_584 : i32
        %jit3A_586 = arith.constant 2048 : i32
        %div3A_587 = arith.divsi %mul3A_585, %jit3A_586 : i32
        %sign3A_588 = arith.constant 0 : i32
        %sign3A_589 = arith.cmpi sgt, %mul3A_585, %sign3A_588 : i32
        %sign3A_590 = arith.extui %sign3A_589 : i1 to i32
        %sign3A_591 = arith.constant 0 : i32
        %sign3A_592 = arith.cmpi slt, %mul3A_585, %sign3A_591 : i32
        %sign3A_593 = arith.extui %sign3A_592 : i1 to i32
        %sign3A_594 = arith.subi %sign3A_590, %sign3A_593 : i32
        %sign3A_595 = arith.constant 0 : i32
        %sign3A_596 = arith.cmpi sgt, %jit3A_586, %sign3A_595 : i32
        %sign3A_597 = arith.extui %sign3A_596 : i1 to i32
        %sign3A_598 = arith.constant 0 : i32
        %sign3A_599 = arith.cmpi slt, %jit3A_586, %sign3A_598 : i32
        %sign3A_600 = arith.extui %sign3A_599 : i1 to i32
        %sign3A_601 = arith.subi %sign3A_597, %sign3A_600 : i32
        %ne3A_602 = arith.cmpi ne, %sign3A_594, %sign3A_601 : i32
        %rem3A_603 = arith.remsi %mul3A_585, %jit3A_586 : i32
        %ne3A_604 = arith.constant 0 : i32
        %ne3A_605 = arith.cmpi ne, %rem3A_603, %ne3A_604 : i32
        %and3A_606 = arith.andi %ne3A_602, %ne3A_605 : i1
        %sub3A_607 = arith.constant 1 : i32
        %sub3A_608 = arith.subi %div3A_587, %sub3A_607 : i32
        %select_n3A_609 = arith.select %and3A_606, %sub3A_608, %div3A_587 : i32
        %jit3A_610 = arith.constant 2048 : i32
        %eq3A_611 = arith.constant 0 : i32
        %eq3A_612 = arith.cmpi eq, %jit3A_610, %eq3A_611 : i32
        %jit3A_613 = arith.constant 1 : i32
        %select_n3A_614 = arith.select %eq3A_612, %jit3A_613, %jit3A_610 : i32
        %rem3A_615 = arith.remsi %mul3A_585, %select_n3A_614 : i32
        %ne3A_616 = arith.constant 0 : i32
        %ne3A_617 = arith.cmpi ne, %rem3A_615, %ne3A_616 : i32
        %lt3A_618 = arith.constant 0 : i32
        %lt3A_619 = arith.cmpi slt, %rem3A_615, %lt3A_618 : i32
        %lt3A_620 = arith.constant 0 : i32
        %lt3A_621 = arith.cmpi slt, %select_n3A_614, %lt3A_620 : i32
        %ne3A_622 = arith.xori %lt3A_619, %lt3A_621 : i1
        %and3A_623 = arith.andi %ne3A_622, %ne3A_617 : i1
        %add3A_624 = arith.addi %rem3A_615, %select_n3A_614 : i32
        %select_n3A_625 = arith.select %and3A_623, %add3A_624, %rem3A_615 : i32
        %get3A_626 = arith.index_cast %select_n3A_609 : i32 to index
        %get3A_627 = arith.index_cast %select_n3A_625 : i32 to index
        %get3A_628 = tpu.vector_load %arg15[%get3A_626, %get3A_627] {strides = array<i32>} : memref<2x2048xf32, #tpu.memory_space<vmem>>, vector<1x16xf32>,
        %get3A_629 = vector.shape_cast %get3A_628 : vector<1x16xf32> to vector<16xf32>
        %get3A_630 = arith.index_cast %select_n3A_609 : i32 to index
        %get3A_631 = arith.index_cast %select_n3A_625 : i32 to index
        %get3A_632 = tpu.vector_load %arg16[%get3A_630, %get3A_631] {strides = array<i32>} : memref<2x2048xf32, #tpu.memory_space<vmem>>, vector<1x16xf32>,
        %get3A_633 = vector.shape_cast %get3A_632 : vector<1x16xf32> to vector<16xf32>
        %add3A_634 = arith.addf %get3A_633, %get3A_629 : vector<16xf32>
        %swap3A_635 = arith.index_cast %select_n3A_609 : i32 to index
        %swap3A_636 = arith.index_cast %select_n3A_625 : i32 to index
        %swap3A_637 = tpu.vector_load %arg16[%swap3A_635, %swap3A_636] {strides = array<i32>} : memref<2x2048xf32, #tpu.memory_space<vmem>>, vector<1x16xf32>,
        %swap3A_638 = vector.shape_cast %swap3A_637 : vector<1x16xf32> to vector<16xf32>
        %swap3A_639 = vector.shape_cast %add3A_634 : vector<16xf32> to vector<1x16xf32>
        tpu.vector_store %arg16[%swap3A_635, %swap3A_636], %swap3A_639 {strides = array<i32>} : memref<2x2048xf32, #tpu.memory_space<vmem>>, vector<1x16xf32>,
        %get3A_640 = arith.index_cast %select_n3A_609 : i32 to index
        %get3A_641 = arith.index_cast %select_n3A_625 : i32 to index
        %get3A_642 = tpu.vector_load %arg17[%get3A_640, %get3A_641] {strides = array<i32>} : memref<2x2048xf32, #tpu.memory_space<vmem>>, vector<1x16xf32>,
        %get3A_643 = vector.shape_cast %get3A_642 : vector<1x16xf32> to vector<16xf32>
        %add3A_644 = arith.addf %get3A_643, %get3A_629 : vector<16xf32>
        %swap3A_645 = arith.index_cast %select_n3A_609 : i32 to index
        %swap3A_646 = arith.index_cast %select_n3A_625 : i32 to index
        %swap3A_647 = tpu.vector_load %arg17[%swap3A_645, %swap3A_646] {strides = array<i32>} : memref<2x2048xf32, #tpu.memory_space<vmem>>, vector<1x16xf32>,
        %swap3A_648 = vector.shape_cast %swap3A_647 : vector<1x16xf32> to vector<16xf32>
        %swap3A_649 = vector.shape_cast %add3A_644 : vector<16xf32> to vector<1x16xf32>
        tpu.vector_store %arg17[%swap3A_645, %swap3A_646], %swap3A_649 {strides = array<i32>} : memref<2x2048xf32, #tpu.memory_space<vmem>>, vector<1x16xf32>,
        %get3A_650 = arith.index_cast %select_n3A_609 : i32 to index
        %get3A_651 = arith.index_cast %select_n3A_625 : i32 to index
        %get3A_652 = tpu.vector_load %arg18[%get3A_650, %get3A_651] {strides = array<i32>} : memref<2x2048xf32, #tpu.memory_space<vmem>>, vector<1x16xf32>,
        %get3A_653 = vector.shape_cast %get3A_652 : vector<1x16xf32> to vector<16xf32>
        %add3A_654 = arith.addf %get3A_653, %get3A_629 : vector<16xf32>
        %swap3A_655 = arith.index_cast %select_n3A_609 : i32 to index
        %swap3A_656 = arith.index_cast %select_n3A_625 : i32 to index
        %swap3A_657 = tpu.vector_load %arg18[%swap3A_655, %swap3A_656] {strides = array<i32>} : memref<2x2048xf32, #tpu.memory_space<vmem>>, vector<1x16xf32>,
        %swap3A_658 = vector.shape_cast %swap3A_657 : vector<1x16xf32> to vector<16xf32>
        %swap3A_659 = vector.shape_cast %add3A_654 : vector<16xf32> to vector<1x16xf32>
        tpu.vector_store %arg18[%swap3A_655, %swap3A_656], %swap3A_659 {strides = array<i32>} : memref<2x2048xf32, #tpu.memory_space<vmem>>, vector<1x16xf32>,
        %get3A_660 = arith.index_cast %select_n3A_609 : i32 to index
        %get3A_661 = arith.index_cast %select_n3A_625 : i32 to index
        %get3A_662 = tpu.vector_load %arg19[%get3A_660, %get3A_661] {strides = array<i32>} : memref<2x2048xf32, #tpu.memory_space<vmem>>, vector<1x16xf32>,
        %get3A_663 = vector.shape_cast %get3A_662 : vector<1x16xf32> to vector<16xf32>
        %add3A_664 = arith.addf %get3A_663, %get3A_629 : vector<16xf32>
        %swap3A_665 = arith.index_cast %select_n3A_609 : i32 to index
        %swap3A_666 = arith.index_cast %select_n3A_625 : i32 to index
        %swap3A_667 = tpu.vector_load %arg19[%swap3A_665, %swap3A_666] {strides = array<i32>} : memref<2x2048xf32, #tpu.memory_space<vmem>>, vector<1x16xf32>,
        %swap3A_668 = vector.shape_cast %swap3A_667 : vector<1x16xf32> to vector<16xf32>
        %swap3A_669 = vector.shape_cast %add3A_664 : vector<16xf32> to vector<1x16xf32>
        tpu.vector_store %arg19[%swap3A_665, %swap3A_666], %swap3A_669 {strides = array<i32>} : memref<2x2048xf32, #tpu.memory_space<vmem>>, vector<1x16xf32>,
        %mul3A_670 = arith.constant 4 : i32
        %mul3A_671 = arith.muli %scan3A_500, %mul3A_670 : i32
        %add3A_672 = arith.constant 2 : i32
        %add3A_673 = arith.addi %mul3A_671, %add3A_672 : i32
        %mul3A_674 = arith.constant 16 : i32
        %mul3A_675 = arith.muli %add3A_673, %mul3A_674 : i32
        %jit3A_676 = arith.constant 2048 : i32
        %div3A_677 = arith.divsi %mul3A_675, %jit3A_676 : i32
        %sign3A_678 = arith.constant 0 : i32
        %sign3A_679 = arith.cmpi sgt, %mul3A_675, %sign3A_678 : i32
        %sign3A_680 = arith.extui %sign3A_679 : i1 to i32
        %sign3A_681 = arith.constant 0 : i32
        %sign3A_682 = arith.cmpi slt, %mul3A_675, %sign3A_681 : i32
        %sign3A_683 = arith.extui %sign3A_682 : i1 to i32
        %sign3A_684 = arith.subi %sign3A_680, %sign3A_683 : i32
        %sign3A_685 = arith.constant 0 : i32
        %sign3A_686 = arith.cmpi sgt, %jit3A_676, %sign3A_685 : i32
        %sign3A_687 = arith.extui %sign3A_686 : i1 to i32
        %sign3A_688 = arith.constant 0 : i32
        %sign3A_689 = arith.cmpi slt, %jit3A_676, %sign3A_688 : i32
        %sign3A_690 = arith.extui %sign3A_689 : i1 to i32
        %sign3A_691 = arith.subi %sign3A_687, %sign3A_690 : i32
        %ne3A_692 = arith.cmpi ne, %sign3A_684, %sign3A_691 : i32
        %rem3A_693 = arith.remsi %mul3A_675, %jit3A_676 : i32
        %ne3A_694 = arith.constant 0 : i32
        %ne3A_695 = arith.cmpi ne, %rem3A_693, %ne3A_694 : i32
        %and3A_696 = arith.andi %ne3A_692, %ne3A_695 : i1
        %sub3A_697 = arith.constant 1 : i32
        %sub3A_698 = arith.subi %div3A_677, %sub3A_697 : i32
        %select_n3A_699 = arith.select %and3A_696, %sub3A_698, %div3A_677 : i32
        %jit3A_700 = arith.constant 2048 : i32
        %eq3A_701 = arith.constant 0 : i32
        %eq3A_702 = arith.cmpi eq, %jit3A_700, %eq3A_701 : i32
        %jit3A_703 = arith.constant 1 : i32
        %select_n3A_704 = arith.select %eq3A_702, %jit3A_703, %jit3A_700 : i32
        %rem3A_705 = arith.remsi %mul3A_675, %select_n3A_704 : i32
        %ne3A_706 = arith.constant 0 : i32
        %ne3A_707 = arith.cmpi ne, %rem3A_705, %ne3A_706 : i32
        %lt3A_708 = arith.constant 0 : i32
        %lt3A_709 = arith.cmpi slt, %rem3A_705, %lt3A_708 : i32
        %lt3A_710 = arith.constant 0 : i32
        %lt3A_711 = arith.cmpi slt, %select_n3A_704, %lt3A_710 : i32
        %ne3A_712 = arith.xori %lt3A_709, %lt3A_711 : i1
        %and3A_713 = arith.andi %ne3A_712, %ne3A_707 : i1
        %add3A_714 = arith.addi %rem3A_705, %select_n3A_704 : i32
        %select_n3A_715 = arith.select %and3A_713, %add3A_714, %rem3A_705 : i32
        %get3A_716 = arith.index_cast %select_n3A_699 : i32 to index
        %get3A_717 = arith.index_cast %select_n3A_715 : i32 to index
        %get3A_718 = tpu.vector_load %arg15[%get3A_716, %get3A_717] {strides = array<i32>} : memref<2x2048xf32, #tpu.memory_space<vmem>>, vector<1x16xf32>,
        %get3A_719 = vector.shape_cast %get3A_718 : vector<1x16xf32> to vector<16xf32>
        %get3A_720 = arith.index_cast %select_n3A_699 : i32 to index
        %get3A_721 = arith.index_cast %select_n3A_715 : i32 to index
        %get3A_722 = tpu.vector_load %arg16[%get3A_720, %get3A_721] {strides = array<i32>} : memref<2x2048xf32, #tpu.memory_space<vmem>>, vector<1x16xf32>,
        %get3A_723 = vector.shape_cast %get3A_722 : vector<1x16xf32> to vector<16xf32>
        %add3A_724 = arith.addf %get3A_723, %get3A_719 : vector<16xf32>
        %swap3A_725 = arith.index_cast %select_n3A_699 : i32 to index
        %swap3A_726 = arith.index_cast %select_n3A_715 : i32 to index
        %swap3A_727 = tpu.vector_load %arg16[%swap3A_725, %swap3A_726] {strides = array<i32>} : memref<2x2048xf32, #tpu.memory_space<vmem>>, vector<1x16xf32>,
        %swap3A_728 = vector.shape_cast %swap3A_727 : vector<1x16xf32> to vector<16xf32>
        %swap3A_729 = vector.shape_cast %add3A_724 : vector<16xf32> to vector<1x16xf32>
        tpu.vector_store %arg16[%swap3A_725, %swap3A_726], %swap3A_729 {strides = array<i32>} : memref<2x2048xf32, #tpu.memory_space<vmem>>, vector<1x16xf32>,
        %get3A_730 = arith.index_cast %select_n3A_699 : i32 to index
        %get3A_731 = arith.index_cast %select_n3A_715 : i32 to index
        %get3A_732 = tpu.vector_load %arg17[%get3A_730, %get3A_731] {strides = array<i32>} : memref<2x2048xf32, #tpu.memory_space<vmem>>, vector<1x16xf32>,
        %get3A_733 = vector.shape_cast %get3A_732 : vector<1x16xf32> to vector<16xf32>
        %add3A_734 = arith.addf %get3A_733, %get3A_719 : vector<16xf32>
        %swap3A_735 = arith.index_cast %select_n3A_699 : i32 to index
        %swap3A_736 = arith.index_cast %select_n3A_715 : i32 to index
        %swap3A_737 = tpu.vector_load %arg17[%swap3A_735, %swap3A_736] {strides = array<i32>} : memref<2x2048xf32, #tpu.memory_space<vmem>>, vector<1x16xf32>,
        %swap3A_738 = vector.shape_cast %swap3A_737 : vector<1x16xf32> to vector<16xf32>
        %swap3A_739 = vector.shape_cast %add3A_734 : vector<16xf32> to vector<1x16xf32>
        tpu.vector_store %arg17[%swap3A_735, %swap3A_736], %swap3A_739 {strides = array<i32>} : memref<2x2048xf32, #tpu.memory_space<vmem>>, vector<1x16xf32>,
        %get3A_740 = arith.index_cast %select_n3A_699 : i32 to index
        %get3A_741 = arith.index_cast %select_n3A_715 : i32 to index
        %get3A_742 = tpu.vector_load %arg18[%get3A_740, %get3A_741] {strides = array<i32>} : memref<2x2048xf32, #tpu.memory_space<vmem>>, vector<1x16xf32>,
        %get3A_743 = vector.shape_cast %get3A_742 : vector<1x16xf32> to vector<16xf32>
        %add3A_744 = arith.addf %get3A_743, %get3A_719 : vector<16xf32>
        %swap3A_745 = arith.index_cast %select_n3A_699 : i32 to index
        %swap3A_746 = arith.index_cast %select_n3A_715 : i32 to index
        %swap3A_747 = tpu.vector_load %arg18[%swap3A_745, %swap3A_746] {strides = array<i32>} : memref<2x2048xf32, #tpu.memory_space<vmem>>, vector<1x16xf32>,
        %swap3A_748 = vector.shape_cast %swap3A_747 : vector<1x16xf32> to vector<16xf32>
        %swap3A_749 = vector.shape_cast %add3A_744 : vector<16xf32> to vector<1x16xf32>
        tpu.vector_store %arg18[%swap3A_745, %swap3A_746], %swap3A_749 {strides = array<i32>} : memref<2x2048xf32, #tpu.memory_space<vmem>>, vector<1x16xf32>,
        %get3A_750 = arith.index_cast %select_n3A_699 : i32 to index
        %get3A_751 = arith.index_cast %select_n3A_715 : i32 to index
        %get3A_752 = tpu.vector_load %arg19[%get3A_750, %get3A_751] {strides = array<i32>} : memref<2x2048xf32, #tpu.memory_space<vmem>>, vector<1x16xf32>,
        %get3A_753 = vector.shape_cast %get3A_752 : vector<1x16xf32> to vector<16xf32>
        %add3A_754 = arith.addf %get3A_753, %get3A_719 : vector<16xf32>
        %swap3A_755 = arith.index_cast %select_n3A_699 : i32 to index
        %swap3A_756 = arith.index_cast %select_n3A_715 : i32 to index
        %swap3A_757 = tpu.vector_load %arg19[%swap3A_755, %swap3A_756] {strides = array<i32>} : memref<2x2048xf32, #tpu.memory_space<vmem>>, vector<1x16xf32>,
        %swap3A_758 = vector.shape_cast %swap3A_757 : vector<1x16xf32> to vector<16xf32>
        %swap3A_759 = vector.shape_cast %add3A_754 : vector<16xf32> to vector<1x16xf32>
        tpu.vector_store %arg19[%swap3A_755, %swap3A_756], %swap3A_759 {strides = array<i32>} : memref<2x2048xf32, #tpu.memory_space<vmem>>, vector<1x16xf32>,
        %mul3A_760 = arith.constant 4 : i32
        %mul3A_761 = arith.muli %scan3A_500, %mul3A_760 : i32
        %add3A_762 = arith.constant 3 : i32
        %add3A_763 = arith.addi %mul3A_761, %add3A_762 : i32
        %mul3A_764 = arith.constant 16 : i32
        %mul3A_765 = arith.muli %add3A_763, %mul3A_764 : i32
        %jit3A_766 = arith.constant 2048 : i32
        %div3A_767 = arith.divsi %mul3A_765, %jit3A_766 : i32
        %sign3A_768 = arith.constant 0 : i32
        %sign3A_769 = arith.cmpi sgt, %mul3A_765, %sign3A_768 : i32
        %sign3A_770 = arith.extui %sign3A_769 : i1 to i32
        %sign3A_771 = arith.constant 0 : i32
        %sign3A_772 = arith.cmpi slt, %mul3A_765, %sign3A_771 : i32
        %sign3A_773 = arith.extui %sign3A_772 : i1 to i32
        %sign3A_774 = arith.subi %sign3A_770, %sign3A_773 : i32
        %sign3A_775 = arith.constant 0 : i32
        %sign3A_776 = arith.cmpi sgt, %jit3A_766, %sign3A_775 : i32
        %sign3A_777 = arith.extui %sign3A_776 : i1 to i32
        %sign3A_778 = arith.constant 0 : i32
        %sign3A_779 = arith.cmpi slt, %jit3A_766, %sign3A_778 : i32
        %sign3A_780 = arith.extui %sign3A_779 : i1 to i32
        %sign3A_781 = arith.subi %sign3A_777, %sign3A_780 : i32
        %ne3A_782 = arith.cmpi ne, %sign3A_774, %sign3A_781 : i32
        %rem3A_783 = arith.remsi %mul3A_765, %jit3A_766 : i32
        %ne3A_784 = arith.constant 0 : i32
        %ne3A_785 = arith.cmpi ne, %rem3A_783, %ne3A_784 : i32
        %and3A_786 = arith.andi %ne3A_782, %ne3A_785 : i1
        %sub3A_787 = arith.constant 1 : i32
        %sub3A_788 = arith.subi %div3A_767, %sub3A_787 : i32
        %select_n3A_789 = arith.select %and3A_786, %sub3A_788, %div3A_767 : i32
        %jit3A_790 = arith.constant 2048 : i32
        %eq3A_791 = arith.constant 0 : i32
        %eq3A_792 = arith.cmpi eq, %jit3A_790, %eq3A_791 : i32
        %jit3A_793 = arith.constant 1 : i32
        %select_n3A_794 = arith.select %eq3A_792, %jit3A_793, %jit3A_790 : i32
        %rem3A_795 = arith.remsi %mul3A_765, %select_n3A_794 : i32
        %ne3A_796 = arith.constant 0 : i32
        %ne3A_797 = arith.cmpi ne, %rem3A_795, %ne3A_796 : i32
        %lt3A_798 = arith.constant 0 : i32
        %lt3A_799 = arith.cmpi slt, %rem3A_795, %lt3A_798 : i32
        %lt3A_800 = arith.constant 0 : i32
        %lt3A_801 = arith.cmpi slt, %select_n3A_794, %lt3A_800 : i32
        %ne3A_802 = arith.xori %lt3A_799, %lt3A_801 : i1
        %and3A_803 = arith.andi %ne3A_802, %ne3A_797 : i1
        %add3A_804 = arith.addi %rem3A_795, %select_n3A_794 : i32
        %select_n3A_805 = arith.select %and3A_803, %add3A_804, %rem3A_795 : i32
        %get3A_806 = arith.index_cast %select_n3A_789 : i32 to index
        %get3A_807 = arith.index_cast %select_n3A_805 : i32 to index
        %get3A_808 = tpu.vector_load %arg15[%get3A_806, %get3A_807] {strides = array<i32>} : memref<2x2048xf32, #tpu.memory_space<vmem>>, vector<1x16xf32>,
        %get3A_809 = vector.shape_cast %get3A_808 : vector<1x16xf32> to vector<16xf32>
        %get3A_810 = arith.index_cast %select_n3A_789 : i32 to index
        %get3A_811 = arith.index_cast %select_n3A_805 : i32 to index
        %get3A_812 = tpu.vector_load %arg16[%get3A_810, %get3A_811] {strides = array<i32>} : memref<2x2048xf32, #tpu.memory_space<vmem>>, vector<1x16xf32>,
        %get3A_813 = vector.shape_cast %get3A_812 : vector<1x16xf32> to vector<16xf32>
        %add3A_814 = arith.addf %get3A_813, %get3A_809 : vector<16xf32>
        %swap3A_815 = arith.index_cast %select_n3A_789 : i32 to index
        %swap3A_816 = arith.index_cast %select_n3A_805 : i32 to index
        %swap3A_817 = tpu.vector_load %arg16[%swap3A_815, %swap3A_816] {strides = array<i32>} : memref<2x2048xf32, #tpu.memory_space<vmem>>, vector<1x16xf32>,
        %swap3A_818 = vector.shape_cast %swap3A_817 : vector<1x16xf32> to vector<16xf32>
        %swap3A_819 = vector.shape_cast %add3A_814 : vector<16xf32> to vector<1x16xf32>
        tpu.vector_store %arg16[%swap3A_815, %swap3A_816], %swap3A_819 {strides = array<i32>} : memref<2x2048xf32, #tpu.memory_space<vmem>>, vector<1x16xf32>,
        %get3A_820 = arith.index_cast %select_n3A_789 : i32 to index
        %get3A_821 = arith.index_cast %select_n3A_805 : i32 to index
        %get3A_822 = tpu.vector_load %arg17[%get3A_820, %get3A_821] {strides = array<i32>} : memref<2x2048xf32, #tpu.memory_space<vmem>>, vector<1x16xf32>,
        %get3A_823 = vector.shape_cast %get3A_822 : vector<1x16xf32> to vector<16xf32>
        %add3A_824 = arith.addf %get3A_823, %get3A_809 : vector<16xf32>
        %swap3A_825 = arith.index_cast %select_n3A_789 : i32 to index
        %swap3A_826 = arith.index_cast %select_n3A_805 : i32 to index
        %swap3A_827 = tpu.vector_load %arg17[%swap3A_825, %swap3A_826] {strides = array<i32>} : memref<2x2048xf32, #tpu.memory_space<vmem>>, vector<1x16xf32>,
        %swap3A_828 = vector.shape_cast %swap3A_827 : vector<1x16xf32> to vector<16xf32>
        %swap3A_829 = vector.shape_cast %add3A_824 : vector<16xf32> to vector<1x16xf32>
        tpu.vector_store %arg17[%swap3A_825, %swap3A_826], %swap3A_829 {strides = array<i32>} : memref<2x2048xf32, #tpu.memory_space<vmem>>, vector<1x16xf32>,
        %get3A_830 = arith.index_cast %select_n3A_789 : i32 to index
        %get3A_831 = arith.index_cast %select_n3A_805 : i32 to index
        %get3A_832 = tpu.vector_load %arg18[%get3A_830, %get3A_831] {strides = array<i32>} : memref<2x2048xf32, #tpu.memory_space<vmem>>, vector<1x16xf32>,
        %get3A_833 = vector.shape_cast %get3A_832 : vector<1x16xf32> to vector<16xf32>
        %add3A_834 = arith.addf %get3A_833, %get3A_809 : vector<16xf32>
        %swap3A_835 = arith.index_cast %select_n3A_789 : i32 to index
        %swap3A_836 = arith.index_cast %select_n3A_805 : i32 to index
        %swap3A_837 = tpu.vector_load %arg18[%swap3A_835, %swap3A_836] {strides = array<i32>} : memref<2x2048xf32, #tpu.memory_space<vmem>>, vector<1x16xf32>,
        %swap3A_838 = vector.shape_cast %swap3A_837 : vector<1x16xf32> to vector<16xf32>
        %swap3A_839 = vector.shape_cast %add3A_834 : vector<16xf32> to vector<1x16xf32>
        tpu.vector_store %arg18[%swap3A_835, %swap3A_836], %swap3A_839 {strides = array<i32>} : memref<2x2048xf32, #tpu.memory_space<vmem>>, vector<1x16xf32>,
        %get3A_840 = arith.index_cast %select_n3A_789 : i32 to index
        %get3A_841 = arith.index_cast %select_n3A_805 : i32 to index
        %get3A_842 = tpu.vector_load %arg19[%get3A_840, %get3A_841] {strides = array<i32>} : memref<2x2048xf32, #tpu.memory_space<vmem>>, vector<1x16xf32>,
        %get3A_843 = vector.shape_cast %get3A_842 : vector<1x16xf32> to vector<16xf32>
        %add3A_844 = arith.addf %get3A_843, %get3A_809 : vector<16xf32>
        %swap3A_845 = arith.index_cast %select_n3A_789 : i32 to index
        %swap3A_846 = arith.index_cast %select_n3A_805 : i32 to index
        %swap3A_847 = tpu.vector_load %arg19[%swap3A_845, %swap3A_846] {strides = array<i32>} : memref<2x2048xf32, #tpu.memory_space<vmem>>, vector<1x16xf32>,
        %swap3A_848 = vector.shape_cast %swap3A_847 : vector<1x16xf32> to vector<16xf32>
        %swap3A_849 = vector.shape_cast %add3A_844 : vector<16xf32> to vector<1x16xf32>
        tpu.vector_store %arg19[%swap3A_845, %swap3A_846], %swap3A_849 {strides = array<i32>} : memref<2x2048xf32, #tpu.memory_space<vmem>>, vector<1x16xf32>,
      }
      %scan3A_375 = arith.constant 64 : i32
      %mul3A_376 = arith.constant 32 : i32
      %mul3A_377 = arith.muli %add3A_321, %mul3A_376 : i32
      %add3A_378 = arith.addi %mul3A_377, %add3A : i32
      %mul3A_379 = arith.constant 2 : i32
      %mul3A_380 = arith.muli %add3A_378, %mul3A_379 : i32
      %dma_start3A_381 = arith.constant 0 : i32
      %dma_start3A_382 = arith.constant 0 : i32
      %dma_start3A_383 = tpu.memref_slice %arg4[%dma_start3A_381, %mul3A_380, %dma_start3A_382] : memref<4x8192x2048xf32, #tpu.memory_space<hbm>> -> memref<1x2x2048xf32, #tpu.memory_space<hbm>>
      %dma_start3A_384 = tpu.memref_squeeze %dma_start3A_383 : memref<1x2x2048xf32, #tpu.memory_space<hbm>> -> memref<2x2048xf32, #tpu.memory_space<hbm>>
      %dma_start3A_385 = arith.constant 0 : i32
      %dma_start3A_386 = tpu.memref_slice %arg4[%dma_start3A_381, %mul3A_380, %dma_start3A_385] : memref<4x8192x2048xf32, #tpu.memory_space<hbm>> -> memref<1x2x2048xf32, #tpu.memory_space<hbm>>
      %dma_start3A_387 = tpu.memref_squeeze %dma_start3A_386 : memref<1x2x2048xf32, #tpu.memory_space<hbm>> -> memref<2x2048xf32, #tpu.memory_space<hbm>>
      tpu.enqueue_dma source(%arg16 : memref<2x2048xf32, #tpu.memory_space<vmem>>) target(%dma_start3A_387 : memref<2x2048xf32, #tpu.memory_space<hbm>>) target_semaphore(%arg31 : memref<!tpu.dma_semaphore, #tpu.memory_space<semaphore_mem>>)
      %dma_start3A_388 = arith.constant 1 : i32
      %dma_start3A_389 = arith.constant 0 : i32
      %dma_start3A_390 = tpu.memref_slice %arg4[%dma_start3A_388, %mul3A_380, %dma_start3A_389] : memref<4x8192x2048xf32, #tpu.memory_space<hbm>> -> memref<1x2x2048xf32, #tpu.memory_space<hbm>>
      %dma_start3A_391 = tpu.memref_squeeze %dma_start3A_390 : memref<1x2x2048xf32, #tpu.memory_space<hbm>> -> memref<2x2048xf32, #tpu.memory_space<hbm>>
      %dma_start3A_392 = arith.constant 0 : i32
      %dma_start3A_393 = tpu.memref_slice %arg4[%dma_start3A_388, %mul3A_380, %dma_start3A_392] : memref<4x8192x2048xf32, #tpu.memory_space<hbm>> -> memref<1x2x2048xf32, #tpu.memory_space<hbm>>
      %dma_start3A_394 = tpu.memref_squeeze %dma_start3A_393 : memref<1x2x2048xf32, #tpu.memory_space<hbm>> -> memref<2x2048xf32, #tpu.memory_space<hbm>>
      tpu.enqueue_dma source(%arg17 : memref<2x2048xf32, #tpu.memory_space<vmem>>) target(%dma_start3A_394 : memref<2x2048xf32, #tpu.memory_space<hbm>>) target_semaphore(%arg31 : memref<!tpu.dma_semaphore, #tpu.memory_space<semaphore_mem>>)
      %dma_start3A_395 = arith.constant 2 : i32
      %dma_start3A_396 = arith.constant 0 : i32
      %dma_start3A_397 = tpu.memref_slice %arg4[%dma_start3A_395, %mul3A_380, %dma_start3A_396] : memref<4x8192x2048xf32, #tpu.memory_space<hbm>> -> memref<1x2x2048xf32, #tpu.memory_space<hbm>>
      %dma_start3A_398 = tpu.memref_squeeze %dma_start3A_397 : memref<1x2x2048xf32, #tpu.memory_space<hbm>> -> memref<2x2048xf32, #tpu.memory_space<hbm>>
      %dma_start3A_399 = arith.constant 0 : i32
      %dma_start3A_400 = tpu.memref_slice %arg4[%dma_start3A_395, %mul3A_380, %dma_start3A_399] : memref<4x8192x2048xf32, #tpu.memory_space<hbm>> -> memref<1x2x2048xf32, #tpu.memory_space<hbm>>
      %dma_start3A_401 = tpu.memref_squeeze %dma_start3A_400 : memref<1x2x2048xf32, #tpu.memory_space<hbm>> -> memref<2x2048xf32, #tpu.memory_space<hbm>>
      tpu.enqueue_dma source(%arg18 : memref<2x2048xf32, #tpu.memory_space<vmem>>) target(%dma_start3A_401 : memref<2x2048xf32, #tpu.memory_space<hbm>>) target_semaphore(%arg31 : memref<!tpu.dma_semaphore, #tpu.memory_space<semaphore_mem>>)
      %dma_start3A_402 = arith.constant 3 : i32
      %dma_start3A_403 = arith.constant 0 : i32
      %dma_start3A_404 = tpu.memref_slice %arg4[%dma_start3A_402, %mul3A_380, %dma_start3A_403] : memref<4x8192x2048xf32, #tpu.memory_space<hbm>> -> memref<1x2x2048xf32, #tpu.memory_space<hbm>>
      %dma_start3A_405 = tpu.memref_squeeze %dma_start3A_404 : memref<1x2x2048xf32, #tpu.memory_space<hbm>> -> memref<2x2048xf32, #tpu.memory_space<hbm>>
      %dma_start3A_406 = arith.constant 0 : i32
      %dma_start3A_407 = tpu.memref_slice %arg4[%dma_start3A_402, %mul3A_380, %dma_start3A_406] : memref<4x8192x2048xf32, #tpu.memory_space<hbm>> -> memref<1x2x2048xf32, #tpu.memory_space<hbm>>
      %dma_start3A_408 = tpu.memref_squeeze %dma_start3A_407 : memref<1x2x2048xf32, #tpu.memory_space<hbm>> -> memref<2x2048xf32, #tpu.memory_space<hbm>>
      tpu.enqueue_dma source(%arg19 : memref<2x2048xf32, #tpu.memory_space<vmem>>) target(%dma_start3A_408 : memref<2x2048xf32, #tpu.memory_space<hbm>>) target_semaphore(%arg31 : memref<!tpu.dma_semaphore, #tpu.memory_space<semaphore_mem>>)
      %mul3A_409 = arith.constant 4 : i32
      %mul3A_410 = arith.muli %scan3A_139, %mul3A_409 : i32
      %add3A_411 = arith.constant 3 : i32
      %add3A_412 = arith.addi %mul3A_410, %add3A_411 : i32
      %ge3A_413 = arith.constant 2 : i32
      %ge3A_414 = arith.cmpi sge, %add3A_412, %ge3A_413 : i32
      %convert_element_type3A_415 = arith.extui %ge3A_414 : i1 to i32
      %cond3A_416 = arith.constant 0 : i32
      %cond3A_417 = arith.cmpi ne, %convert_element_type3A_415, %cond3A_416 : i32
      scf.if %cond3A_417 {
        %sub3A = arith.constant 2 : i32
        %sub3A_500 = arith.subi %add3A_412, %sub3A : i32
        %mul3A_501 = arith.constant 32 : i32
        %mul3A_502 = arith.muli %sub3A_500, %mul3A_501 : i32
        %add3A_503 = arith.addi %mul3A_502, %add3A : i32
        %mul3A_504 = arith.constant 2 : i32
        %mul3A_505 = arith.muli %add3A_503, %mul3A_504 : i32
        %dma_wait3A_506 = arith.constant 0 : i32
        %dma_wait3A_507 = arith.constant 0 : i32
        %dma_wait3A_508 = tpu.memref_slice %arg4[%dma_wait3A_506, %mul3A_505, %dma_wait3A_507] : memref<4x8192x2048xf32, #tpu.memory_space<hbm>> -> memref<1x2x2048xf32, #tpu.memory_space<hbm>>
        %dma_wait3A_509 = tpu.memref_squeeze %dma_wait3A_508 : memref<1x2x2048xf32, #tpu.memory_space<hbm>> -> memref<2x2048xf32, #tpu.memory_space<hbm>>
        %dma_wait3A_510 = arith.constant 0 : i32
        %dma_wait3A_511 = tpu.memref_slice %arg4[%dma_wait3A_506, %mul3A_505, %dma_wait3A_510] : memref<4x8192x2048xf32, #tpu.memory_space<hbm>> -> memref<1x2x2048xf32, #tpu.memory_space<hbm>>
        %dma_wait3A_512 = tpu.memref_squeeze %dma_wait3A_511 : memref<1x2x2048xf32, #tpu.memory_space<hbm>> -> memref<2x2048xf32, #tpu.memory_space<hbm>>
        tpu.wait_dma2 semaphore(%arg30 : memref<!tpu.dma_semaphore, #tpu.memory_space<semaphore_mem>>) src(%arg11 : memref<2x2048xf32, #tpu.memory_space<vmem>>) dst(%dma_wait3A_512 : memref<2x2048xf32, #tpu.memory_space<hbm>>)
        %dma_wait3A_513 = arith.constant 1 : i32
        %dma_wait3A_514 = arith.constant 0 : i32
        %dma_wait3A_515 = tpu.memref_slice %arg4[%dma_wait3A_513, %mul3A_505, %dma_wait3A_514] : memref<4x8192x2048xf32, #tpu.memory_space<hbm>> -> memref<1x2x2048xf32, #tpu.memory_space<hbm>>
        %dma_wait3A_516 = tpu.memref_squeeze %dma_wait3A_515 : memref<1x2x2048xf32, #tpu.memory_space<hbm>> -> memref<2x2048xf32, #tpu.memory_space<hbm>>
        %dma_wait3A_517 = arith.constant 0 : i32
        %dma_wait3A_518 = tpu.memref_slice %arg4[%dma_wait3A_513, %mul3A_505, %dma_wait3A_517] : memref<4x8192x2048xf32, #tpu.memory_space<hbm>> -> memref<1x2x2048xf32, #tpu.memory_space<hbm>>
        %dma_wait3A_519 = tpu.memref_squeeze %dma_wait3A_518 : memref<1x2x2048xf32, #tpu.memory_space<hbm>> -> memref<2x2048xf32, #tpu.memory_space<hbm>>
        tpu.wait_dma2 semaphore(%arg30 : memref<!tpu.dma_semaphore, #tpu.memory_space<semaphore_mem>>) src(%arg12 : memref<2x2048xf32, #tpu.memory_space<vmem>>) dst(%dma_wait3A_519 : memref<2x2048xf32, #tpu.memory_space<hbm>>)
        %dma_wait3A_520 = arith.constant 2 : i32
        %dma_wait3A_521 = arith.constant 0 : i32
        %dma_wait3A_522 = tpu.memref_slice %arg4[%dma_wait3A_520, %mul3A_505, %dma_wait3A_521] : memref<4x8192x2048xf32, #tpu.memory_space<hbm>> -> memref<1x2x2048xf32, #tpu.memory_space<hbm>>
        %dma_wait3A_523 = tpu.memref_squeeze %dma_wait3A_522 : memref<1x2x2048xf32, #tpu.memory_space<hbm>> -> memref<2x2048xf32, #tpu.memory_space<hbm>>
        %dma_wait3A_524 = arith.constant 0 : i32
        %dma_wait3A_525 = tpu.memref_slice %arg4[%dma_wait3A_520, %mul3A_505, %dma_wait3A_524] : memref<4x8192x2048xf32, #tpu.memory_space<hbm>> -> memref<1x2x2048xf32, #tpu.memory_space<hbm>>
        %dma_wait3A_526 = tpu.memref_squeeze %dma_wait3A_525 : memref<1x2x2048xf32, #tpu.memory_space<hbm>> -> memref<2x2048xf32, #tpu.memory_space<hbm>>
        tpu.wait_dma2 semaphore(%arg30 : memref<!tpu.dma_semaphore, #tpu.memory_space<semaphore_mem>>) src(%arg13 : memref<2x2048xf32, #tpu.memory_space<vmem>>) dst(%dma_wait3A_526 : memref<2x2048xf32, #tpu.memory_space<hbm>>)
        %dma_wait3A_527 = arith.constant 3 : i32
        %dma_wait3A_528 = arith.constant 0 : i32
        %dma_wait3A_529 = tpu.memref_slice %arg4[%dma_wait3A_527, %mul3A_505, %dma_wait3A_528] : memref<4x8192x2048xf32, #tpu.memory_space<hbm>> -> memref<1x2x2048xf32, #tpu.memory_space<hbm>>
        %dma_wait3A_530 = tpu.memref_squeeze %dma_wait3A_529 : memref<1x2x2048xf32, #tpu.memory_space<hbm>> -> memref<2x2048xf32, #tpu.memory_space<hbm>>
        %dma_wait3A_531 = arith.constant 0 : i32
        %dma_wait3A_532 = tpu.memref_slice %arg4[%dma_wait3A_527, %mul3A_505, %dma_wait3A_531] : memref<4x8192x2048xf32, #tpu.memory_space<hbm>> -> memref<1x2x2048xf32, #tpu.memory_space<hbm>>
        %dma_wait3A_533 = tpu.memref_squeeze %dma_wait3A_532 : memref<1x2x2048xf32, #tpu.memory_space<hbm>> -> memref<2x2048xf32, #tpu.memory_space<hbm>>
        tpu.wait_dma2 semaphore(%arg30 : memref<!tpu.dma_semaphore, #tpu.memory_space<semaphore_mem>>) src(%arg14 : memref<2x2048xf32, #tpu.memory_space<vmem>>) dst(%dma_wait3A_533 : memref<2x2048xf32, #tpu.memory_space<hbm>>)
      } else {
      }
      %add3A_418 = arith.constant 2 : i32
      %add3A_419 = arith.addi %add3A_412, %add3A_418 : i32
      %lt3A_420 = arith.constant 128 : i32
      %lt3A_421 = arith.cmpi slt, %add3A_419, %lt3A_420 : i32
      %convert_element_type3A_422 = arith.extui %lt3A_421 : i1 to i32
      %cond3A_423 = arith.constant 0 : i32
      %cond3A_424 = arith.cmpi ne, %convert_element_type3A_422, %cond3A_423 : i32
      scf.if %cond3A_424 {
        %add3A_500 = arith.constant 2 : i32
        %add3A_501 = arith.addi %add3A_412, %add3A_500 : i32
        %mul3A_502 = arith.constant 32 : i32
        %mul3A_503 = arith.muli %add3A_501, %mul3A_502 : i32
        %add3A_504 = arith.addi %mul3A_503, %add3A : i32
        %mul3A_505 = arith.constant 2 : i32
        %mul3A_506 = arith.muli %add3A_504, %mul3A_505 : i32
        %dma_start3A_507 = arith.constant 0 : i32
        %dma_start3A_508 = tpu.memref_slice %arg3[%mul3A_506, %dma_start3A_507] : memref<8192x2048xf32, #tpu.memory_space<hbm>> -> memref<2x2048xf32, #tpu.memory_space<hbm>>
        %dma_start3A_509 = arith.constant 0 : i32
        %dma_start3A_510 = tpu.memref_slice %arg3[%mul3A_506, %dma_start3A_509] : memref<8192x2048xf32, #tpu.memory_space<hbm>> -> memref<2x2048xf32, #tpu.memory_space<hbm>>
        tpu.enqueue_dma source(%dma_start3A_510 : memref<2x2048xf32, #tpu.memory_space<hbm>>) target(%arg10 : memref<2x2048xf32, #tpu.memory_space<vmem>>) target_semaphore(%arg26 : memref<!tpu.dma_semaphore, #tpu.memory_space<semaphore_mem>>)
        %dma_start3A_511 = arith.constant 0 : i32
        %dma_start3A_512 = arith.constant 0 : i32
        %dma_start3A_513 = tpu.memref_slice %arg2[%dma_start3A_511, %mul3A_506, %dma_start3A_512] : memref<4x8192x2048xf32, #tpu.memory_space<hbm>> -> memref<1x2x2048xf32, #tpu.memory_space<hbm>>
        %dma_start3A_514 = tpu.memref_squeeze %dma_start3A_513 : memref<1x2x2048xf32, #tpu.memory_space<hbm>> -> memref<2x2048xf32, #tpu.memory_space<hbm>>
        %dma_start3A_515 = arith.constant 0 : i32
        %dma_start3A_516 = tpu.memref_slice %arg2[%dma_start3A_511, %mul3A_506, %dma_start3A_515] : memref<4x8192x2048xf32, #tpu.memory_space<hbm>> -> memref<1x2x2048xf32, #tpu.memory_space<hbm>>
        %dma_start3A_517 = tpu.memref_squeeze %dma_start3A_516 : memref<1x2x2048xf32, #tpu.memory_space<hbm>> -> memref<2x2048xf32, #tpu.memory_space<hbm>>
        tpu.enqueue_dma source(%dma_start3A_517 : memref<2x2048xf32, #tpu.memory_space<hbm>>) target(%arg11 : memref<2x2048xf32, #tpu.memory_space<vmem>>) target_semaphore(%arg26 : memref<!tpu.dma_semaphore, #tpu.memory_space<semaphore_mem>>)
        %dma_start3A_518 = arith.constant 1 : i32
        %dma_start3A_519 = arith.constant 0 : i32
        %dma_start3A_520 = tpu.memref_slice %arg2[%dma_start3A_518, %mul3A_506, %dma_start3A_519] : memref<4x8192x2048xf32, #tpu.memory_space<hbm>> -> memref<1x2x2048xf32, #tpu.memory_space<hbm>>
        %dma_start3A_521 = tpu.memref_squeeze %dma_start3A_520 : memref<1x2x2048xf32, #tpu.memory_space<hbm>> -> memref<2x2048xf32, #tpu.memory_space<hbm>>
        %dma_start3A_522 = arith.constant 0 : i32
        %dma_start3A_523 = tpu.memref_slice %arg2[%dma_start3A_518, %mul3A_506, %dma_start3A_522] : memref<4x8192x2048xf32, #tpu.memory_space<hbm>> -> memref<1x2x2048xf32, #tpu.memory_space<hbm>>
        %dma_start3A_524 = tpu.memref_squeeze %dma_start3A_523 : memref<1x2x2048xf32, #tpu.memory_space<hbm>> -> memref<2x2048xf32, #tpu.memory_space<hbm>>
        tpu.enqueue_dma source(%dma_start3A_524 : memref<2x2048xf32, #tpu.memory_space<hbm>>) target(%arg12 : memref<2x2048xf32, #tpu.memory_space<vmem>>) target_semaphore(%arg26 : memref<!tpu.dma_semaphore, #tpu.memory_space<semaphore_mem>>)
        %dma_start3A_525 = arith.constant 2 : i32
        %dma_start3A_526 = arith.constant 0 : i32
        %dma_start3A_527 = tpu.memref_slice %arg2[%dma_start3A_525, %mul3A_506, %dma_start3A_526] : memref<4x8192x2048xf32, #tpu.memory_space<hbm>> -> memref<1x2x2048xf32, #tpu.memory_space<hbm>>
        %dma_start3A_528 = tpu.memref_squeeze %dma_start3A_527 : memref<1x2x2048xf32, #tpu.memory_space<hbm>> -> memref<2x2048xf32, #tpu.memory_space<hbm>>
        %dma_start3A_529 = arith.constant 0 : i32
        %dma_start3A_530 = tpu.memref_slice %arg2[%dma_start3A_525, %mul3A_506, %dma_start3A_529] : memref<4x8192x2048xf32, #tpu.memory_space<hbm>> -> memref<1x2x2048xf32, #tpu.memory_space<hbm>>
        %dma_start3A_531 = tpu.memref_squeeze %dma_start3A_530 : memref<1x2x2048xf32, #tpu.memory_space<hbm>> -> memref<2x2048xf32, #tpu.memory_space<hbm>>
        tpu.enqueue_dma source(%dma_start3A_531 : memref<2x2048xf32, #tpu.memory_space<hbm>>) target(%arg13 : memref<2x2048xf32, #tpu.memory_space<vmem>>) target_semaphore(%arg26 : memref<!tpu.dma_semaphore, #tpu.memory_space<semaphore_mem>>)
        %dma_start3A_532 = arith.constant 3 : i32
        %dma_start3A_533 = arith.constant 0 : i32
        %dma_start3A_534 = tpu.memref_slice %arg2[%dma_start3A_532, %mul3A_506, %dma_start3A_533] : memref<4x8192x2048xf32, #tpu.memory_space<hbm>> -> memref<1x2x2048xf32, #tpu.memory_space<hbm>>
        %dma_start3A_535 = tpu.memref_squeeze %dma_start3A_534 : memref<1x2x2048xf32, #tpu.memory_space<hbm>> -> memref<2x2048xf32, #tpu.memory_space<hbm>>
        %dma_start3A_536 = arith.constant 0 : i32
        %dma_start3A_537 = tpu.memref_slice %arg2[%dma_start3A_532, %mul3A_506, %dma_start3A_536] : memref<4x8192x2048xf32, #tpu.memory_space<hbm>> -> memref<1x2x2048xf32, #tpu.memory_space<hbm>>
        %dma_start3A_538 = tpu.memref_squeeze %dma_start3A_537 : memref<1x2x2048xf32, #tpu.memory_space<hbm>> -> memref<2x2048xf32, #tpu.memory_space<hbm>>
        tpu.enqueue_dma source(%dma_start3A_538 : memref<2x2048xf32, #tpu.memory_space<hbm>>) target(%arg14 : memref<2x2048xf32, #tpu.memory_space<vmem>>) target_semaphore(%arg26 : memref<!tpu.dma_semaphore, #tpu.memory_space<semaphore_mem>>)
      } else {
      }
      %mul3A_425 = arith.constant 32 : i32
      %mul3A_426 = arith.muli %add3A_412, %mul3A_425 : i32
      %add3A_427 = arith.addi %mul3A_426, %add3A : i32
      %mul3A_428 = arith.constant 2 : i32
      %mul3A_429 = arith.muli %add3A_427, %mul3A_428 : i32
      %dma_wait3A_430 = arith.constant 0 : i32
      %dma_wait3A_431 = tpu.memref_slice %arg3[%mul3A_429, %dma_wait3A_430] : memref<8192x2048xf32, #tpu.memory_space<hbm>> -> memref<2x2048xf32, #tpu.memory_space<hbm>>
      %dma_wait3A_432 = arith.constant 0 : i32
      %dma_wait3A_433 = tpu.memref_slice %arg3[%mul3A_429, %dma_wait3A_432] : memref<8192x2048xf32, #tpu.memory_space<hbm>> -> memref<2x2048xf32, #tpu.memory_space<hbm>>
      tpu.wait_dma2 semaphore(%arg28 : memref<!tpu.dma_semaphore, #tpu.memory_space<semaphore_mem>>) src(%dma_wait3A_433 : memref<2x2048xf32, #tpu.memory_space<hbm>>) dst(%arg20 : memref<2x2048xf32, #tpu.memory_space<vmem>>)
      %dma_wait3A_434 = arith.constant 0 : i32
      %dma_wait3A_435 = arith.constant 0 : i32
      %dma_wait3A_436 = tpu.memref_slice %arg2[%dma_wait3A_434, %mul3A_429, %dma_wait3A_435] : memref<4x8192x2048xf32, #tpu.memory_space<hbm>> -> memref<1x2x2048xf32, #tpu.memory_space<hbm>>
      %dma_wait3A_437 = tpu.memref_squeeze %dma_wait3A_436 : memref<1x2x2048xf32, #tpu.memory_space<hbm>> -> memref<2x2048xf32, #tpu.memory_space<hbm>>
      %dma_wait3A_438 = arith.constant 0 : i32
      %dma_wait3A_439 = tpu.memref_slice %arg2[%dma_wait3A_434, %mul3A_429, %dma_wait3A_438] : memref<4x8192x2048xf32, #tpu.memory_space<hbm>> -> memref<1x2x2048xf32, #tpu.memory_space<hbm>>
      %dma_wait3A_440 = tpu.memref_squeeze %dma_wait3A_439 : memref<1x2x2048xf32, #tpu.memory_space<hbm>> -> memref<2x2048xf32, #tpu.memory_space<hbm>>
      tpu.wait_dma2 semaphore(%arg28 : memref<!tpu.dma_semaphore, #tpu.memory_space<semaphore_mem>>) src(%dma_wait3A_440 : memref<2x2048xf32, #tpu.memory_space<hbm>>) dst(%arg21 : memref<2x2048xf32, #tpu.memory_space<vmem>>)
      %dma_wait3A_441 = arith.constant 1 : i32
      %dma_wait3A_442 = arith.constant 0 : i32
      %dma_wait3A_443 = tpu.memref_slice %arg2[%dma_wait3A_441, %mul3A_429, %dma_wait3A_442] : memref<4x8192x2048xf32, #tpu.memory_space<hbm>> -> memref<1x2x2048xf32, #tpu.memory_space<hbm>>
      %dma_wait3A_444 = tpu.memref_squeeze %dma_wait3A_443 : memref<1x2x2048xf32, #tpu.memory_space<hbm>> -> memref<2x2048xf32, #tpu.memory_space<hbm>>
      %dma_wait3A_445 = arith.constant 0 : i32
      %dma_wait3A_446 = tpu.memref_slice %arg2[%dma_wait3A_441, %mul3A_429, %dma_wait3A_445] : memref<4x8192x2048xf32, #tpu.memory_space<hbm>> -> memref<1x2x2048xf32, #tpu.memory_space<hbm>>
      %dma_wait3A_447 = tpu.memref_squeeze %dma_wait3A_446 : memref<1x2x2048xf32, #tpu.memory_space<hbm>> -> memref<2x2048xf32, #tpu.memory_space<hbm>>
      tpu.wait_dma2 semaphore(%arg28 : memref<!tpu.dma_semaphore, #tpu.memory_space<semaphore_mem>>) src(%dma_wait3A_447 : memref<2x2048xf32, #tpu.memory_space<hbm>>) dst(%arg22 : memref<2x2048xf32, #tpu.memory_space<vmem>>)
      %dma_wait3A_448 = arith.constant 2 : i32
      %dma_wait3A_449 = arith.constant 0 : i32
      %dma_wait3A_450 = tpu.memref_slice %arg2[%dma_wait3A_448, %mul3A_429, %dma_wait3A_449] : memref<4x8192x2048xf32, #tpu.memory_space<hbm>> -> memref<1x2x2048xf32, #tpu.memory_space<hbm>>
      %dma_wait3A_451 = tpu.memref_squeeze %dma_wait3A_450 : memref<1x2x2048xf32, #tpu.memory_space<hbm>> -> memref<2x2048xf32, #tpu.memory_space<hbm>>
      %dma_wait3A_452 = arith.constant 0 : i32
      %dma_wait3A_453 = tpu.memref_slice %arg2[%dma_wait3A_448, %mul3A_429, %dma_wait3A_452] : memref<4x8192x2048xf32, #tpu.memory_space<hbm>> -> memref<1x2x2048xf32, #tpu.memory_space<hbm>>
      %dma_wait3A_454 = tpu.memref_squeeze %dma_wait3A_453 : memref<1x2x2048xf32, #tpu.memory_space<hbm>> -> memref<2x2048xf32, #tpu.memory_space<hbm>>
      tpu.wait_dma2 semaphore(%arg28 : memref<!tpu.dma_semaphore, #tpu.memory_space<semaphore_mem>>) src(%dma_wait3A_454 : memref<2x2048xf32, #tpu.memory_space<hbm>>) dst(%arg23 : memref<2x2048xf32, #tpu.memory_space<vmem>>)
      %dma_wait3A_455 = arith.constant 3 : i32
      %dma_wait3A_456 = arith.constant 0 : i32
      %dma_wait3A_457 = tpu.memref_slice %arg2[%dma_wait3A_455, %mul3A_429, %dma_wait3A_456] : memref<4x8192x2048xf32, #tpu.memory_space<hbm>> -> memref<1x2x2048xf32, #tpu.memory_space<hbm>>
      %dma_wait3A_458 = tpu.memref_squeeze %dma_wait3A_457 : memref<1x2x2048xf32, #tpu.memory_space<hbm>> -> memref<2x2048xf32, #tpu.memory_space<hbm>>
      %dma_wait3A_459 = arith.constant 0 : i32
      %dma_wait3A_460 = tpu.memref_slice %arg2[%dma_wait3A_455, %mul3A_429, %dma_wait3A_459] : memref<4x8192x2048xf32, #tpu.memory_space<hbm>> -> memref<1x2x2048xf32, #tpu.memory_space<hbm>>
      %dma_wait3A_461 = tpu.memref_squeeze %dma_wait3A_460 : memref<1x2x2048xf32, #tpu.memory_space<hbm>> -> memref<2x2048xf32, #tpu.memory_space<hbm>>
      tpu.wait_dma2 semaphore(%arg28 : memref<!tpu.dma_semaphore, #tpu.memory_space<semaphore_mem>>) src(%dma_wait3A_461 : memref<2x2048xf32, #tpu.memory_space<hbm>>) dst(%arg24 : memref<2x2048xf32, #tpu.memory_space<vmem>>)
      %scan3A_462 = arith.constant 0 : i32
      %scan3A_463 = arith.constant 64 : i32
      %scan3A_464 = arith.addi %scan3A_462, %scan3A_463 : i32
      %scan3A_465 = arith.constant 1 : i32
      scf.for %scan3A_500 = %scan3A_462 to %scan3A_464 step %scan3A_465  : i32 {
        %mul3A_501 = arith.constant 4 : i32
        %mul3A_502 = arith.muli %scan3A_500, %mul3A_501 : i32
        %add3A_503 = arith.constant 0 : i32
        %add3A_504 = arith.addi %mul3A_502, %add3A_503 : i32
        %mul3A_505 = arith.constant 16 : i32
        %mul3A_506 = arith.muli %add3A_504, %mul3A_505 : i32
        %jit3A = arith.constant 2048 : i32
        %div3A = arith.divsi %mul3A_506, %jit3A : i32
        %sign3A = arith.constant 0 : i32
        %sign3A_507 = arith.cmpi sgt, %mul3A_506, %sign3A : i32
        %sign3A_508 = arith.extui %sign3A_507 : i1 to i32
        %sign3A_509 = arith.constant 0 : i32
        %sign3A_510 = arith.cmpi slt, %mul3A_506, %sign3A_509 : i32
        %sign3A_511 = arith.extui %sign3A_510 : i1 to i32
        %sign3A_512 = arith.subi %sign3A_508, %sign3A_511 : i32
        %sign3A_513 = arith.constant 0 : i32
        %sign3A_514 = arith.cmpi sgt, %jit3A, %sign3A_513 : i32
        %sign3A_515 = arith.extui %sign3A_514 : i1 to i32
        %sign3A_516 = arith.constant 0 : i32
        %sign3A_517 = arith.cmpi slt, %jit3A, %sign3A_516 : i32
        %sign3A_518 = arith.extui %sign3A_517 : i1 to i32
        %sign3A_519 = arith.subi %sign3A_515, %sign3A_518 : i32
        %ne3A = arith.cmpi ne, %sign3A_512, %sign3A_519 : i32
        %rem3A = arith.remsi %mul3A_506, %jit3A : i32
        %ne3A_520 = arith.constant 0 : i32
        %ne3A_521 = arith.cmpi ne, %rem3A, %ne3A_520 : i32
        %and3A = arith.andi %ne3A, %ne3A_521 : i1
        %sub3A = arith.constant 1 : i32
        %sub3A_522 = arith.subi %div3A, %sub3A : i32
        %select_n3A = arith.select %and3A, %sub3A_522, %div3A : i32
        %jit3A_523 = arith.constant 2048 : i32
        %eq3A = arith.constant 0 : i32
        %eq3A_524 = arith.cmpi eq, %jit3A_523, %eq3A : i32
        %jit3A_525 = arith.constant 1 : i32
        %select_n3A_526 = arith.select %eq3A_524, %jit3A_525, %jit3A_523 : i32
        %rem3A_527 = arith.remsi %mul3A_506, %select_n3A_526 : i32
        %ne3A_528 = arith.constant 0 : i32
        %ne3A_529 = arith.cmpi ne, %rem3A_527, %ne3A_528 : i32
        %lt3A_530 = arith.constant 0 : i32
        %lt3A_531 = arith.cmpi slt, %rem3A_527, %lt3A_530 : i32
        %lt3A_532 = arith.constant 0 : i32
        %lt3A_533 = arith.cmpi slt, %select_n3A_526, %lt3A_532 : i32
        %ne3A_534 = arith.xori %lt3A_531, %lt3A_533 : i1
        %and3A_535 = arith.andi %ne3A_534, %ne3A_529 : i1
        %add3A_536 = arith.addi %rem3A_527, %select_n3A_526 : i32
        %select_n3A_537 = arith.select %and3A_535, %add3A_536, %rem3A_527 : i32
        %get3A = arith.index_cast %select_n3A : i32 to index
        %get3A_538 = arith.index_cast %select_n3A_537 : i32 to index
        %get3A_539 = tpu.vector_load %arg20[%get3A, %get3A_538] {strides = array<i32>} : memref<2x2048xf32, #tpu.memory_space<vmem>>, vector<1x16xf32>,
        %get3A_540 = vector.shape_cast %get3A_539 : vector<1x16xf32> to vector<16xf32>
        %get3A_541 = arith.index_cast %select_n3A : i32 to index
        %get3A_542 = arith.index_cast %select_n3A_537 : i32 to index
        %get3A_543 = tpu.vector_load %arg21[%get3A_541, %get3A_542] {strides = array<i32>} : memref<2x2048xf32, #tpu.memory_space<vmem>>, vector<1x16xf32>,
        %get3A_544 = vector.shape_cast %get3A_543 : vector<1x16xf32> to vector<16xf32>
        %add3A_545 = arith.addf %get3A_544, %get3A_540 : vector<16xf32>
        %swap3A = arith.index_cast %select_n3A : i32 to index
        %swap3A_546 = arith.index_cast %select_n3A_537 : i32 to index
        %swap3A_547 = tpu.vector_load %arg21[%swap3A, %swap3A_546] {strides = array<i32>} : memref<2x2048xf32, #tpu.memory_space<vmem>>, vector<1x16xf32>,
        %swap3A_548 = vector.shape_cast %swap3A_547 : vector<1x16xf32> to vector<16xf32>
        %swap3A_549 = vector.shape_cast %add3A_545 : vector<16xf32> to vector<1x16xf32>
        tpu.vector_store %arg21[%swap3A, %swap3A_546], %swap3A_549 {strides = array<i32>} : memref<2x2048xf32, #tpu.memory_space<vmem>>, vector<1x16xf32>,
        %get3A_550 = arith.index_cast %select_n3A : i32 to index
        %get3A_551 = arith.index_cast %select_n3A_537 : i32 to index
        %get3A_552 = tpu.vector_load %arg22[%get3A_550, %get3A_551] {strides = array<i32>} : memref<2x2048xf32, #tpu.memory_space<vmem>>, vector<1x16xf32>,
        %get3A_553 = vector.shape_cast %get3A_552 : vector<1x16xf32> to vector<16xf32>
        %add3A_554 = arith.addf %get3A_553, %get3A_540 : vector<16xf32>
        %swap3A_555 = arith.index_cast %select_n3A : i32 to index
        %swap3A_556 = arith.index_cast %select_n3A_537 : i32 to index
        %swap3A_557 = tpu.vector_load %arg22[%swap3A_555, %swap3A_556] {strides = array<i32>} : memref<2x2048xf32, #tpu.memory_space<vmem>>, vector<1x16xf32>,
        %swap3A_558 = vector.shape_cast %swap3A_557 : vector<1x16xf32> to vector<16xf32>
        %swap3A_559 = vector.shape_cast %add3A_554 : vector<16xf32> to vector<1x16xf32>
        tpu.vector_store %arg22[%swap3A_555, %swap3A_556], %swap3A_559 {strides = array<i32>} : memref<2x2048xf32, #tpu.memory_space<vmem>>, vector<1x16xf32>,
        %get3A_560 = arith.index_cast %select_n3A : i32 to index
        %get3A_561 = arith.index_cast %select_n3A_537 : i32 to index
        %get3A_562 = tpu.vector_load %arg23[%get3A_560, %get3A_561] {strides = array<i32>} : memref<2x2048xf32, #tpu.memory_space<vmem>>, vector<1x16xf32>,
        %get3A_563 = vector.shape_cast %get3A_562 : vector<1x16xf32> to vector<16xf32>
        %add3A_564 = arith.addf %get3A_563, %get3A_540 : vector<16xf32>
        %swap3A_565 = arith.index_cast %select_n3A : i32 to index
        %swap3A_566 = arith.index_cast %select_n3A_537 : i32 to index
        %swap3A_567 = tpu.vector_load %arg23[%swap3A_565, %swap3A_566] {strides = array<i32>} : memref<2x2048xf32, #tpu.memory_space<vmem>>, vector<1x16xf32>,
        %swap3A_568 = vector.shape_cast %swap3A_567 : vector<1x16xf32> to vector<16xf32>
        %swap3A_569 = vector.shape_cast %add3A_564 : vector<16xf32> to vector<1x16xf32>
        tpu.vector_store %arg23[%swap3A_565, %swap3A_566], %swap3A_569 {strides = array<i32>} : memref<2x2048xf32, #tpu.memory_space<vmem>>, vector<1x16xf32>,
        %get3A_570 = arith.index_cast %select_n3A : i32 to index
        %get3A_571 = arith.index_cast %select_n3A_537 : i32 to index
        %get3A_572 = tpu.vector_load %arg24[%get3A_570, %get3A_571] {strides = array<i32>} : memref<2x2048xf32, #tpu.memory_space<vmem>>, vector<1x16xf32>,
        %get3A_573 = vector.shape_cast %get3A_572 : vector<1x16xf32> to vector<16xf32>
        %add3A_574 = arith.addf %get3A_573, %get3A_540 : vector<16xf32>
        %swap3A_575 = arith.index_cast %select_n3A : i32 to index
        %swap3A_576 = arith.index_cast %select_n3A_537 : i32 to index
        %swap3A_577 = tpu.vector_load %arg24[%swap3A_575, %swap3A_576] {strides = array<i32>} : memref<2x2048xf32, #tpu.memory_space<vmem>>, vector<1x16xf32>,
        %swap3A_578 = vector.shape_cast %swap3A_577 : vector<1x16xf32> to vector<16xf32>
        %swap3A_579 = vector.shape_cast %add3A_574 : vector<16xf32> to vector<1x16xf32>
        tpu.vector_store %arg24[%swap3A_575, %swap3A_576], %swap3A_579 {strides = array<i32>} : memref<2x2048xf32, #tpu.memory_space<vmem>>, vector<1x16xf32>,
        %mul3A_580 = arith.constant 4 : i32
        %mul3A_581 = arith.muli %scan3A_500, %mul3A_580 : i32
        %add3A_582 = arith.constant 1 : i32
        %add3A_583 = arith.addi %mul3A_581, %add3A_582 : i32
        %mul3A_584 = arith.constant 16 : i32
        %mul3A_585 = arith.muli %add3A_583, %mul3A_584 : i32
        %jit3A_586 = arith.constant 2048 : i32
        %div3A_587 = arith.divsi %mul3A_585, %jit3A_586 : i32
        %sign3A_588 = arith.constant 0 : i32
        %sign3A_589 = arith.cmpi sgt, %mul3A_585, %sign3A_588 : i32
        %sign3A_590 = arith.extui %sign3A_589 : i1 to i32
        %sign3A_591 = arith.constant 0 : i32
        %sign3A_592 = arith.cmpi slt, %mul3A_585, %sign3A_591 : i32
        %sign3A_593 = arith.extui %sign3A_592 : i1 to i32
        %sign3A_594 = arith.subi %sign3A_590, %sign3A_593 : i32
        %sign3A_595 = arith.constant 0 : i32
        %sign3A_596 = arith.cmpi sgt, %jit3A_586, %sign3A_595 : i32
        %sign3A_597 = arith.extui %sign3A_596 : i1 to i32
        %sign3A_598 = arith.constant 0 : i32
        %sign3A_599 = arith.cmpi slt, %jit3A_586, %sign3A_598 : i32
        %sign3A_600 = arith.extui %sign3A_599 : i1 to i32
        %sign3A_601 = arith.subi %sign3A_597, %sign3A_600 : i32
        %ne3A_602 = arith.cmpi ne, %sign3A_594, %sign3A_601 : i32
        %rem3A_603 = arith.remsi %mul3A_585, %jit3A_586 : i32
        %ne3A_604 = arith.constant 0 : i32
        %ne3A_605 = arith.cmpi ne, %rem3A_603, %ne3A_604 : i32
        %and3A_606 = arith.andi %ne3A_602, %ne3A_605 : i1
        %sub3A_607 = arith.constant 1 : i32
        %sub3A_608 = arith.subi %div3A_587, %sub3A_607 : i32
        %select_n3A_609 = arith.select %and3A_606, %sub3A_608, %div3A_587 : i32
        %jit3A_610 = arith.constant 2048 : i32
        %eq3A_611 = arith.constant 0 : i32
        %eq3A_612 = arith.cmpi eq, %jit3A_610, %eq3A_611 : i32
        %jit3A_613 = arith.constant 1 : i32
        %select_n3A_614 = arith.select %eq3A_612, %jit3A_613, %jit3A_610 : i32
        %rem3A_615 = arith.remsi %mul3A_585, %select_n3A_614 : i32
        %ne3A_616 = arith.constant 0 : i32
        %ne3A_617 = arith.cmpi ne, %rem3A_615, %ne3A_616 : i32
        %lt3A_618 = arith.constant 0 : i32
        %lt3A_619 = arith.cmpi slt, %rem3A_615, %lt3A_618 : i32
        %lt3A_620 = arith.constant 0 : i32
        %lt3A_621 = arith.cmpi slt, %select_n3A_614, %lt3A_620 : i32
        %ne3A_622 = arith.xori %lt3A_619, %lt3A_621 : i1
        %and3A_623 = arith.andi %ne3A_622, %ne3A_617 : i1
        %add3A_624 = arith.addi %rem3A_615, %select_n3A_614 : i32
        %select_n3A_625 = arith.select %and3A_623, %add3A_624, %rem3A_615 : i32
        %get3A_626 = arith.index_cast %select_n3A_609 : i32 to index
        %get3A_627 = arith.index_cast %select_n3A_625 : i32 to index
        %get3A_628 = tpu.vector_load %arg20[%get3A_626, %get3A_627] {strides = array<i32>} : memref<2x2048xf32, #tpu.memory_space<vmem>>, vector<1x16xf32>,
        %get3A_629 = vector.shape_cast %get3A_628 : vector<1x16xf32> to vector<16xf32>
        %get3A_630 = arith.index_cast %select_n3A_609 : i32 to index
        %get3A_631 = arith.index_cast %select_n3A_625 : i32 to index
        %get3A_632 = tpu.vector_load %arg21[%get3A_630, %get3A_631] {strides = array<i32>} : memref<2x2048xf32, #tpu.memory_space<vmem>>, vector<1x16xf32>,
        %get3A_633 = vector.shape_cast %get3A_632 : vector<1x16xf32> to vector<16xf32>
        %add3A_634 = arith.addf %get3A_633, %get3A_629 : vector<16xf32>
        %swap3A_635 = arith.index_cast %select_n3A_609 : i32 to index
        %swap3A_636 = arith.index_cast %select_n3A_625 : i32 to index
        %swap3A_637 = tpu.vector_load %arg21[%swap3A_635, %swap3A_636] {strides = array<i32>} : memref<2x2048xf32, #tpu.memory_space<vmem>>, vector<1x16xf32>,
        %swap3A_638 = vector.shape_cast %swap3A_637 : vector<1x16xf32> to vector<16xf32>
        %swap3A_639 = vector.shape_cast %add3A_634 : vector<16xf32> to vector<1x16xf32>
        tpu.vector_store %arg21[%swap3A_635, %swap3A_636], %swap3A_639 {strides = array<i32>} : memref<2x2048xf32, #tpu.memory_space<vmem>>, vector<1x16xf32>,
        %get3A_640 = arith.index_cast %select_n3A_609 : i32 to index
        %get3A_641 = arith.index_cast %select_n3A_625 : i32 to index
        %get3A_642 = tpu.vector_load %arg22[%get3A_640, %get3A_641] {strides = array<i32>} : memref<2x2048xf32, #tpu.memory_space<vmem>>, vector<1x16xf32>,
        %get3A_643 = vector.shape_cast %get3A_642 : vector<1x16xf32> to vector<16xf32>
        %add3A_644 = arith.addf %get3A_643, %get3A_629 : vector<16xf32>
        %swap3A_645 = arith.index_cast %select_n3A_609 : i32 to index
        %swap3A_646 = arith.index_cast %select_n3A_625 : i32 to index
        %swap3A_647 = tpu.vector_load %arg22[%swap3A_645, %swap3A_646] {strides = array<i32>} : memref<2x2048xf32, #tpu.memory_space<vmem>>, vector<1x16xf32>,
        %swap3A_648 = vector.shape_cast %swap3A_647 : vector<1x16xf32> to vector<16xf32>
        %swap3A_649 = vector.shape_cast %add3A_644 : vector<16xf32> to vector<1x16xf32>
        tpu.vector_store %arg22[%swap3A_645, %swap3A_646], %swap3A_649 {strides = array<i32>} : memref<2x2048xf32, #tpu.memory_space<vmem>>, vector<1x16xf32>,
        %get3A_650 = arith.index_cast %select_n3A_609 : i32 to index
        %get3A_651 = arith.index_cast %select_n3A_625 : i32 to index
        %get3A_652 = tpu.vector_load %arg23[%get3A_650, %get3A_651] {strides = array<i32>} : memref<2x2048xf32, #tpu.memory_space<vmem>>, vector<1x16xf32>,
        %get3A_653 = vector.shape_cast %get3A_652 : vector<1x16xf32> to vector<16xf32>
        %add3A_654 = arith.addf %get3A_653, %get3A_629 : vector<16xf32>
        %swap3A_655 = arith.index_cast %select_n3A_609 : i32 to index
        %swap3A_656 = arith.index_cast %select_n3A_625 : i32 to index
        %swap3A_657 = tpu.vector_load %arg23[%swap3A_655, %swap3A_656] {strides = array<i32>} : memref<2x2048xf32, #tpu.memory_space<vmem>>, vector<1x16xf32>,
        %swap3A_658 = vector.shape_cast %swap3A_657 : vector<1x16xf32> to vector<16xf32>
        %swap3A_659 = vector.shape_cast %add3A_654 : vector<16xf32> to vector<1x16xf32>
        tpu.vector_store %arg23[%swap3A_655, %swap3A_656], %swap3A_659 {strides = array<i32>} : memref<2x2048xf32, #tpu.memory_space<vmem>>, vector<1x16xf32>,
        %get3A_660 = arith.index_cast %select_n3A_609 : i32 to index
        %get3A_661 = arith.index_cast %select_n3A_625 : i32 to index
        %get3A_662 = tpu.vector_load %arg24[%get3A_660, %get3A_661] {strides = array<i32>} : memref<2x2048xf32, #tpu.memory_space<vmem>>, vector<1x16xf32>,
        %get3A_663 = vector.shape_cast %get3A_662 : vector<1x16xf32> to vector<16xf32>
        %add3A_664 = arith.addf %get3A_663, %get3A_629 : vector<16xf32>
        %swap3A_665 = arith.index_cast %select_n3A_609 : i32 to index
        %swap3A_666 = arith.index_cast %select_n3A_625 : i32 to index
        %swap3A_667 = tpu.vector_load %arg24[%swap3A_665, %swap3A_666] {strides = array<i32>} : memref<2x2048xf32, #tpu.memory_space<vmem>>, vector<1x16xf32>,
        %swap3A_668 = vector.shape_cast %swap3A_667 : vector<1x16xf32> to vector<16xf32>
        %swap3A_669 = vector.shape_cast %add3A_664 : vector<16xf32> to vector<1x16xf32>
        tpu.vector_store %arg24[%swap3A_665, %swap3A_666], %swap3A_669 {strides = array<i32>} : memref<2x2048xf32, #tpu.memory_space<vmem>>, vector<1x16xf32>,
        %mul3A_670 = arith.constant 4 : i32
        %mul3A_671 = arith.muli %scan3A_500, %mul3A_670 : i32
        %add3A_672 = arith.constant 2 : i32
        %add3A_673 = arith.addi %mul3A_671, %add3A_672 : i32
        %mul3A_674 = arith.constant 16 : i32
        %mul3A_675 = arith.muli %add3A_673, %mul3A_674 : i32
        %jit3A_676 = arith.constant 2048 : i32
        %div3A_677 = arith.divsi %mul3A_675, %jit3A_676 : i32
        %sign3A_678 = arith.constant 0 : i32
        %sign3A_679 = arith.cmpi sgt, %mul3A_675, %sign3A_678 : i32
        %sign3A_680 = arith.extui %sign3A_679 : i1 to i32
        %sign3A_681 = arith.constant 0 : i32
        %sign3A_682 = arith.cmpi slt, %mul3A_675, %sign3A_681 : i32
        %sign3A_683 = arith.extui %sign3A_682 : i1 to i32
        %sign3A_684 = arith.subi %sign3A_680, %sign3A_683 : i32
        %sign3A_685 = arith.constant 0 : i32
        %sign3A_686 = arith.cmpi sgt, %jit3A_676, %sign3A_685 : i32
        %sign3A_687 = arith.extui %sign3A_686 : i1 to i32
        %sign3A_688 = arith.constant 0 : i32
        %sign3A_689 = arith.cmpi slt, %jit3A_676, %sign3A_688 : i32
        %sign3A_690 = arith.extui %sign3A_689 : i1 to i32
        %sign3A_691 = arith.subi %sign3A_687, %sign3A_690 : i32
        %ne3A_692 = arith.cmpi ne, %sign3A_684, %sign3A_691 : i32
        %rem3A_693 = arith.remsi %mul3A_675, %jit3A_676 : i32
        %ne3A_694 = arith.constant 0 : i32
        %ne3A_695 = arith.cmpi ne, %rem3A_693, %ne3A_694 : i32
        %and3A_696 = arith.andi %ne3A_692, %ne3A_695 : i1
        %sub3A_697 = arith.constant 1 : i32
        %sub3A_698 = arith.subi %div3A_677, %sub3A_697 : i32
        %select_n3A_699 = arith.select %and3A_696, %sub3A_698, %div3A_677 : i32
        %jit3A_700 = arith.constant 2048 : i32
        %eq3A_701 = arith.constant 0 : i32
        %eq3A_702 = arith.cmpi eq, %jit3A_700, %eq3A_701 : i32
        %jit3A_703 = arith.constant 1 : i32
        %select_n3A_704 = arith.select %eq3A_702, %jit3A_703, %jit3A_700 : i32
        %rem3A_705 = arith.remsi %mul3A_675, %select_n3A_704 : i32
        %ne3A_706 = arith.constant 0 : i32
        %ne3A_707 = arith.cmpi ne, %rem3A_705, %ne3A_706 : i32
        %lt3A_708 = arith.constant 0 : i32
        %lt3A_709 = arith.cmpi slt, %rem3A_705, %lt3A_708 : i32
        %lt3A_710 = arith.constant 0 : i32
        %lt3A_711 = arith.cmpi slt, %select_n3A_704, %lt3A_710 : i32
        %ne3A_712 = arith.xori %lt3A_709, %lt3A_711 : i1
        %and3A_713 = arith.andi %ne3A_712, %ne3A_707 : i1
        %add3A_714 = arith.addi %rem3A_705, %select_n3A_704 : i32
        %select_n3A_715 = arith.select %and3A_713, %add3A_714, %rem3A_705 : i32
        %get3A_716 = arith.index_cast %select_n3A_699 : i32 to index
        %get3A_717 = arith.index_cast %select_n3A_715 : i32 to index
        %get3A_718 = tpu.vector_load %arg20[%get3A_716, %get3A_717] {strides = array<i32>} : memref<2x2048xf32, #tpu.memory_space<vmem>>, vector<1x16xf32>,
        %get3A_719 = vector.shape_cast %get3A_718 : vector<1x16xf32> to vector<16xf32>
        %get3A_720 = arith.index_cast %select_n3A_699 : i32 to index
        %get3A_721 = arith.index_cast %select_n3A_715 : i32 to index
        %get3A_722 = tpu.vector_load %arg21[%get3A_720, %get3A_721] {strides = array<i32>} : memref<2x2048xf32, #tpu.memory_space<vmem>>, vector<1x16xf32>,
        %get3A_723 = vector.shape_cast %get3A_722 : vector<1x16xf32> to vector<16xf32>
        %add3A_724 = arith.addf %get3A_723, %get3A_719 : vector<16xf32>
        %swap3A_725 = arith.index_cast %select_n3A_699 : i32 to index
        %swap3A_726 = arith.index_cast %select_n3A_715 : i32 to index
        %swap3A_727 = tpu.vector_load %arg21[%swap3A_725, %swap3A_726] {strides = array<i32>} : memref<2x2048xf32, #tpu.memory_space<vmem>>, vector<1x16xf32>,
        %swap3A_728 = vector.shape_cast %swap3A_727 : vector<1x16xf32> to vector<16xf32>
        %swap3A_729 = vector.shape_cast %add3A_724 : vector<16xf32> to vector<1x16xf32>
        tpu.vector_store %arg21[%swap3A_725, %swap3A_726], %swap3A_729 {strides = array<i32>} : memref<2x2048xf32, #tpu.memory_space<vmem>>, vector<1x16xf32>,
        %get3A_730 = arith.index_cast %select_n3A_699 : i32 to index
        %get3A_731 = arith.index_cast %select_n3A_715 : i32 to index
        %get3A_732 = tpu.vector_load %arg22[%get3A_730, %get3A_731] {strides = array<i32>} : memref<2x2048xf32, #tpu.memory_space<vmem>>, vector<1x16xf32>,
        %get3A_733 = vector.shape_cast %get3A_732 : vector<1x16xf32> to vector<16xf32>
        %add3A_734 = arith.addf %get3A_733, %get3A_719 : vector<16xf32>
        %swap3A_735 = arith.index_cast %select_n3A_699 : i32 to index
        %swap3A_736 = arith.index_cast %select_n3A_715 : i32 to index
        %swap3A_737 = tpu.vector_load %arg22[%swap3A_735, %swap3A_736] {strides = array<i32>} : memref<2x2048xf32, #tpu.memory_space<vmem>>, vector<1x16xf32>,
        %swap3A_738 = vector.shape_cast %swap3A_737 : vector<1x16xf32> to vector<16xf32>
        %swap3A_739 = vector.shape_cast %add3A_734 : vector<16xf32> to vector<1x16xf32>
        tpu.vector_store %arg22[%swap3A_735, %swap3A_736], %swap3A_739 {strides = array<i32>} : memref<2x2048xf32, #tpu.memory_space<vmem>>, vector<1x16xf32>,
        %get3A_740 = arith.index_cast %select_n3A_699 : i32 to index
        %get3A_741 = arith.index_cast %select_n3A_715 : i32 to index
        %get3A_742 = tpu.vector_load %arg23[%get3A_740, %get3A_741] {strides = array<i32>} : memref<2x2048xf32, #tpu.memory_space<vmem>>, vector<1x16xf32>,
        %get3A_743 = vector.shape_cast %get3A_742 : vector<1x16xf32> to vector<16xf32>
        %add3A_744 = arith.addf %get3A_743, %get3A_719 : vector<16xf32>
        %swap3A_745 = arith.index_cast %select_n3A_699 : i32 to index
        %swap3A_746 = arith.index_cast %select_n3A_715 : i32 to index
        %swap3A_747 = tpu.vector_load %arg23[%swap3A_745, %swap3A_746] {strides = array<i32>} : memref<2x2048xf32, #tpu.memory_space<vmem>>, vector<1x16xf32>,
        %swap3A_748 = vector.shape_cast %swap3A_747 : vector<1x16xf32> to vector<16xf32>
        %swap3A_749 = vector.shape_cast %add3A_744 : vector<16xf32> to vector<1x16xf32>
        tpu.vector_store %arg23[%swap3A_745, %swap3A_746], %swap3A_749 {strides = array<i32>} : memref<2x2048xf32, #tpu.memory_space<vmem>>, vector<1x16xf32>,
        %get3A_750 = arith.index_cast %select_n3A_699 : i32 to index
        %get3A_751 = arith.index_cast %select_n3A_715 : i32 to index
        %get3A_752 = tpu.vector_load %arg24[%get3A_750, %get3A_751] {strides = array<i32>} : memref<2x2048xf32, #tpu.memory_space<vmem>>, vector<1x16xf32>,
        %get3A_753 = vector.shape_cast %get3A_752 : vector<1x16xf32> to vector<16xf32>
        %add3A_754 = arith.addf %get3A_753, %get3A_719 : vector<16xf32>
        %swap3A_755 = arith.index_cast %select_n3A_699 : i32 to index
        %swap3A_756 = arith.index_cast %select_n3A_715 : i32 to index
        %swap3A_757 = tpu.vector_load %arg24[%swap3A_755, %swap3A_756] {strides = array<i32>} : memref<2x2048xf32, #tpu.memory_space<vmem>>, vector<1x16xf32>,
        %swap3A_758 = vector.shape_cast %swap3A_757 : vector<1x16xf32> to vector<16xf32>
        %swap3A_759 = vector.shape_cast %add3A_754 : vector<16xf32> to vector<1x16xf32>
        tpu.vector_store %arg24[%swap3A_755, %swap3A_756], %swap3A_759 {strides = array<i32>} : memref<2x2048xf32, #tpu.memory_space<vmem>>, vector<1x16xf32>,
        %mul3A_760 = arith.constant 4 : i32
        %mul3A_761 = arith.muli %scan3A_500, %mul3A_760 : i32
        %add3A_762 = arith.constant 3 : i32
        %add3A_763 = arith.addi %mul3A_761, %add3A_762 : i32
        %mul3A_764 = arith.constant 16 : i32
        %mul3A_765 = arith.muli %add3A_763, %mul3A_764 : i32
        %jit3A_766 = arith.constant 2048 : i32
        %div3A_767 = arith.divsi %mul3A_765, %jit3A_766 : i32
        %sign3A_768 = arith.constant 0 : i32
        %sign3A_769 = arith.cmpi sgt, %mul3A_765, %sign3A_768 : i32
        %sign3A_770 = arith.extui %sign3A_769 : i1 to i32
        %sign3A_771 = arith.constant 0 : i32
        %sign3A_772 = arith.cmpi slt, %mul3A_765, %sign3A_771 : i32
        %sign3A_773 = arith.extui %sign3A_772 : i1 to i32
        %sign3A_774 = arith.subi %sign3A_770, %sign3A_773 : i32
        %sign3A_775 = arith.constant 0 : i32
        %sign3A_776 = arith.cmpi sgt, %jit3A_766, %sign3A_775 : i32
        %sign3A_777 = arith.extui %sign3A_776 : i1 to i32
        %sign3A_778 = arith.constant 0 : i32
        %sign3A_779 = arith.cmpi slt, %jit3A_766, %sign3A_778 : i32
        %sign3A_780 = arith.extui %sign3A_779 : i1 to i32
        %sign3A_781 = arith.subi %sign3A_777, %sign3A_780 : i32
        %ne3A_782 = arith.cmpi ne, %sign3A_774, %sign3A_781 : i32
        %rem3A_783 = arith.remsi %mul3A_765, %jit3A_766 : i32
        %ne3A_784 = arith.constant 0 : i32
        %ne3A_785 = arith.cmpi ne, %rem3A_783, %ne3A_784 : i32
        %and3A_786 = arith.andi %ne3A_782, %ne3A_785 : i1
        %sub3A_787 = arith.constant 1 : i32
        %sub3A_788 = arith.subi %div3A_767, %sub3A_787 : i32
        %select_n3A_789 = arith.select %and3A_786, %sub3A_788, %div3A_767 : i32
        %jit3A_790 = arith.constant 2048 : i32
        %eq3A_791 = arith.constant 0 : i32
        %eq3A_792 = arith.cmpi eq, %jit3A_790, %eq3A_791 : i32
        %jit3A_793 = arith.constant 1 : i32
        %select_n3A_794 = arith.select %eq3A_792, %jit3A_793, %jit3A_790 : i32
        %rem3A_795 = arith.remsi %mul3A_765, %select_n3A_794 : i32
        %ne3A_796 = arith.constant 0 : i32
        %ne3A_797 = arith.cmpi ne, %rem3A_795, %ne3A_796 : i32
        %lt3A_798 = arith.constant 0 : i32
        %lt3A_799 = arith.cmpi slt, %rem3A_795, %lt3A_798 : i32
        %lt3A_800 = arith.constant 0 : i32
        %lt3A_801 = arith.cmpi slt, %select_n3A_794, %lt3A_800 : i32
        %ne3A_802 = arith.xori %lt3A_799, %lt3A_801 : i1
        %and3A_803 = arith.andi %ne3A_802, %ne3A_797 : i1
        %add3A_804 = arith.addi %rem3A_795, %select_n3A_794 : i32
        %select_n3A_805 = arith.select %and3A_803, %add3A_804, %rem3A_795 : i32
        %get3A_806 = arith.index_cast %select_n3A_789 : i32 to index
        %get3A_807 = arith.index_cast %select_n3A_805 : i32 to index
        %get3A_808 = tpu.vector_load %arg20[%get3A_806, %get3A_807] {strides = array<i32>} : memref<2x2048xf32, #tpu.memory_space<vmem>>, vector<1x16xf32>,
        %get3A_809 = vector.shape_cast %get3A_808 : vector<1x16xf32> to vector<16xf32>
        %get3A_810 = arith.index_cast %select_n3A_789 : i32 to index
        %get3A_811 = arith.index_cast %select_n3A_805 : i32 to index
        %get3A_812 = tpu.vector_load %arg21[%get3A_810, %get3A_811] {strides = array<i32>} : memref<2x2048xf32, #tpu.memory_space<vmem>>, vector<1x16xf32>,
        %get3A_813 = vector.shape_cast %get3A_812 : vector<1x16xf32> to vector<16xf32>
        %add3A_814 = arith.addf %get3A_813, %get3A_809 : vector<16xf32>
        %swap3A_815 = arith.index_cast %select_n3A_789 : i32 to index
        %swap3A_816 = arith.index_cast %select_n3A_805 : i32 to index
        %swap3A_817 = tpu.vector_load %arg21[%swap3A_815, %swap3A_816] {strides = array<i32>} : memref<2x2048xf32, #tpu.memory_space<vmem>>, vector<1x16xf32>,
        %swap3A_818 = vector.shape_cast %swap3A_817 : vector<1x16xf32> to vector<16xf32>
        %swap3A_819 = vector.shape_cast %add3A_814 : vector<16xf32> to vector<1x16xf32>
        tpu.vector_store %arg21[%swap3A_815, %swap3A_816], %swap3A_819 {strides = array<i32>} : memref<2x2048xf32, #tpu.memory_space<vmem>>, vector<1x16xf32>,
        %get3A_820 = arith.index_cast %select_n3A_789 : i32 to index
        %get3A_821 = arith.index_cast %select_n3A_805 : i32 to index
        %get3A_822 = tpu.vector_load %arg22[%get3A_820, %get3A_821] {strides = array<i32>} : memref<2x2048xf32, #tpu.memory_space<vmem>>, vector<1x16xf32>,
        %get3A_823 = vector.shape_cast %get3A_822 : vector<1x16xf32> to vector<16xf32>
        %add3A_824 = arith.addf %get3A_823, %get3A_809 : vector<16xf32>
        %swap3A_825 = arith.index_cast %select_n3A_789 : i32 to index
        %swap3A_826 = arith.index_cast %select_n3A_805 : i32 to index
        %swap3A_827 = tpu.vector_load %arg22[%swap3A_825, %swap3A_826] {strides = array<i32>} : memref<2x2048xf32, #tpu.memory_space<vmem>>, vector<1x16xf32>,
        %swap3A_828 = vector.shape_cast %swap3A_827 : vector<1x16xf32> to vector<16xf32>
        %swap3A_829 = vector.shape_cast %add3A_824 : vector<16xf32> to vector<1x16xf32>
        tpu.vector_store %arg22[%swap3A_825, %swap3A_826], %swap3A_829 {strides = array<i32>} : memref<2x2048xf32, #tpu.memory_space<vmem>>, vector<1x16xf32>,
        %get3A_830 = arith.index_cast %select_n3A_789 : i32 to index
        %get3A_831 = arith.index_cast %select_n3A_805 : i32 to index
        %get3A_832 = tpu.vector_load %arg23[%get3A_830, %get3A_831] {strides = array<i32>} : memref<2x2048xf32, #tpu.memory_space<vmem>>, vector<1x16xf32>,
        %get3A_833 = vector.shape_cast %get3A_832 : vector<1x16xf32> to vector<16xf32>
        %add3A_834 = arith.addf %get3A_833, %get3A_809 : vector<16xf32>
        %swap3A_835 = arith.index_cast %select_n3A_789 : i32 to index
        %swap3A_836 = arith.index_cast %select_n3A_805 : i32 to index
        %swap3A_837 = tpu.vector_load %arg23[%swap3A_835, %swap3A_836] {strides = array<i32>} : memref<2x2048xf32, #tpu.memory_space<vmem>>, vector<1x16xf32>,
        %swap3A_838 = vector.shape_cast %swap3A_837 : vector<1x16xf32> to vector<16xf32>
        %swap3A_839 = vector.shape_cast %add3A_834 : vector<16xf32> to vector<1x16xf32>
        tpu.vector_store %arg23[%swap3A_835, %swap3A_836], %swap3A_839 {strides = array<i32>} : memref<2x2048xf32, #tpu.memory_space<vmem>>, vector<1x16xf32>,
        %get3A_840 = arith.index_cast %select_n3A_789 : i32 to index
        %get3A_841 = arith.index_cast %select_n3A_805 : i32 to index
        %get3A_842 = tpu.vector_load %arg24[%get3A_840, %get3A_841] {strides = array<i32>} : memref<2x2048xf32, #tpu.memory_space<vmem>>, vector<1x16xf32>,
        %get3A_843 = vector.shape_cast %get3A_842 : vector<1x16xf32> to vector<16xf32>
        %add3A_844 = arith.addf %get3A_843, %get3A_809 : vector<16xf32>
        %swap3A_845 = arith.index_cast %select_n3A_789 : i32 to index
        %swap3A_846 = arith.index_cast %select_n3A_805 : i32 to index
        %swap3A_847 = tpu.vector_load %arg24[%swap3A_845, %swap3A_846] {strides = array<i32>} : memref<2x2048xf32, #tpu.memory_space<vmem>>, vector<1x16xf32>,
        %swap3A_848 = vector.shape_cast %swap3A_847 : vector<1x16xf32> to vector<16xf32>
        %swap3A_849 = vector.shape_cast %add3A_844 : vector<16xf32> to vector<1x16xf32>
        tpu.vector_store %arg24[%swap3A_845, %swap3A_846], %swap3A_849 {strides = array<i32>} : memref<2x2048xf32, #tpu.memory_space<vmem>>, vector<1x16xf32>,
      }
      %scan3A_466 = arith.constant 64 : i32
      %mul3A_467 = arith.constant 32 : i32
      %mul3A_468 = arith.muli %add3A_412, %mul3A_467 : i32
      %add3A_469 = arith.addi %mul3A_468, %add3A : i32
      %mul3A_470 = arith.constant 2 : i32
      %mul3A_471 = arith.muli %add3A_469, %mul3A_470 : i32
      %dma_start3A_472 = arith.constant 0 : i32
      %dma_start3A_473 = arith.constant 0 : i32
      %dma_start3A_474 = tpu.memref_slice %arg4[%dma_start3A_472, %mul3A_471, %dma_start3A_473] : memref<4x8192x2048xf32, #tpu.memory_space<hbm>> -> memref<1x2x2048xf32, #tpu.memory_space<hbm>>
      %dma_start3A_475 = tpu.memref_squeeze %dma_start3A_474 : memref<1x2x2048xf32, #tpu.memory_space<hbm>> -> memref<2x2048xf32, #tpu.memory_space<hbm>>
      %dma_start3A_476 = arith.constant 0 : i32
      %dma_start3A_477 = tpu.memref_slice %arg4[%dma_start3A_472, %mul3A_471, %dma_start3A_476] : memref<4x8192x2048xf32, #tpu.memory_space<hbm>> -> memref<1x2x2048xf32, #tpu.memory_space<hbm>>
      %dma_start3A_478 = tpu.memref_squeeze %dma_start3A_477 : memref<1x2x2048xf32, #tpu.memory_space<hbm>> -> memref<2x2048xf32, #tpu.memory_space<hbm>>
      tpu.enqueue_dma source(%arg21 : memref<2x2048xf32, #tpu.memory_space<vmem>>) target(%dma_start3A_478 : memref<2x2048xf32, #tpu.memory_space<hbm>>) target_semaphore(%arg32 : memref<!tpu.dma_semaphore, #tpu.memory_space<semaphore_mem>>)
      %dma_start3A_479 = arith.constant 1 : i32
      %dma_start3A_480 = arith.constant 0 : i32
      %dma_start3A_481 = tpu.memref_slice %arg4[%dma_start3A_479, %mul3A_471, %dma_start3A_480] : memref<4x8192x2048xf32, #tpu.memory_space<hbm>> -> memref<1x2x2048xf32, #tpu.memory_space<hbm>>
      %dma_start3A_482 = tpu.memref_squeeze %dma_start3A_481 : memref<1x2x2048xf32, #tpu.memory_space<hbm>> -> memref<2x2048xf32, #tpu.memory_space<hbm>>
      %dma_start3A_483 = arith.constant 0 : i32
      %dma_start3A_484 = tpu.memref_slice %arg4[%dma_start3A_479, %mul3A_471, %dma_start3A_483] : memref<4x8192x2048xf32, #tpu.memory_space<hbm>> -> memref<1x2x2048xf32, #tpu.memory_space<hbm>>
      %dma_start3A_485 = tpu.memref_squeeze %dma_start3A_484 : memref<1x2x2048xf32, #tpu.memory_space<hbm>> -> memref<2x2048xf32, #tpu.memory_space<hbm>>
      tpu.enqueue_dma source(%arg22 : memref<2x2048xf32, #tpu.memory_space<vmem>>) target(%dma_start3A_485 : memref<2x2048xf32, #tpu.memory_space<hbm>>) target_semaphore(%arg32 : memref<!tpu.dma_semaphore, #tpu.memory_space<semaphore_mem>>)
      %dma_start3A_486 = arith.constant 2 : i32
      %dma_start3A_487 = arith.constant 0 : i32
      %dma_start3A_488 = tpu.memref_slice %arg4[%dma_start3A_486, %mul3A_471, %dma_start3A_487] : memref<4x8192x2048xf32, #tpu.memory_space<hbm>> -> memref<1x2x2048xf32, #tpu.memory_space<hbm>>
      %dma_start3A_489 = tpu.memref_squeeze %dma_start3A_488 : memref<1x2x2048xf32, #tpu.memory_space<hbm>> -> memref<2x2048xf32, #tpu.memory_space<hbm>>
      %dma_start3A_490 = arith.constant 0 : i32
      %dma_start3A_491 = tpu.memref_slice %arg4[%dma_start3A_486, %mul3A_471, %dma_start3A_490] : memref<4x8192x2048xf32, #tpu.memory_space<hbm>> -> memref<1x2x2048xf32, #tpu.memory_space<hbm>>
      %dma_start3A_492 = tpu.memref_squeeze %dma_start3A_491 : memref<1x2x2048xf32, #tpu.memory_space<hbm>> -> memref<2x2048xf32, #tpu.memory_space<hbm>>
      tpu.enqueue_dma source(%arg23 : memref<2x2048xf32, #tpu.memory_space<vmem>>) target(%dma_start3A_492 : memref<2x2048xf32, #tpu.memory_space<hbm>>) target_semaphore(%arg32 : memref<!tpu.dma_semaphore, #tpu.memory_space<semaphore_mem>>)
      %dma_start3A_493 = arith.constant 3 : i32
      %dma_start3A_494 = arith.constant 0 : i32
      %dma_start3A_495 = tpu.memref_slice %arg4[%dma_start3A_493, %mul3A_471, %dma_start3A_494] : memref<4x8192x2048xf32, #tpu.memory_space<hbm>> -> memref<1x2x2048xf32, #tpu.memory_space<hbm>>
      %dma_start3A_496 = tpu.memref_squeeze %dma_start3A_495 : memref<1x2x2048xf32, #tpu.memory_space<hbm>> -> memref<2x2048xf32, #tpu.memory_space<hbm>>
      %dma_start3A_497 = arith.constant 0 : i32
      %dma_start3A_498 = tpu.memref_slice %arg4[%dma_start3A_493, %mul3A_471, %dma_start3A_497] : memref<4x8192x2048xf32, #tpu.memory_space<hbm>> -> memref<1x2x2048xf32, #tpu.memory_space<hbm>>
      %dma_start3A_499 = tpu.memref_squeeze %dma_start3A_498 : memref<1x2x2048xf32, #tpu.memory_space<hbm>> -> memref<2x2048xf32, #tpu.memory_space<hbm>>
      tpu.enqueue_dma source(%arg24 : memref<2x2048xf32, #tpu.memory_space<vmem>>) target(%dma_start3A_499 : memref<2x2048xf32, #tpu.memory_space<hbm>>) target_semaphore(%arg32 : memref<!tpu.dma_semaphore, #tpu.memory_space<semaphore_mem>>)
    }
    %scan3A_75 = arith.constant 32 : i32
    %add3A_76 = arith.constant 4032 : i32
    %add3A_77 = arith.addi %add3A_76, %add3A : i32
    %mul3A_78 = arith.constant 2 : i32
    %mul3A_79 = arith.muli %add3A_77, %mul3A_78 : i32
    %dma_wait3A = arith.constant 0 : i32
    %dma_wait3A_80 = arith.constant 0 : i32
    %dma_wait3A_81 = tpu.memref_slice %arg4[%dma_wait3A, %mul3A_79, %dma_wait3A_80] : memref<4x8192x2048xf32, #tpu.memory_space<hbm>> -> memref<1x2x2048xf32, #tpu.memory_space<hbm>>
    %dma_wait3A_82 = tpu.memref_squeeze %dma_wait3A_81 : memref<1x2x2048xf32, #tpu.memory_space<hbm>> -> memref<2x2048xf32, #tpu.memory_space<hbm>>
    %dma_wait3A_83 = arith.constant 0 : i32
    %dma_wait3A_84 = tpu.memref_slice %arg4[%dma_wait3A, %mul3A_79, %dma_wait3A_83] : memref<4x8192x2048xf32, #tpu.memory_space<hbm>> -> memref<1x2x2048xf32, #tpu.memory_space<hbm>>
    %dma_wait3A_85 = tpu.memref_squeeze %dma_wait3A_84 : memref<1x2x2048xf32, #tpu.memory_space<hbm>> -> memref<2x2048xf32, #tpu.memory_space<hbm>>
    tpu.wait_dma2 semaphore(%arg31 : memref<!tpu.dma_semaphore, #tpu.memory_space<semaphore_mem>>) src(%arg16 : memref<2x2048xf32, #tpu.memory_space<vmem>>) dst(%dma_wait3A_85 : memref<2x2048xf32, #tpu.memory_space<hbm>>)
    %dma_wait3A_86 = arith.constant 1 : i32
    %dma_wait3A_87 = arith.constant 0 : i32
    %dma_wait3A_88 = tpu.memref_slice %arg4[%dma_wait3A_86, %mul3A_79, %dma_wait3A_87] : memref<4x8192x2048xf32, #tpu.memory_space<hbm>> -> memref<1x2x2048xf32, #tpu.memory_space<hbm>>
    %dma_wait3A_89 = tpu.memref_squeeze %dma_wait3A_88 : memref<1x2x2048xf32, #tpu.memory_space<hbm>> -> memref<2x2048xf32, #tpu.memory_space<hbm>>
    %dma_wait3A_90 = arith.constant 0 : i32
    %dma_wait3A_91 = tpu.memref_slice %arg4[%dma_wait3A_86, %mul3A_79, %dma_wait3A_90] : memref<4x8192x2048xf32, #tpu.memory_space<hbm>> -> memref<1x2x2048xf32, #tpu.memory_space<hbm>>
    %dma_wait3A_92 = tpu.memref_squeeze %dma_wait3A_91 : memref<1x2x2048xf32, #tpu.memory_space<hbm>> -> memref<2x2048xf32, #tpu.memory_space<hbm>>
    tpu.wait_dma2 semaphore(%arg31 : memref<!tpu.dma_semaphore, #tpu.memory_space<semaphore_mem>>) src(%arg17 : memref<2x2048xf32, #tpu.memory_space<vmem>>) dst(%dma_wait3A_92 : memref<2x2048xf32, #tpu.memory_space<hbm>>)
    %dma_wait3A_93 = arith.constant 2 : i32
    %dma_wait3A_94 = arith.constant 0 : i32
    %dma_wait3A_95 = tpu.memref_slice %arg4[%dma_wait3A_93, %mul3A_79, %dma_wait3A_94] : memref<4x8192x2048xf32, #tpu.memory_space<hbm>> -> memref<1x2x2048xf32, #tpu.memory_space<hbm>>
    %dma_wait3A_96 = tpu.memref_squeeze %dma_wait3A_95 : memref<1x2x2048xf32, #tpu.memory_space<hbm>> -> memref<2x2048xf32, #tpu.memory_space<hbm>>
    %dma_wait3A_97 = arith.constant 0 : i32
    %dma_wait3A_98 = tpu.memref_slice %arg4[%dma_wait3A_93, %mul3A_79, %dma_wait3A_97] : memref<4x8192x2048xf32, #tpu.memory_space<hbm>> -> memref<1x2x2048xf32, #tpu.memory_space<hbm>>
    %dma_wait3A_99 = tpu.memref_squeeze %dma_wait3A_98 : memref<1x2x2048xf32, #tpu.memory_space<hbm>> -> memref<2x2048xf32, #tpu.memory_space<hbm>>
    tpu.wait_dma2 semaphore(%arg31 : memref<!tpu.dma_semaphore, #tpu.memory_space<semaphore_mem>>) src(%arg18 : memref<2x2048xf32, #tpu.memory_space<vmem>>) dst(%dma_wait3A_99 : memref<2x2048xf32, #tpu.memory_space<hbm>>)
    %dma_wait3A_100 = arith.constant 3 : i32
    %dma_wait3A_101 = arith.constant 0 : i32
    %dma_wait3A_102 = tpu.memref_slice %arg4[%dma_wait3A_100, %mul3A_79, %dma_wait3A_101] : memref<4x8192x2048xf32, #tpu.memory_space<hbm>> -> memref<1x2x2048xf32, #tpu.memory_space<hbm>>
    %dma_wait3A_103 = tpu.memref_squeeze %dma_wait3A_102 : memref<1x2x2048xf32, #tpu.memory_space<hbm>> -> memref<2x2048xf32, #tpu.memory_space<hbm>>
    %dma_wait3A_104 = arith.constant 0 : i32
    %dma_wait3A_105 = tpu.memref_slice %arg4[%dma_wait3A_100, %mul3A_79, %dma_wait3A_104] : memref<4x8192x2048xf32, #tpu.memory_space<hbm>> -> memref<1x2x2048xf32, #tpu.memory_space<hbm>>
    %dma_wait3A_106 = tpu.memref_squeeze %dma_wait3A_105 : memref<1x2x2048xf32, #tpu.memory_space<hbm>> -> memref<2x2048xf32, #tpu.memory_space<hbm>>
    tpu.wait_dma2 semaphore(%arg31 : memref<!tpu.dma_semaphore, #tpu.memory_space<semaphore_mem>>) src(%arg19 : memref<2x2048xf32, #tpu.memory_space<vmem>>) dst(%dma_wait3A_106 : memref<2x2048xf32, #tpu.memory_space<hbm>>)
    %add3A_107 = arith.constant 4064 : i32
    %add3A_108 = arith.addi %add3A_107, %add3A : i32
    %mul3A_109 = arith.constant 2 : i32
    %mul3A_110 = arith.muli %add3A_108, %mul3A_109 : i32
    %dma_wait3A_111 = arith.constant 0 : i32
    %dma_wait3A_112 = arith.constant 0 : i32
    %dma_wait3A_113 = tpu.memref_slice %arg4[%dma_wait3A_111, %mul3A_110, %dma_wait3A_112] : memref<4x8192x2048xf32, #tpu.memory_space<hbm>> -> memref<1x2x2048xf32, #tpu.memory_space<hbm>>
    %dma_wait3A_114 = tpu.memref_squeeze %dma_wait3A_113 : memref<1x2x2048xf32, #tpu.memory_space<hbm>> -> memref<2x2048xf32, #tpu.memory_space<hbm>>
    %dma_wait3A_115 = arith.constant 0 : i32
    %dma_wait3A_116 = tpu.memref_slice %arg4[%dma_wait3A_111, %mul3A_110, %dma_wait3A_115] : memref<4x8192x2048xf32, #tpu.memory_space<hbm>> -> memref<1x2x2048xf32, #tpu.memory_space<hbm>>
    %dma_wait3A_117 = tpu.memref_squeeze %dma_wait3A_116 : memref<1x2x2048xf32, #tpu.memory_space<hbm>> -> memref<2x2048xf32, #tpu.memory_space<hbm>>
    tpu.wait_dma2 semaphore(%arg32 : memref<!tpu.dma_semaphore, #tpu.memory_space<semaphore_mem>>) src(%arg21 : memref<2x2048xf32, #tpu.memory_space<vmem>>) dst(%dma_wait3A_117 : memref<2x2048xf32, #tpu.memory_space<hbm>>)
    %dma_wait3A_118 = arith.constant 1 : i32
    %dma_wait3A_119 = arith.constant 0 : i32
    %dma_wait3A_120 = tpu.memref_slice %arg4[%dma_wait3A_118, %mul3A_110, %dma_wait3A_119] : memref<4x8192x2048xf32, #tpu.memory_space<hbm>> -> memref<1x2x2048xf32, #tpu.memory_space<hbm>>
    %dma_wait3A_121 = tpu.memref_squeeze %dma_wait3A_120 : memref<1x2x2048xf32, #tpu.memory_space<hbm>> -> memref<2x2048xf32, #tpu.memory_space<hbm>>
    %dma_wait3A_122 = arith.constant 0 : i32
    %dma_wait3A_123 = tpu.memref_slice %arg4[%dma_wait3A_118, %mul3A_110, %dma_wait3A_122] : memref<4x8192x2048xf32, #tpu.memory_space<hbm>> -> memref<1x2x2048xf32, #tpu.memory_space<hbm>>
    %dma_wait3A_124 = tpu.memref_squeeze %dma_wait3A_123 : memref<1x2x2048xf32, #tpu.memory_space<hbm>> -> memref<2x2048xf32, #tpu.memory_space<hbm>>
    tpu.wait_dma2 semaphore(%arg32 : memref<!tpu.dma_semaphore, #tpu.memory_space<semaphore_mem>>) src(%arg22 : memref<2x2048xf32, #tpu.memory_space<vmem>>) dst(%dma_wait3A_124 : memref<2x2048xf32, #tpu.memory_space<hbm>>)
    %dma_wait3A_125 = arith.constant 2 : i32
    %dma_wait3A_126 = arith.constant 0 : i32
    %dma_wait3A_127 = tpu.memref_slice %arg4[%dma_wait3A_125, %mul3A_110, %dma_wait3A_126] : memref<4x8192x2048xf32, #tpu.memory_space<hbm>> -> memref<1x2x2048xf32, #tpu.memory_space<hbm>>
    %dma_wait3A_128 = tpu.memref_squeeze %dma_wait3A_127 : memref<1x2x2048xf32, #tpu.memory_space<hbm>> -> memref<2x2048xf32, #tpu.memory_space<hbm>>
    %dma_wait3A_129 = arith.constant 0 : i32
    %dma_wait3A_130 = tpu.memref_slice %arg4[%dma_wait3A_125, %mul3A_110, %dma_wait3A_129] : memref<4x8192x2048xf32, #tpu.memory_space<hbm>> -> memref<1x2x2048xf32, #tpu.memory_space<hbm>>
    %dma_wait3A_131 = tpu.memref_squeeze %dma_wait3A_130 : memref<1x2x2048xf32, #tpu.memory_space<hbm>> -> memref<2x2048xf32, #tpu.memory_space<hbm>>
    tpu.wait_dma2 semaphore(%arg32 : memref<!tpu.dma_semaphore, #tpu.memory_space<semaphore_mem>>) src(%arg23 : memref<2x2048xf32, #tpu.memory_space<vmem>>) dst(%dma_wait3A_131 : memref<2x2048xf32, #tpu.memory_space<hbm>>)
    %dma_wait3A_132 = arith.constant 3 : i32
    %dma_wait3A_133 = arith.constant 0 : i32
    %dma_wait3A_134 = tpu.memref_slice %arg4[%dma_wait3A_132, %mul3A_110, %dma_wait3A_133] : memref<4x8192x2048xf32, #tpu.memory_space<hbm>> -> memref<1x2x2048xf32, #tpu.memory_space<hbm>>
    %dma_wait3A_135 = tpu.memref_squeeze %dma_wait3A_134 : memref<1x2x2048xf32, #tpu.memory_space<hbm>> -> memref<2x2048xf32, #tpu.memory_space<hbm>>
    %dma_wait3A_136 = arith.constant 0 : i32
    %dma_wait3A_137 = tpu.memref_slice %arg4[%dma_wait3A_132, %mul3A_110, %dma_wait3A_136] : memref<4x8192x2048xf32, #tpu.memory_space<hbm>> -> memref<1x2x2048xf32, #tpu.memory_space<hbm>>
    %dma_wait3A_138 = tpu.memref_squeeze %dma_wait3A_137 : memref<1x2x2048xf32, #tpu.memory_space<hbm>> -> memref<2x2048xf32, #tpu.memory_space<hbm>>
    tpu.wait_dma2 semaphore(%arg32 : memref<!tpu.dma_semaphore, #tpu.memory_space<semaphore_mem>>) src(%arg24 : memref<2x2048xf32, #tpu.memory_space<vmem>>) dst(%dma_wait3A_138 : memref<2x2048xf32, #tpu.memory_space<hbm>>)
    return
  }
}

</mosaic_0001>

<sc_bundles>
// kernel: kernel.3.cloned.1.call-start
scs
__scs_entry_jumppad:
0x0: {  	(pc) =	sbr.rel $0x88, $3  }
0x1: {  	(tag) =	ssettag $0x0;
	lr =	simm.s32 $0x1  }
0x2: {  	[smem:$0x3F9F] =	sst lr;
	_ =	strace $0xD0000000  }
0x3: {  	_ = 	snop  }
0x4: {  	_ = 	snop  }
0x5: {  	_ = 	snop  }
0x6: {  	_ = 	snop  }
0x7: {  	_ = 	snop  }
__scs_overlays_trampoline_lowered:
0x8: {  	[smem:$0x3FAE] =	sst s0  }
0x9: {  	[smem:$0x3FAF] =	sst s1  }
0xa: {  	[smem:$0x3FB0] =	sst s2  }
0xb: {  	[smem:$0x3FB1] =	sst s3  }
0xc: {  	[smem:$0x3FB2] =	sst s4  }
0xd: {  	[smem:$0x3FB3] =	sst s5  }
0xe: {  	[smem:$0x3FB4] =	sst s6  }
0xf: {  	[smem:$0x3FB5] =	sst s7  }
0x10: {  	[smem:$0x3FB6] =	sst s8  }
0x11: {  	[smem:$0x3FB7] =	sst s9;
	s0 =	simm.s32 @!p0 $0x0  }
0x12: {  	s1 =	sld [smem:$0x3F9D];
	s0 =	simm.s32 @p0 $0x1  }
0x13: {  	[smem:$0x3FB8] =	sst s0;
	s0 =	simm.s32 @!p1 $0x0  }
0x14: {  	s2 =	sld [smem:$0x3F9C];
	s0 =	simm.s32 @p1 $0x1  }
0x15: {  	[smem:$0x3FB9] =	sst s0;
	s0 =	simm.s32 @!p2 $0x0  }
0x16: {  	s3 =	sld [smem:$0x3FDB];
	s0 =	simm.s32 @p2 $0x1  }
0x17: {  	s4 =	simm.s32 $0x1BF5;
	[smem:$0x3FBB] =	sst s0  }
0x18: {  	s0 =	sld [smem:$0x3F9E];
	_ =	swait.ge [sflag:s4], $0x0  }
0x19: {  	s7 =	sld [smem:$0x3F9F]  }
0x1a: {  	s8 =	sadd.s32 $0xFFFFE003, lr  }
0x1b: {  	s9 =	sadd.s32 $0xFFFFFEF7, lr;
	s5 =	simm.s32 $0xFFFFFFFF;
	p2 =	slt.u32 s8, $0xFFFFF086  }
0x1c: {  	p1 =	slt.u32 s9, $0xF7A;
	s5 =	simm.s32 @!p2 $0x0  }
0x1d: {  	s5 =	simm.s32 @p1 $0x1;
	p0 =	seq.s32 s7, s2  }
0x1e: {  	s7 =	smul.u32 @!p0 $0xF7A, s2;
	p2 =	seq.s32 @!p0 s5, $0x0  }
0x1f: {  	s9 =	smul.u32 $0xF7A, s1;
	s8 =	simm.s32 @!p0 $0x1BF5;
	p2 =	por !p2, p0  }
0x20: {  	[sflag:s8] =	ssyncset.s32 @!p0 $0xFFFFF086;
	s6 =	sadd.s32 @!p0 s3, s7;
	s7 =	simm.s32 @!p0 $0x108  }
0x21: {  	s3 =	sadd.s32 s3, s9;
	s6 =	sadd.s32 @!p0 $0x88, s6;
	s7 =	simm.s32 @p2 $0x1082  }
0x22: {  	[simem:s7], [sflag:s8] =	dma.local @!p0 [hbm:s6], $0xF7A  }
0x23: {  	s9 =	sor.u32 $0xD0000000, s2;
	s6 =	simm.s32 $0x108;
	_ =	swait.ge @!p0 [sflag:s8], $0x0  }
0x24: {  	s3 =	sadd.s32 $0x88, s3;
	s6 =	simm.s32 @!p1 $0x1082;
	[sflag:s4] =	ssyncset.s32 $0xFFFFF086  }
0x25: {  	[simem:s6], [sflag:s4] =	dma.local [hbm:s3], $0xF7A  }
0x26: {  	[smem:$0x3F9F] =	sst s1;
	(tag) =	ssettag s2;
	_ =	strace s9  }
0x27: {  	s1 =	sld [smem:$0x3FAF]  }
0x28: {  	s2 =	sld [smem:$0x3FB0]  }
0x29: {  	s4 =	sld [smem:$0x3FB2]  }
0x2a: {  	p0 =	seq.s32 s5, $0x0;
	s5 =	sld [smem:$0x3FB3]  }
0x2b: {  	s6 =	sld [smem:$0x3FB4]  }
0x2c: {  	s7 =	sld [smem:$0x3FB5]  }
0x2d: {  	s3 =	simm.s32 $0x108;
	s8 =	sld [smem:$0x3FB6]  }
0x2e: {  	s3 =	simm.s32 @!p0 $0x1082;
	s9 =	sld [smem:$0x3FB7]  }
0x2f: {  	lr =	sadd.s32 s0, s3;
	s0 =	sld [smem:$0x3FAE]  }
0x30: {  	s3 =	sld [smem:$0x3FB1]  }
0x31: {  	[smem:$0x3FBA] =	sst s10  }
0x32: {  	s10 =	sld [smem:$0x3FB8];
	_ =	sdelay $0x3  }
0x33: {  	p0 =	seq.s32 s10, $0x1;
	s10 =	sld [smem:$0x3FBA];
	_ =	sdelay $0x3  }
0x34: {  	[smem:$0x3FBA] =	sst s10  }
0x35: {  	s10 =	sld [smem:$0x3FB9];
	_ =	sdelay $0x3  }
0x36: {  	p1 =	seq.s32 s10, $0x1;
	s10 =	sld [smem:$0x3FBA];
	_ =	sdelay $0x3  }
0x37: {  	[smem:$0x3FBA] =	sst s10  }
0x38: {  	s10 =	sld [smem:$0x3FBB]  }
0x39: {  	_ = 	snop;
	(pc) =	sbr.ind lr, $3  }
0x3a: {  	_ = 	snop  }
0x3b: {  	_ = 	snop  }
0x3c: {  	p2 =	seq.s32 s10, $0x1;
	s10 =	sld [smem:$0x3FBA]  }
0x3d: {  	_ =	shalt  }
0x3e: {  	_ =	shalt  }
0x3f: {  	_ =	shalt  }
0x40: {  	_ =	shalt  }
0x41: {  	_ =	shalt  }
0x42: {  	_ =	shalt  }
0x43: {  	_ =	shalt  }
0x44: {  	_ =	shalt  }
0x45: {  	_ =	shalt  }
0x46: {  	_ =	shalt  }
0x47: {  	_ =	shalt  }
0x48: {  	_ =	shalt  }
0x49: {  	_ =	shalt  }
0x4a: {  	_ =	shalt  }
0x4b: {  	_ =	shalt  }
0x4c: {  	_ =	shalt  }
0x4d: {  	_ =	shalt  }
0x4e: {  	_ =	shalt  }
0x4f: {  	_ =	shalt  }
0x50: {  	_ =	shalt  }
0x51: {  	_ =	shalt  }
0x52: {  	_ =	shalt  }
0x53: {  	_ =	shalt  }
0x54: {  	_ =	shalt  }
0x55: {  	_ =	shalt  }
0x56: {  	_ =	shalt  }
0x57: {  	_ =	shalt  }
0x58: {  	_ =	shalt  }
0x59: {  	_ =	shalt  }
0x5a: {  	_ =	shalt  }
0x5b: {  	_ =	shalt  }
0x5c: {  	_ =	shalt  }
0x5d: {  	_ =	shalt  }
0x5e: {  	_ =	shalt  }
0x5f: {  	_ =	shalt  }
0x60: {  	_ =	shalt  }
0x61: {  	_ =	shalt  }
0x62: {  	_ =	shalt  }
0x63: {  	_ =	shalt  }
0x64: {  	_ =	shalt  }
0x65: {  	_ =	shalt  }
0x66: {  	_ =	shalt  }
0x67: {  	_ =	shalt  }
0x68: {  	_ =	shalt  }
0x69: {  	_ =	shalt  }
0x6a: {  	_ =	shalt  }
0x6b: {  	_ =	shalt  }
0x6c: {  	_ =	shalt  }
0x6d: {  	_ =	shalt  }
0x6e: {  	_ =	shalt  }
0x6f: {  	_ =	shalt  }
0x70: {  	_ =	shalt  }
0x71: {  	_ =	shalt  }
0x72: {  	_ =	shalt  }
0x73: {  	_ =	shalt  }
0x74: {  	_ =	shalt  }
0x75: {  	_ =	shalt  }
0x76: {  	_ =	shalt  }
0x77: {  	_ =	shalt  }
0x78: {  	_ =	shalt  }
0x79: {  	_ =	shalt  }
0x7a: {  	_ =	shalt  }
0x7b: {  	_ =	shalt  }
0x7c: {  	_ =	shalt  }
0x7d: {  	_ =	shalt  }
0x7e: {  	_ =	shalt  }
0x7f: {  	_ =	shalt  }
0x80: {  	_ =	shalt  }
0x81: {  	_ =	shalt  }
0x82: {  	_ =	shalt  }
0x83: {  	_ =	shalt  }
0x84: {  	_ =	shalt  }
0x85: {  	_ =	shalt  }
0x86: {  	_ =	shalt  }
0x87: {  	_ =	shalt  }
.Lfunc_end0:
.L_simem_size_0:
called_computation_lowered:
.L_overlay_start_0:
0x88: {  	s2 =	sld [smem:$0x3FD9]  }
0x89: {  	s3 =	sld [smem:$0x3FFE];
	_ =	sdelay $0x1  }
0x8a: {  	s1 =	srdreg.scid  }
0x8b: {  	s0 =	sand.u32 $0x1, s1  }
0x8c: {  	s18 =	sshll.u32 s0, $0xA;
	s2 =	sadd.s32 s3, s2  }
0x8d: {  	s2 =	sadd.s32 s2, s18  }
0x8e: {  	[smem:$0x3FC6] =	sst s2  }
0x8f: {  	_ = 	snop  }
0x90: {  	s2 =	sld [smem:$0x3FC9]  }
0x91: {  	s19 =	sld [smem:$0x3FC8]  }
0x92: {  	s4 =	sld [smem:$0x3FD0];
	(tm) =	ssettm $0x1  }
0x93: {  	s5 =	sld [smem:$0x3FFB];
	_ =	sdelay $0x3  }
0x94: {  	_ =	strace s5  }
0x95: {  	s5 =	sld [smem:$0x3FFC];
	_ =	sdelay $0x3  }
0x96: {  	_ =	strace s5  }
0x97: {  	s5 =	sld [smem:$0x3FFD];
	_ =	sdelay $0x3  }
0x98: {  	_ =	strace s5  }
0x99: {  	_ =	strace $0x8FFFFFFF  }
0x9a: {  	s20 =	sld [smem:$0x3FDB];
	_ =	sdelay $0x1  }
0x9b: {  	s6 =	simm.s32 $_scs_section_size  }
0x9c: {  	s7 =	simm.s32 $_size__tile_overlayer_lowered;
	s8 =	simm.s32 $_tile_overlayer_lowered  }
0x9d: {  	s23 =	simm.s32 $0x1BFF;
	s22 =	sshll.u32 s8, $0x1;
	s5 =	sadd.s32 s6, s20  }
0x9e: {  	s9 =	simm.s32 $0x0;
	s21 =	sshll.u32 s7, $0x1;
	s7 =	sadd.s32 s22, s5  }
0x9f: {  	[timem:s9], [sflag:s23] =	dma.local [hbm:s7], s21  }
0xa0: {  	_ =	swait.ge [sflag:s23], s21  }
0xa1: {  	s6 =	ssub.s32 $0x0, s21;
	[sflag:s23] =	ssyncset.done $0x0  }
0xa2: {  	[sflag:s23] =	ssyncadd.s32 s6;
	_ =	sdelay $0x1  }
0xa3: {  	s24 =	simm.s32 $0x1B8B  }
0xa4: {  	_ =	swait.ge [sflag:s24], $0x1  }
0xa5: {  	[sflag:s24] =	ssyncset.done $0x0  }
0xa6: {  	s25 =	simm.s32 $0x1B8E;
	[sflag:s24] =	ssyncadd.s32 $0xFFFFFFFF  }
0xa7: {  	s26 =	simm.s32 $execute0_lowered;
	[smem:$0x3FD2] =	sst s25  }
0xa8: {  	s6 =	sshll.u32 s26, $0x1;
	_ =	strace $0x80000046;
	[dreg:$0x1] =	wrdreg $0xFFFFFFFF  }
0xa9: {  	s28 =	simm.s32 $_size_execute0_lowered;
	s5 =	sadd.s32 s5, s6;
	[dreg:$0x0] =	wrdreg $0x0  }
0xaa: {  	s6 =	sshll.u32 s28, $0x1;
	[dreg:$0x2] =	wrdreg s5  }
0xab: {  	[dreg:$0x3] =	wrdreg s6  }
0xac: {  	[dreg:$0x4] =	wrdreg $0xC0  }
0xad: {  	_ =	task [dreg:s9], $0x5FFFF  }
0xae: {  	[dreg:$0x1] =	wrdreg $0xFFFFFFFF  }
0xaf: {  	[dreg:$0x0] =	wrdreg $0x60  }
0xb0: {  	[dreg:$0x2] =	wrdreg s2  }
0xb1: {  	[dreg:$0x3] =	wrdreg s19  }
0xb2: {  	[dreg:$0x4] =	wrdreg s4  }
0xb3: {  	[dreg:$0x5] =	wrdreg $0x9  }
0xb4: {  	_ =	task.clear_ibuf [dreg:s9], $0x6FFFF;
	_ =	strace $0x90000046  }
0xb5: {  	s29 =	simm.s32 $0x9;
	_ =	strace $0x80000048  }
0xb6: {  	_ =	swait.ge [sflag:s29], $0x1  }
0xb7: {  	[sflag:s29] =	ssyncadd.s32 $0xFFFFFFFF  }
0xb8: {  	_ =	strace $0x90000048  }
0xb9: {  	_ =	sfence  }
0xba: {  	s30 =	sld [smem:$0x0];
	_ =	sdelay $0x2  }
0xbb: {  	s31 =	sshll.u32 s1, $0xD;
	s1 =	sshrl.u32 s1, $0x2  }
0xbc: {  	s3 =	sand.u32 $0x4000, s31;
	s1 =	sadd.s32 s1, s30  }
0xbd: {  	s0 =	sor.u32 s3, s0;
	s1 =	sshll.u32 s1, $0x11  }
0xbe: {  	s0 =	sor.u32 s1, s0  }
0xbf: {  	s0 =	sadd.s32 $0x8F2B, s0  }
0xc0: {  	[sflag:s0] =	ssyncadd.remote.s32 $0x1  }
0xc1: {  	_ =	sfence.sel $0xFFFF  }
0xc2: {  	[dreg:$0x0] =	wrdreg $0xFFFFFFFF;
	(pc) =	sbr.abs _section_cstart, $3  }
0xc3: {  	[dreg:$0x1] =	wrdreg $0xFFFFFFFF  }
0xc4: {  	_ =	task.clear_ibuf [dreg:s9], $0x2FFFF;
	_ =	strace $0x9FFFFFFF  }
0xc5: {  	(tm) =	ssettm $0x7FFFFFFF  }
tec
execute0_lowered:
.L_overlay_start_1:
0x0: {  	(tag) =	ssettag $0x1  }
0x1: {  	s2 =	rddreg [dreg:$0x0]  }
0x2: {  	s25 =	rddreg [dreg:$0x1]  }
0x3: {  	s4 =	rddreg [dreg:$0x2]  }
0x4: {  	s0 =	srdreg.scid;
	s3 =	stileid.u32;
	s30 =	simm.s32 $0x0  }
0x5: {  	s0 =	sand.u32 $0x1, s0;
	[smem:$0x7FF] =	sst s30;
	s21 =	sadd.s32 $0x200000, s4  }
0x6: {  	s22 =	sadd.s32 $0x400000, s4;
	_ =	strace $0x80000047;
	[dreg:$0x10] =	wrdreg s21  }
0x7: {  	s1 =	sshll.u32 s3, $0x9;
	s23 =	sadd.s32 $0x600000, s4;
	[dreg:$0x11] =	wrdreg s22  }
0x8: {  	s7 =	sshll.u32 s3, $0xD;
	s26 =	sadd.s32 $0x4000, s4;
	[dreg:$0x12] =	wrdreg s23  }
0x9: {  	s28 =	sadd.s32 $0x204000, s4;
	s29 =	sadd.s32 $0x404000, s4;
	[dreg:$0x16] =	wrdreg s26  }
0xa: {  	s30 =	sadd.s32 $0x604000, s4;
	s5 =	sshll.u32 s0, $0x8;
	[dreg:$0x17] =	wrdreg s28  }
0xb: {  	s1 =	sand.u32 $0x200, s1;
	s8 =	sand.u32 $0x1C000, s7;
	[dreg:$0x18] =	wrdreg s29  }
0xc: {  	s0 =	ssub.s32 $0x2, s0;
	[dreg:$0x19] =	wrdreg s30;
	s24 =	sor.u32 $0x80000, s8  }
0xd: {  	s6 =	sor.u32 s5, s1;
	s1 =	sor.u32 $0xA0000, s8;
	[dreg:$0x13] =	wrdreg s24  }
0xe: {  	s10 =	sshrl.u32 s0, $0x1;
	s9 =	sor.u32 s8, s6;
	[dreg:$0x14] =	wrdreg s1  }
0xf: {  	s0 =	ssub.s32 s0, s10;
	s20 =	sor.u32 $0x1000000, s6;
	[dreg:$0x4] =	wrdreg s9  }
0x10: {  	s11 =	sshrl.u32 s9, $0x3;
	[dreg:$0xf] =	wrdreg s20;
	s0 =	smax.u32 s0, $0x1  }
0x11: {  	s3 =	sadd.s32 s25, s11;
	[dreg:$0x15] =	wrdreg s0  }
0x12: {  	s31 =	simm.s32 $0x100;
	s12 =	sadd.s32 s2, s11;
	[dreg:$0x5] =	wrdreg s3  }
0x13: {  	s7 =	simm.s32 $0x4;
	s13 =	sadd.s32 $0x200000, s12;
	[dreg:$0x6] =	wrdreg s12  }
0x14: {  	s8 =	simm.s32 $0x10000;
	s14 =	sadd.s32 $0x400000, s12;
	[dreg:$0x7] =	wrdreg s13  }
0x15: {  	s15 =	sor.u32 $0x4000, s11;
	s16 =	sadd.s32 $0x600000, s12;
	[dreg:$0x8] =	wrdreg s14  }
0x16: {  	s10 =	simm.s32 $0x11000;
	s17 =	sadd.s32 s25, s15;
	[dreg:$0x9] =	wrdreg s16  }
0x17: {  	s0 =	simm.s32 $0x400;
	s5 =	sadd.s32 s2, s15;
	[dreg:$0xa] =	wrdreg s17  }
0x18: {  	s11 =	simm.s32 $0x2;
	s18 =	sadd.s32 $0x204000, s12;
	[dreg:$0xb] =	wrdreg s5  }
0x19: {  	s19 =	sadd.s32 $0x404000, s12;
	s3 =	sadd.s32 $0x604000, s12;
	[dreg:$0xc] =	wrdreg s18  }
0x1a: {  	s15 =	simm.s32 $0x1;
	s12 =	simm.s32 $0x5;
	[dreg:$0xd] =	wrdreg s19  }
0x1b: {  	[dreg:$0xe] =	wrdreg s3;
	s18 =	smov.u32 s6;
	s19 =	sor.u32 $0x3000000, s6  }
0x1c: {  	s13 =	simm.s32 $0x3;
	s14 =	simm.s32 $0x6;
	s5 =	simm.s32 $0x0  }
.LBB2_1:
0x1d: {  	[dreg:$0x1a] =	wrdreg s5  }
0x1e: {  	s1 =	simm.s32 $0x0;
	s3 =	rddreg [dreg:$0x5]  }
0x1f: {  	[tilespmem:s1], [sflag:$0x1] =	stream.strided.gather [hbm4b:s3+s31], $0x1000, s0, s31, $0x38;
	[tilespmem:$0x14000] =	vst v63  }
0x20: {  	s26 =	rddreg [dreg:$0x6];
	s28 =	simm.s32 $0x1000  }
0x21: {  	[tilespmem:s28], [sflag:$0x1] =	stream.strided.gather [hbm4b:s26+s31], $0x1000, s0, s31, $0x38;
	[tilespmem:$0x14000] =	vst v63  }
0x22: {  	s29 =	rddreg [dreg:$0x7];
	s30 =	simm.s32 $0x2000  }
0x23: {  	[tilespmem:s30], [sflag:$0x1] =	stream.strided.gather [hbm4b:s29+s31], $0x1000, s0, s31, $0x38;
	[tilespmem:$0x14000] =	vst v63  }
0x24: {  	s5 =	rddreg [dreg:$0x8];
	s6 =	simm.s32 $0x3000  }
0x25: {  	[tilespmem:s6], [sflag:$0x1] =	stream.strided.gather [hbm4b:s5+s31], $0x1000, s0, s31, $0x38;
	[tilespmem:$0x14000] =	vst v63  }
0x26: {  	s9 =	rddreg [dreg:$0x9];
	s16 =	simm.s32 $0x4000  }
0x27: {  	[tilespmem:s16], [sflag:$0x1] =	stream.strided.gather [hbm4b:s9+s31], $0x1000, s0, s31, $0x38;
	[tilespmem:$0x14000] =	vst v63  }
0x28: {  	s17 =	rddreg [dreg:$0xa];
	s20 =	simm.s32 $0x5000  }
0x29: {  	[tilespmem:s20], [sflag:$0x2] =	stream.strided.gather [hbm4b:s17+s31], $0x1000, s0, s31, $0x38;
	[tilespmem:$0x14000] =	vst v63  }
0x2a: {  	s21 =	rddreg [dreg:$0xb];
	s22 =	simm.s32 $0x6000  }
0x2b: {  	[tilespmem:s22], [sflag:$0x2] =	stream.strided.gather [hbm4b:s21+s31], $0x1000, s0, s31, $0x38;
	[tilespmem:$0x14000] =	vst v63  }
0x2c: {  	s23 =	rddreg [dreg:$0xc];
	s24 =	simm.s32 $0x7000  }
0x2d: {  	[tilespmem:s24], [sflag:$0x2] =	stream.strided.gather [hbm4b:s23+s31], $0x1000, s0, s31, $0x38;
	[tilespmem:$0x14000] =	vst v63  }
0x2e: {  	s26 =	rddreg [dreg:$0xd];
	s28 =	simm.s32 $0x8000  }
0x2f: {  	[tilespmem:s28], [sflag:$0x2] =	stream.strided.gather [hbm4b:s26+s31], $0x1000, s0, s31, $0x38;
	[tilespmem:$0x14000] =	vst v63  }
0x30: {  	s29 =	rddreg [dreg:$0xe];
	s30 =	simm.s32 $0x9000;
	s20 =	simm.s32 $0x0  }
0x31: {  	[tilespmem:s30], [sflag:$0x2] =	stream.strided.gather [hbm4b:s29+s31], $0x1000, s0, s31, $0x38;
	[tilespmem:$0x14000] =	vst v63  }
.LBB2_2:
0x32: {  	p0 =	seq.s32 s20, $0x0  }
0x33: {  	s1 =	simm.s32 @!p0 $0x7  }
0x34: {  	_ =	swait.ge @!p0 [sflag:s1], $0x1000  }
0x35: {  	[sflag:s1] =	ssyncset.done @!p0 $0x0  }
0x36: {  	[sflag:s1] =	ssyncadd.s32 @!p0 $0xFFFFF000  }
0x37: {  	_ =	swait.ge @!p0 [sflag:s1], $0x1000  }
0x38: {  	[sflag:s1] =	ssyncset.done @!p0 $0x0  }
0x39: {  	[sflag:s1] =	ssyncadd.s32 @!p0 $0xFFFFF000  }
0x3a: {  	_ =	swait.ge @!p0 [sflag:s1], $0x1000  }
0x3b: {  	s21 =	sshll.u32 s20, $0x13;
	[sflag:s1] =	ssyncset.done @!p0 $0x0;
	s3 =	rddreg [dreg:$0x4]  }
0x3c: {  	[sflag:s1] =	ssyncadd.s32 @!p0 $0xFFFFF000;
	s5 =	sor.u32 s3, s21  }
0x3d: {  	_ =	swait.ge @!p0 [sflag:s1], $0x1000;
	s17 =	sshrl.u32 s5, $0x3  }
0x3e: {  	s6 =	smov.u32 s25;
	[sflag:s1] =	ssyncset.done @!p0 $0x0;
	s28 =	sor.u32 $0x8000, s17  }
0x3f: {  	s24 =	simm.s32 $0xA000;
	[sflag:s1] =	ssyncadd.s32 @!p0 $0xFFFFF000;
	s23 =	sadd.s32 s25, s28  }
0x40: {  	[tilespmem:s24], [sflag:$0x3] =	stream.strided.gather [hbm4b:s23+s31], $0x1000, s0, s31, $0x38;
	[tilespmem:$0x14000] =	vst v63  }
0x41: {  	s26 =	simm.s32 $0xB000;
	s29 =	sor.u32 $0x208000, s17;
	s25 =	sadd.s32 s2, s28  }
0x42: {  	[tilespmem:s26], [sflag:$0x3] =	stream.strided.gather [hbm4b:s25+s31], $0x1000, s0, s31, $0x38;
	[tilespmem:$0x14000] =	vst v63  }
0x43: {  	s9 =	simm.s32 $0xC000;
	s30 =	sor.u32 $0x408000, s17;
	s5 =	sadd.s32 s2, s29  }
0x44: {  	[tilespmem:s9], [sflag:$0x3] =	stream.strided.gather [hbm4b:s5+s31], $0x1000, s0, s31, $0x38;
	[tilespmem:$0x14000] =	vst v63  }
0x45: {  	s22 =	simm.s32 $0xD000;
	s16 =	sadd.s32 s2, s30  }
0x46: {  	[tilespmem:s22], [sflag:$0x3] =	stream.strided.gather [hbm4b:s16+s31], $0x1000, s0, s31, $0x38;
	[tilespmem:$0x14000] =	vst v63  }
0x47: {  	s16 =	sor.u32 $0x608000, s17  }
0x48: {  	s24 =	simm.s32 $0xE000;
	s23 =	sadd.s32 s2, s16  }
0x49: {  	[tilespmem:s24], [sflag:$0x3] =	stream.strided.gather [hbm4b:s23+s31], $0x1000, s0, s31, $0x38;
	[tilespmem:$0x14000] =	vst v63  }
0x4a: {  	_ =	swait.ge [sflag:s15], $0x1000  }
0x4b: {  	[sflag:s15] =	ssyncset.done $0x0  }
0x4c: {  	[sflag:s15] =	ssyncadd.s32 $0xFFFFF000  }
0x4d: {  	_ =	swait.ge [sflag:s15], $0x1000  }
0x4e: {  	[sflag:s15] =	ssyncset.done $0x0  }
0x4f: {  	[sflag:s15] =	ssyncadd.s32 $0xFFFFF000  }
0x50: {  	_ =	swait.ge [sflag:s15], $0x1000  }
0x51: {  	[sflag:s15] =	ssyncset.done $0x0  }
0x52: {  	[sflag:s15] =	ssyncadd.s32 $0xFFFFF000  }
0x53: {  	_ =	swait.ge [sflag:s15], $0x1000  }
0x54: {  	[sflag:s15] =	ssyncset.done $0x0  }
0x55: {  	s25 =	simm.s32 $0x0;
	[sflag:s15] =	ssyncadd.s32 $0xFFFFF000  }
0x56: {  	s26 =	sand.u32 $0xF00, s25;
	s9 =	sand.u32 $0x80, s25;
	_ =	swait.ge [sflag:s15], $0x1000  }
0x57: {  	s1 =	sand.u32 $0x40, s25;
	s5 =	sor.u32 s9, s26;
	[sflag:s15] =	ssyncset.done $0x0  }
0x58: {  	s22 =	sor.u32 s1, s5;
	[sflag:s15] =	ssyncadd.s32 $0xFFFFF000  }
0x59: {  	v2 =	vld [tilespmem:s22+$0x0]  }
0x5a: {  	v5 =	vld [tilespmem:s22+$0x10]  }
0x5b: {  	v1 =	vld [tilespmem:s22+$0x20]  }
0x5c: {  	v3 =	vld [tilespmem:s22+$0x1000]  }
0x5d: {  	v4 =	vld [tilespmem:s22+$0x2000]  }
0x5e: {  	v6 =	vld [tilespmem:s22+$0x3000]  }
0x5f: {  	v7 =	vld [tilespmem:s22+$0x4000]  }
0x60: {  	v8 =	vld [tilespmem:s22+$0x1010]  }
0x61: {  	v9 =	vld [tilespmem:s22+$0x2010]  }
0x62: {  	v0 =	vld [tilespmem:s22+$0x30];
	v3 =	vadd.f32 v3, v2  }
0x63: {  	v10 =	vld [tilespmem:s22+$0x3010];
	v4 =	vadd.f32 v4, v2  }
0x64: {  	v11 =	vld [tilespmem:s22+$0x4010];
	[tilespmem:s22+$0x1000] =	vst v3;
	v3 =	vadd.f32 v6, v2  }
0x65: {  	[tilespmem:s22+$0x2000] =	vst v4;
	v6 =	vld [tilespmem:s22+$0x1020];
	v2 =	vadd.f32 v7, v2  }
0x66: {  	v7 =	vadd.f32 v8, v5;
	v8 =	vadd.f32 v9, v5;
	[tilespmem:s22+$0x3000] =	vst v3;
	v3 =	vld [tilespmem:s22+$0x2020]  }
0x67: {  	v4 =	vld [tilespmem:s22+$0x3020];
	[tilespmem:s22+$0x4000] =	vst v2  }
0x68: {  	v2 =	vld [tilespmem:s22+$0x4020];
	[tilespmem:s22+$0x2010] =	vst v8;
	v8 =	vadd.f32 v10, v5  }
0x69: {  	s9 =	simm.s32 $0x80;
	s1 =	simm.s32 $0x4;
	s23 =	simm.s32 $0x40;
	[tilespmem:s22+$0x1010] =	vst v7;
	v7 =	vadd.f32 v11, v5;
	v5 =	vld [tilespmem:s22+$0x1030]  }
.LBB2_3:
0x6a: {  	s5 =	sand.u32 $0xF00, s9;
	s24 =	sand.u32 $0x80, s1;
	p1 =	sne.s32 s1, $0xFC;
	[tilespmem:s22+$0x3010] =	vst v8;
	v6 =	vadd.f32 v6, v1;
	v8 =	vld [tilespmem:s22+$0x2030]  }
0x6b: {  	s25 =	sand.u32 $0x40, s23;
	s5 =	sor.u32 s24, s5;
	[tilespmem:s22+$0x4010] =	vst v7;
	v3 =	vadd.f32 v3, v1;
	v7 =	vld [tilespmem:s22+$0x3030]  }
0x6c: {  	s5 =	sor.u32 s25, s5;
	[tilespmem:s22+$0x1020] =	vst v6;
	v4 =	vadd.f32 v4, v1;
	v6 =	vld [tilespmem:s22+$0x4030]  }
0x6d: {  	v9 =	vld [tilespmem:s5+$0x0];
	[tilespmem:s22+$0x2020] =	vst v3;
	v2 =	vadd.f32 v2, v1  }
0x6e: {  	v10 =	vld [tilespmem:s5+$0x10];
	[tilespmem:s22+$0x3020] =	vst v4;
	v3 =	vadd.f32 v5, v0  }
0x6f: {  	v1 =	vld [tilespmem:s5+$0x20];
	[tilespmem:s22+$0x4020] =	vst v2;
	v2 =	vadd.f32 v8, v0  }
0x70: {  	v4 =	vld [tilespmem:s5+$0x30];
	[tilespmem:s22+$0x1030] =	vst v3;
	v3 =	vadd.f32 v7, v0  }
0x71: {  	v5 =	vld [tilespmem:s5+$0x1000];
	[tilespmem:s22+$0x2030] =	vst v2;
	v0 =	vadd.f32 v6, v0  }
0x72: {  	v2 =	vld [tilespmem:s5+$0x2000];
	[tilespmem:s22+$0x3030] =	vst v3  }
0x73: {  	v3 =	vld [tilespmem:s5+$0x3000];
	[tilespmem:s22+$0x4030] =	vst v0;
	s22 =	smov.u32 s5  }
0x74: {  	v6 =	vld [tilespmem:s22+$0x4000]  }
0x75: {  	v7 =	vld [tilespmem:s22+$0x1010];
	v0 =	vmov v4  }
0x76: {  	v4 =	vadd.f32 v5, v9;
	v5 =	vld [tilespmem:s22+$0x2010]  }
0x77: {  	v2 =	vadd.f32 v2, v9;
	v8 =	vld [tilespmem:s22+$0x3010]  }
0x78: {  	[tilespmem:s22+$0x1000] =	vst v4;
	v3 =	vadd.f32 v3, v9;
	v11 =	vld [tilespmem:s22+$0x4010]  }
.Ltmp0:
0x79: {  	[tilespmem:s22+$0x2000] =	vst v2;
	v2 =	vadd.f32 v6, v9;
	v6 =	vld [tilespmem:s22+$0x1020];
	(pc) =	sbr.rel @p1 .LBB2_3-.Ltmp0, $4  }
0x7a: {  	[tilespmem:s22+$0x3000] =	vst v3;
	v7 =	vadd.f32 v7, v10;
	v3 =	vld [tilespmem:s22+$0x2020]  }
0x7b: {  	[tilespmem:s22+$0x4000] =	vst v2;
	v5 =	vadd.f32 v5, v10;
	v4 =	vld [tilespmem:s22+$0x3020]  }
0x7c: {  	[tilespmem:s22+$0x1010] =	vst v7;
	v8 =	vadd.f32 v8, v10;
	v2 =	vld [tilespmem:s22+$0x4020]  }
0x7d: {  	s23 =	sadd.s32 $0x40, s23;
	s9 =	sadd.s32 $0x80, s9;
	s1 =	sadd.s32 $0x4, s1;
	[tilespmem:s22+$0x2010] =	vst v5;
	v7 =	vadd.f32 v11, v10;
	v5 =	vld [tilespmem:s22+$0x1030]  }
0x7e: {  	[tilespmem:s22+$0x3010] =	vst v8;
	v8 =	vld [tilespmem:s22+$0x2030];
	v6 =	vadd.f32 v6, v1  }
0x7f: {  	[tilespmem:s22+$0x4010] =	vst v7;
	v7 =	vld [tilespmem:s22+$0x3030];
	v3 =	vadd.f32 v3, v1  }
0x80: {  	[tilespmem:s22+$0x1020] =	vst v6;
	v4 =	vadd.f32 v4, v1;
	v6 =	vld [tilespmem:s22+$0x4030]  }
0x81: {  	[tilespmem:s22+$0x2020] =	vst v3;
	v1 =	vadd.f32 v2, v1  }
0x82: {  	[tilespmem:s22+$0x3020] =	vst v4;
	v2 =	vadd.f32 v5, v0  }
0x83: {  	[tilespmem:s22+$0x4020] =	vst v1;
	v1 =	vadd.f32 v8, v0  }
0x84: {  	[tilespmem:s22+$0x1030] =	vst v2;
	v2 =	vadd.f32 v7, v0  }
0x85: {  	[tilespmem:s22+$0x2030] =	vst v1;
	v0 =	vadd.f32 v6, v0  }
0x86: {  	[tilespmem:s22+$0x3030] =	vst v2  }
0x87: {  	s1 =	sadd.s32 s4, s17;
	s3 =	simm.s32 $0x1000;
	s25 =	rddreg [dreg:$0x10];
	[tilespmem:s22+$0x4030] =	vst v0  }
0x88: {  	[hbm4b:s1+s31] =	stream.strided.scatter [tilespmem:s3], [sflag:$0x5], $0x1000, s0, s31, $0x38;
	[tilespmem:$0x14000] =	vst v63  }
0x89: {  	s26 =	simm.s32 $0x2000;
	s5 =	rddreg [dreg:$0x11];
	s1 =	sadd.s32 s17, s25  }
0x8a: {  	[hbm4b:s1+s31] =	stream.strided.scatter [tilespmem:s26], [sflag:$0x5], $0x1000, s0, s31, $0x38;
	[tilespmem:$0x14000] =	vst v63  }
0x8b: {  	s9 =	simm.s32 $0x3000;
	s22 =	rddreg [dreg:$0x12];
	s1 =	sadd.s32 s17, s5  }
0x8c: {  	[hbm4b:s1+s31] =	stream.strided.scatter [tilespmem:s9], [sflag:$0x5], $0x1000, s0, s31, $0x38;
	[tilespmem:$0x14000] =	vst v63  }
0x8d: {  	s23 =	simm.s32 $0x4000;
	s1 =	sadd.s32 s17, s22  }
0x8e: {  	[hbm4b:s1+s31] =	stream.strided.scatter [tilespmem:s23], [sflag:$0x5], $0x1000, s0, s31, $0x38;
	[tilespmem:$0x14000] =	vst v63  }
0x8f: {  	s1 =	simm.s32 @!p0 $0x8  }
0x90: {  	_ =	swait.ge @!p0 [sflag:s1], $0x1000  }
0x91: {  	[sflag:s1] =	ssyncset.done @!p0 $0x0  }
0x92: {  	[sflag:s1] =	ssyncadd.s32 @!p0 $0xFFFFF000  }
0x93: {  	_ =	swait.ge @!p0 [sflag:s1], $0x1000  }
0x94: {  	[sflag:s1] =	ssyncset.done @!p0 $0x0  }
0x95: {  	[sflag:s1] =	ssyncadd.s32 @!p0 $0xFFFFF000  }
0x96: {  	_ =	swait.ge @!p0 [sflag:s1], $0x1000  }
0x97: {  	[sflag:s1] =	ssyncset.done @!p0 $0x0  }
0x98: {  	[sflag:s1] =	ssyncadd.s32 @!p0 $0xFFFFF000  }
0x99: {  	_ =	swait.ge @!p0 [sflag:s1], $0x1000  }
0x9a: {  	s22 =	sor.u32 $0xC000, s17;
	[sflag:s1] =	ssyncset.done @!p0 $0x0  }
0x9b: {  	s25 =	simm.s32 $0xF000;
	s24 =	sadd.s32 s6, s22;
	[sflag:s1] =	ssyncadd.s32 @!p0 $0xFFFFF000  }
0x9c: {  	[tilespmem:s25], [sflag:$0x4] =	stream.strided.gather [hbm4b:s24+s31], $0x1000, s0, s31, $0x38;
	[tilespmem:$0x14000] =	vst v63  }
0x9d: {  	s26 =	sadd.s32 s2, s22;
	s23 =	sor.u32 $0x20C000, s17  }
0x9e: {  	[tilespmem:s8], [sflag:$0x4] =	stream.strided.gather [hbm4b:s26+s31], $0x1000, s0, s31, $0x38;
	[tilespmem:$0x14000] =	vst v63  }
0x9f: {  	s3 =	sadd.s32 s2, s23;
	s24 =	sor.u32 $0x40C000, s17  }
0xa0: {  	[tilespmem:s10], [sflag:$0x4] =	stream.strided.gather [hbm4b:s3+s31], $0x1000, s0, s31, $0x38;
	[tilespmem:$0x14000] =	vst v63  }
0xa1: {  	s5 =	sadd.s32 s2, s24;
	s8 =	simm.s32 $0x12000;
	s26 =	sor.u32 $0x60C000, s17  }
0xa2: {  	[tilespmem:s8], [sflag:$0x4] =	stream.strided.gather [hbm4b:s5+s31], $0x1000, s0, s31, $0x38;
	[tilespmem:$0x14000] =	vst v63  }
0xa3: {  	s9 =	sadd.s32 s2, s26;
	s10 =	simm.s32 $0x13000  }
0xa4: {  	[tilespmem:s10], [sflag:$0x4] =	stream.strided.gather [hbm4b:s9+s31], $0x1000, s0, s31, $0x38;
	[tilespmem:$0x14000] =	vst v63  }
0xa5: {  	_ =	swait.ge [sflag:s11], $0x1000  }
0xa6: {  	[sflag:s11] =	ssyncset.done $0x0  }
0xa7: {  	[sflag:s11] =	ssyncadd.s32 $0xFFFFF000  }
0xa8: {  	_ =	swait.ge [sflag:s11], $0x1000  }
0xa9: {  	[sflag:s11] =	ssyncset.done $0x0  }
0xaa: {  	[sflag:s11] =	ssyncadd.s32 $0xFFFFF000  }
0xab: {  	_ =	swait.ge [sflag:s11], $0x1000  }
0xac: {  	[sflag:s11] =	ssyncset.done $0x0  }
0xad: {  	[sflag:s11] =	ssyncadd.s32 $0xFFFFF000  }
0xae: {  	_ =	swait.ge [sflag:s11], $0x1000  }
0xaf: {  	[sflag:s11] =	ssyncset.done $0x0  }
0xb0: {  	s25 =	simm.s32 $0x0;
	[sflag:s11] =	ssyncadd.s32 $0xFFFFF000  }
0xb1: {  	s5 =	sand.u32 $0xF00, s25;
	s9 =	sand.u32 $0x80, s25;
	_ =	swait.ge [sflag:s11], $0x1000  }
0xb2: {  	s1 =	sand.u32 $0x40, s25;
	s5 =	sor.u32 s9, s5;
	[sflag:s11] =	ssyncset.done $0x0  }
0xb3: {  	s25 =	sor.u32 s1, s5;
	[sflag:s11] =	ssyncadd.s32 $0xFFFFF000  }
0xb4: {  	v2 =	vld [tilespmem:s25+$0x5000]  }
0xb5: {  	v5 =	vld [tilespmem:s25+$0x5010]  }
0xb6: {  	v1 =	vld [tilespmem:s25+$0x5020]  }
0xb7: {  	v3 =	vld [tilespmem:s25+$0x6000]  }
0xb8: {  	v4 =	vld [tilespmem:s25+$0x7000]  }
0xb9: {  	v6 =	vld [tilespmem:s25+$0x8000]  }
0xba: {  	v7 =	vld [tilespmem:s25+$0x9000]  }
0xbb: {  	v8 =	vld [tilespmem:s25+$0x6010]  }
0xbc: {  	v9 =	vld [tilespmem:s25+$0x7010]  }
0xbd: {  	v0 =	vld [tilespmem:s25+$0x5030];
	v3 =	vadd.f32 v3, v2  }
0xbe: {  	v10 =	vld [tilespmem:s25+$0x8010];
	v4 =	vadd.f32 v4, v2  }
0xbf: {  	v11 =	vld [tilespmem:s25+$0x9010];
	[tilespmem:s25+$0x6000] =	vst v3;
	v3 =	vadd.f32 v6, v2  }
0xc0: {  	[tilespmem:s25+$0x7000] =	vst v4;
	v6 =	vld [tilespmem:s25+$0x6020];
	v2 =	vadd.f32 v7, v2  }
0xc1: {  	v7 =	vadd.f32 v8, v5;
	v8 =	vadd.f32 v9, v5;
	[tilespmem:s25+$0x8000] =	vst v3;
	v3 =	vld [tilespmem:s25+$0x7020]  }
0xc2: {  	v4 =	vld [tilespmem:s25+$0x8020];
	[tilespmem:s25+$0x9000] =	vst v2  }
0xc3: {  	v2 =	vld [tilespmem:s25+$0x9020];
	[tilespmem:s25+$0x7010] =	vst v8;
	v8 =	vadd.f32 v10, v5  }
0xc4: {  	s9 =	simm.s32 $0x40;
	s1 =	simm.s32 $0x80;
	s5 =	simm.s32 $0x4;
	[tilespmem:s25+$0x6010] =	vst v7;
	v7 =	vadd.f32 v11, v5;
	v5 =	vld [tilespmem:s25+$0x6030]  }
.LBB2_5:
0xc5: {  	s8 =	sand.u32 $0xF00, s1;
	s10 =	sand.u32 $0x80, s5;
	p0 =	sne.s32 s5, $0xFC;
	[tilespmem:s25+$0x8010] =	vst v8;
	v6 =	vadd.f32 v6, v1;
	v8 =	vld [tilespmem:s25+$0x7030]  }
0xc6: {  	s3 =	sand.u32 $0x40, s9;
	s8 =	sor.u32 s10, s8;
	[tilespmem:s25+$0x9010] =	vst v7;
	v3 =	vadd.f32 v3, v1;
	v7 =	vld [tilespmem:s25+$0x8030]  }
0xc7: {  	s3 =	sor.u32 s3, s8;
	[tilespmem:s25+$0x6020] =	vst v6;
	v4 =	vadd.f32 v4, v1;
	v6 =	vld [tilespmem:s25+$0x9030]  }
0xc8: {  	v9 =	vld [tilespmem:s3+$0x5000];
	[tilespmem:s25+$0x7020] =	vst v3;
	v2 =	vadd.f32 v2, v1  }
0xc9: {  	v10 =	vld [tilespmem:s3+$0x5010];
	[tilespmem:s25+$0x8020] =	vst v4;
	v3 =	vadd.f32 v5, v0  }
0xca: {  	v1 =	vld [tilespmem:s3+$0x5020];
	[tilespmem:s25+$0x9020] =	vst v2;
	v2 =	vadd.f32 v8, v0  }
0xcb: {  	v4 =	vld [tilespmem:s3+$0x5030];
	[tilespmem:s25+$0x6030] =	vst v3;
	v3 =	vadd.f32 v7, v0  }
0xcc: {  	v5 =	vld [tilespmem:s3+$0x6000];
	[tilespmem:s25+$0x7030] =	vst v2;
	v0 =	vadd.f32 v6, v0  }
0xcd: {  	v2 =	vld [tilespmem:s3+$0x7000];
	[tilespmem:s25+$0x8030] =	vst v3  }
0xce: {  	v3 =	vld [tilespmem:s3+$0x8000];
	[tilespmem:s25+$0x9030] =	vst v0;
	s25 =	smov.u32 s3  }
0xcf: {  	v6 =	vld [tilespmem:s25+$0x9000]  }
0xd0: {  	v7 =	vld [tilespmem:s25+$0x6010];
	v0 =	vmov v4  }
0xd1: {  	v4 =	vadd.f32 v5, v9;
	v5 =	vld [tilespmem:s25+$0x7010]  }
0xd2: {  	v2 =	vadd.f32 v2, v9;
	v8 =	vld [tilespmem:s25+$0x8010]  }
0xd3: {  	[tilespmem:s25+$0x6000] =	vst v4;
	v3 =	vadd.f32 v3, v9;
	v11 =	vld [tilespmem:s25+$0x9010]  }
.Ltmp1:
0xd4: {  	[tilespmem:s25+$0x7000] =	vst v2;
	v2 =	vadd.f32 v6, v9;
	v6 =	vld [tilespmem:s25+$0x6020];
	(pc) =	sbr.rel @p0 .LBB2_5-.Ltmp1, $4  }
0xd5: {  	[tilespmem:s25+$0x8000] =	vst v3;
	v7 =	vadd.f32 v7, v10;
	v3 =	vld [tilespmem:s25+$0x7020]  }
0xd6: {  	[tilespmem:s25+$0x9000] =	vst v2;
	v5 =	vadd.f32 v5, v10;
	v4 =	vld [tilespmem:s25+$0x8020]  }
0xd7: {  	[tilespmem:s25+$0x6010] =	vst v7;
	v8 =	vadd.f32 v8, v10;
	v2 =	vld [tilespmem:s25+$0x9020]  }
0xd8: {  	s9 =	sadd.s32 $0x40, s9;
	s1 =	sadd.s32 $0x80, s1;
	s5 =	sadd.s32 $0x4, s5;
	[tilespmem:s25+$0x7010] =	vst v5;
	v7 =	vadd.f32 v11, v10;
	v5 =	vld [tilespmem:s25+$0x6030]  }
0xd9: {  	[tilespmem:s25+$0x8010] =	vst v8;
	v8 =	vld [tilespmem:s25+$0x7030];
	v6 =	vadd.f32 v6, v1  }
0xda: {  	[tilespmem:s25+$0x9010] =	vst v7;
	v7 =	vld [tilespmem:s25+$0x8030];
	v3 =	vadd.f32 v3, v1  }
0xdb: {  	[tilespmem:s25+$0x6020] =	vst v6;
	v4 =	vadd.f32 v4, v1;
	v6 =	vld [tilespmem:s25+$0x9030]  }
0xdc: {  	[tilespmem:s25+$0x7020] =	vst v3;
	v1 =	vadd.f32 v2, v1  }
0xdd: {  	[tilespmem:s25+$0x8020] =	vst v4;
	v2 =	vadd.f32 v5, v0  }
0xde: {  	[tilespmem:s25+$0x9020] =	vst v1;
	v1 =	vadd.f32 v8, v0  }
0xdf: {  	[tilespmem:s25+$0x6030] =	vst v2;
	v2 =	vadd.f32 v7, v0  }
0xe0: {  	[tilespmem:s25+$0x7030] =	vst v1;
	v0 =	vadd.f32 v6, v0  }
0xe1: {  	s1 =	rddreg [dreg:$0x16];
	[tilespmem:s25+$0x8030] =	vst v2  }
0xe2: {  	s3 =	simm.s32 $0x6000;
	s8 =	rddreg [dreg:$0x17];
	s1 =	sadd.s32 s17, s1;
	[tilespmem:s25+$0x9030] =	vst v0  }
0xe3: {  	[hbm4b:s1+s31] =	stream.strided.scatter [tilespmem:s3], [sflag:$0x6], $0x1000, s0, s31, $0x38;
	[tilespmem:$0x14000] =	vst v63  }
0xe4: {  	s9 =	simm.s32 $0x7000;
	s10 =	rddreg [dreg:$0x18];
	s1 =	sadd.s32 s17, s8  }
0xe5: {  	[hbm4b:s1+s31] =	stream.strided.scatter [tilespmem:s9], [sflag:$0x6], $0x1000, s0, s31, $0x38;
	[tilespmem:$0x14000] =	vst v63  }
0xe6: {  	s5 =	rddreg [dreg:$0x19];
	s25 =	simm.s32 $0x8000;
	s1 =	sadd.s32 s17, s10  }
0xe7: {  	[hbm4b:s1+s31] =	stream.strided.scatter [tilespmem:s25], [sflag:$0x6], $0x1000, s0, s31, $0x38;
	[tilespmem:$0x14000] =	vst v63  }
0xe8: {  	s8 =	simm.s32 $0x9000;
	s1 =	sadd.s32 s17, s5  }
0xe9: {  	[hbm4b:s1+s31] =	stream.strided.scatter [tilespmem:s8], [sflag:$0x6], $0x1000, s0, s31, $0x38;
	[tilespmem:$0x14000] =	vst v63  }
0xea: {  	_ =	swait.ge [sflag:s12], $0x1000  }
0xeb: {  	[sflag:s12] =	ssyncset.done $0x0  }
0xec: {  	[sflag:s12] =	ssyncadd.s32 $0xFFFFF000  }
0xed: {  	_ =	swait.ge [sflag:s12], $0x1000  }
0xee: {  	[sflag:s12] =	ssyncset.done $0x0  }
0xef: {  	[sflag:s12] =	ssyncadd.s32 $0xFFFFF000  }
0xf0: {  	_ =	swait.ge [sflag:s12], $0x1000  }
0xf1: {  	p0 =	seq.s32 s20, $0x1F;
	[sflag:s12] =	ssyncset.done $0x0;
	s1 =	rddreg [dreg:$0x13]  }
0xf2: {  	[sflag:s12] =	ssyncadd.s32 $0xFFFFF000;
	s1 =	sadd.s32 @!p0 s1, s21  }
0xf3: {  	s9 =	simm.s32 @!p0 $0x400;
	_ =	swait.ge [sflag:s12], $0x1000;
	s3 =	sor.u32 @!p0 s18, s1  }
0xf4: {  	s10 =	simm.s32 @!p0 $0x0;
	[sflag:s12] =	ssyncset.done $0x0;
	s3 =	sshrl.u32 @!p0 s3, $0x3  }
0xf5: {  	s8 =	simm.s32 @!p0 $0x100;
	[sflag:s12] =	ssyncadd.s32 $0xFFFFF000;
	s5 =	sadd.s32 @!p0 s6, s3  }
0xf6: {  	[tilespmem:s10], [sflag:$0x1] =	stream.strided.gather @!p0 [hbm4b:s5+s8], $0x1000, s9, s8, $0x38;
	[tilespmem:$0x14000] =	vst v63  }
0xf7: {  	s5 =	sadd.s32 @!p0 s2, s3;
	s10 =	simm.s32 @!p0 $0x1000  }
0xf8: {  	[tilespmem:s10], [sflag:$0x1] =	stream.strided.gather @!p0 [hbm4b:s5+s8], $0x1000, s9, s8, $0x38;
	[tilespmem:$0x14000] =	vst v63  }
0xf9: {  	s5 =	rddreg [dreg:$0xf]  }
0xfa: {  	s5 =	sadd.s32 @!p0 s5, s1  }
0xfb: {  	s3 =	sor.u32 @!p0 $0x400000, s3;
	s5 =	sshrl.u32 @!p0 s5, $0x3  }
0xfc: {  	s10 =	simm.s32 @!p0 $0x2000;
	s1 =	sadd.s32 @!p0 s19, s1;
	s5 =	sadd.s32 @!p0 s2, s5  }
0xfd: {  	[tilespmem:s10], [sflag:$0x1] =	stream.strided.gather @!p0 [hbm4b:s5+s8], $0x1000, s9, s8, $0x38;
	[tilespmem:$0x14000] =	vst v63  }
0xfe: {  	s3 =	sadd.s32 @!p0 s2, s3;
	s1 =	sshrl.u32 @!p0 s1, $0x3;
	s5 =	simm.s32 @!p0 $0x3000  }
0xff: {  	[tilespmem:s5], [sflag:$0x1] =	stream.strided.gather @!p0 [hbm4b:s3+s8], $0x1000, s9, s8, $0x38;
	[tilespmem:$0x14000] =	vst v63  }
0x100: {  	s1 =	sadd.s32 @!p0 s2, s1;
	s3 =	simm.s32 @!p0 $0x4000  }
0x101: {  	[tilespmem:s3], [sflag:$0x1] =	stream.strided.gather @!p0 [hbm4b:s1+s8], $0x1000, s9, s8, $0x38;
	[tilespmem:$0x14000] =	vst v63  }
0x102: {  	_ =	swait.ge [sflag:s13], $0x1000  }
0x103: {  	[sflag:s13] =	ssyncset.done $0x0  }
0x104: {  	[sflag:s13] =	ssyncadd.s32 $0xFFFFF000  }
0x105: {  	_ =	swait.ge [sflag:s13], $0x1000  }
0x106: {  	[sflag:s13] =	ssyncset.done $0x0  }
0x107: {  	[sflag:s13] =	ssyncadd.s32 $0xFFFFF000  }
0x108: {  	_ =	swait.ge [sflag:s13], $0x1000  }
0x109: {  	[sflag:s13] =	ssyncset.done $0x0  }
0x10a: {  	[sflag:s13] =	ssyncadd.s32 $0xFFFFF000  }
0x10b: {  	_ =	swait.ge [sflag:s13], $0x1000  }
0x10c: {  	[sflag:s13] =	ssyncset.done $0x0  }
0x10d: {  	s9 =	simm.s32 $0x0;
	[sflag:s13] =	ssyncadd.s32 $0xFFFFF000  }
0x10e: {  	s10 =	sand.u32 $0xF00, s9;
	s17 =	sand.u32 $0x80, s9;
	_ =	swait.ge [sflag:s13], $0x1000  }
0x10f: {  	s1 =	sand.u32 $0x40, s9;
	s3 =	sor.u32 s17, s10;
	[sflag:s13] =	ssyncset.done $0x0  }
0x110: {  	s17 =	sor.u32 s1, s3;
	[sflag:s13] =	ssyncadd.s32 $0xFFFFF000  }
0x111: {  	v2 =	vld [tilespmem:s17+$0xA000]  }
0x112: {  	v5 =	vld [tilespmem:s17+$0xA010]  }
0x113: {  	v1 =	vld [tilespmem:s17+$0xA020]  }
0x114: {  	v3 =	vld [tilespmem:s17+$0xB000]  }
0x115: {  	v4 =	vld [tilespmem:s17+$0xC000]  }
0x116: {  	v6 =	vld [tilespmem:s17+$0xD000]  }
0x117: {  	v7 =	vld [tilespmem:s17+$0xE000]  }
0x118: {  	v8 =	vld [tilespmem:s17+$0xB010]  }
0x119: {  	v9 =	vld [tilespmem:s17+$0xC010]  }
0x11a: {  	v0 =	vld [tilespmem:s17+$0xA030];
	v3 =	vadd.f32 v3, v2  }
0x11b: {  	v10 =	vld [tilespmem:s17+$0xD010];
	v4 =	vadd.f32 v4, v2  }
0x11c: {  	v11 =	vld [tilespmem:s17+$0xE010];
	[tilespmem:s17+$0xB000] =	vst v3;
	v3 =	vadd.f32 v6, v2  }
0x11d: {  	[tilespmem:s17+$0xC000] =	vst v4;
	v6 =	vld [tilespmem:s17+$0xB020];
	v2 =	vadd.f32 v7, v2  }
0x11e: {  	v7 =	vadd.f32 v8, v5;
	v8 =	vadd.f32 v9, v5;
	[tilespmem:s17+$0xD000] =	vst v3;
	v3 =	vld [tilespmem:s17+$0xC020]  }
0x11f: {  	v4 =	vld [tilespmem:s17+$0xD020];
	[tilespmem:s17+$0xE000] =	vst v2  }
0x120: {  	s25 =	smov.u32 s6;
	v2 =	vld [tilespmem:s17+$0xE020];
	[tilespmem:s17+$0xC010] =	vst v8;
	v8 =	vadd.f32 v10, v5  }
0x121: {  	s5 =	simm.s32 $0x4;
	s9 =	simm.s32 $0x40;
	s1 =	simm.s32 $0x80;
	[tilespmem:s17+$0xB010] =	vst v7;
	v7 =	vadd.f32 v11, v5;
	v5 =	vld [tilespmem:s17+$0xB030]  }
.LBB2_7:
0x122: {  	s3 =	sand.u32 $0xF00, s1;
	s8 =	sand.u32 $0x80, s5;
	p1 =	sne.s32 s5, $0xFC;
	[tilespmem:s17+$0xD010] =	vst v8;
	v6 =	vadd.f32 v6, v1;
	v8 =	vld [tilespmem:s17+$0xC030]  }
0x123: {  	s10 =	sand.u32 $0x40, s9;
	s3 =	sor.u32 s8, s3;
	[tilespmem:s17+$0xE010] =	vst v7;
	v3 =	vadd.f32 v3, v1;
	v7 =	vld [tilespmem:s17+$0xD030]  }
0x124: {  	s3 =	sor.u32 s10, s3;
	[tilespmem:s17+$0xB020] =	vst v6;
	v4 =	vadd.f32 v4, v1;
	v6 =	vld [tilespmem:s17+$0xE030]  }
0x125: {  	v9 =	vld [tilespmem:s3+$0xA000];
	[tilespmem:s17+$0xC020] =	vst v3;
	v2 =	vadd.f32 v2, v1  }
0x126: {  	v10 =	vld [tilespmem:s3+$0xA010];
	[tilespmem:s17+$0xD020] =	vst v4;
	v3 =	vadd.f32 v5, v0  }
0x127: {  	v1 =	vld [tilespmem:s3+$0xA020];
	[tilespmem:s17+$0xE020] =	vst v2;
	v2 =	vadd.f32 v8, v0  }
0x128: {  	v4 =	vld [tilespmem:s3+$0xA030];
	[tilespmem:s17+$0xB030] =	vst v3;
	v3 =	vadd.f32 v7, v0  }
0x129: {  	v5 =	vld [tilespmem:s3+$0xB000];
	[tilespmem:s17+$0xC030] =	vst v2;
	v0 =	vadd.f32 v6, v0  }
0x12a: {  	v2 =	vld [tilespmem:s3+$0xC000];
	[tilespmem:s17+$0xD030] =	vst v3  }
0x12b: {  	v3 =	vld [tilespmem:s3+$0xD000];
	[tilespmem:s17+$0xE030] =	vst v0;
	s17 =	smov.u32 s3  }
0x12c: {  	v6 =	vld [tilespmem:s17+$0xE000]  }
0x12d: {  	v7 =	vld [tilespmem:s17+$0xB010];
	v0 =	vmov v4  }
0x12e: {  	v4 =	vadd.f32 v5, v9;
	v5 =	vld [tilespmem:s17+$0xC010]  }
0x12f: {  	v2 =	vadd.f32 v2, v9;
	v8 =	vld [tilespmem:s17+$0xD010]  }
0x130: {  	[tilespmem:s17+$0xB000] =	vst v4;
	v3 =	vadd.f32 v3, v9;
	v11 =	vld [tilespmem:s17+$0xE010]  }
.Ltmp2:
0x131: {  	[tilespmem:s17+$0xC000] =	vst v2;
	v2 =	vadd.f32 v6, v9;
	v6 =	vld [tilespmem:s17+$0xB020];
	(pc) =	sbr.rel @p1 .LBB2_7-.Ltmp2, $4  }
0x132: {  	[tilespmem:s17+$0xD000] =	vst v3;
	v7 =	vadd.f32 v7, v10;
	v3 =	vld [tilespmem:s17+$0xC020]  }
0x133: {  	[tilespmem:s17+$0xE000] =	vst v2;
	v5 =	vadd.f32 v5, v10;
	v4 =	vld [tilespmem:s17+$0xD020]  }
0x134: {  	[tilespmem:s17+$0xB010] =	vst v7;
	v8 =	vadd.f32 v8, v10;
	v2 =	vld [tilespmem:s17+$0xE020]  }
0x135: {  	s9 =	sadd.s32 $0x40, s9;
	s1 =	sadd.s32 $0x80, s1;
	s5 =	sadd.s32 $0x4, s5;
	[tilespmem:s17+$0xC010] =	vst v5;
	v7 =	vadd.f32 v11, v10;
	v5 =	vld [tilespmem:s17+$0xB030]  }
0x136: {  	[tilespmem:s17+$0xD010] =	vst v8;
	v8 =	vld [tilespmem:s17+$0xC030];
	v6 =	vadd.f32 v6, v1  }
0x137: {  	[tilespmem:s17+$0xE010] =	vst v7;
	v7 =	vld [tilespmem:s17+$0xD030];
	v3 =	vadd.f32 v3, v1  }
0x138: {  	[tilespmem:s17+$0xB020] =	vst v6;
	v4 =	vadd.f32 v4, v1;
	v6 =	vld [tilespmem:s17+$0xE030]  }
0x139: {  	[tilespmem:s17+$0xC020] =	vst v3;
	v1 =	vadd.f32 v2, v1  }
0x13a: {  	[tilespmem:s17+$0xD020] =	vst v4;
	v2 =	vadd.f32 v5, v0  }
0x13b: {  	[tilespmem:s17+$0xE020] =	vst v1;
	v1 =	vadd.f32 v8, v0  }
0x13c: {  	[tilespmem:s17+$0xB030] =	vst v2;
	v2 =	vadd.f32 v7, v0  }
0x13d: {  	[tilespmem:s17+$0xC030] =	vst v1;
	v0 =	vadd.f32 v6, v0  }
0x13e: {  	[tilespmem:s17+$0xD030] =	vst v2  }
0x13f: {  	s1 =	sadd.s32 s4, s28;
	s3 =	simm.s32 $0xB000;
	[tilespmem:s17+$0xE030] =	vst v0  }
0x140: {  	[hbm4b:s1+s31] =	stream.strided.scatter [tilespmem:s3], [sflag:$0x7], $0x1000, s0, s31, $0x38;
	[tilespmem:$0x14000] =	vst v63  }
0x141: {  	s6 =	sadd.s32 s4, s29;
	s8 =	simm.s32 $0xC000  }
0x142: {  	[hbm4b:s6+s31] =	stream.strided.scatter [tilespmem:s8], [sflag:$0x7], $0x1000, s0, s31, $0x38;
	[tilespmem:$0x14000] =	vst v63  }
0x143: {  	s9 =	sadd.s32 s4, s30;
	s10 =	simm.s32 $0xD000  }
0x144: {  	[hbm4b:s9+s31] =	stream.strided.scatter [tilespmem:s10], [sflag:$0x7], $0x1000, s0, s31, $0x38;
	[tilespmem:$0x14000] =	vst v63  }
0x145: {  	s16 =	sadd.s32 s4, s16;
	s17 =	simm.s32 $0xE000  }
0x146: {  	[hbm4b:s16+s31] =	stream.strided.scatter [tilespmem:s17], [sflag:$0x7], $0x1000, s0, s31, $0x38;
	[tilespmem:$0x14000] =	vst v63  }
0x147: {  	_ =	swait.ge [sflag:s14], $0x1000  }
0x148: {  	[sflag:s14] =	ssyncset.done $0x0  }
0x149: {  	[sflag:s14] =	ssyncadd.s32 $0xFFFFF000  }
0x14a: {  	_ =	swait.ge [sflag:s14], $0x1000  }
0x14b: {  	[sflag:s14] =	ssyncset.done $0x0  }
0x14c: {  	[sflag:s14] =	ssyncadd.s32 $0xFFFFF000  }
0x14d: {  	_ =	swait.ge [sflag:s14], $0x1000  }
0x14e: {  	[sflag:s14] =	ssyncset.done $0x0;
	s1 =	rddreg [dreg:$0x14]  }
0x14f: {  	[sflag:s14] =	ssyncadd.s32 $0xFFFFF000;
	s1 =	sadd.s32 @!p0 s1, s21  }
0x150: {  	s8 =	simm.s32 @!p0 $0x100;
	_ =	swait.ge [sflag:s14], $0x1000;
	s3 =	sor.u32 @!p0 s18, s1  }
0x151: {  	s9 =	simm.s32 @!p0 $0x400;
	[sflag:s14] =	ssyncset.done $0x0;
	s3 =	sshrl.u32 @!p0 s3, $0x3  }
0x152: {  	s10 =	simm.s32 @!p0 $0x5000;
	[sflag:s14] =	ssyncadd.s32 $0xFFFFF000;
	s5 =	sadd.s32 @!p0 s25, s3  }
0x153: {  	[tilespmem:s10], [sflag:$0x2] =	stream.strided.gather @!p0 [hbm4b:s5+s8], $0x1000, s9, s8, $0x38;
	[tilespmem:$0x14000] =	vst v63  }
0x154: {  	s5 =	sadd.s32 @!p0 s2, s3;
	s10 =	simm.s32 @!p0 $0x6000  }
0x155: {  	[tilespmem:s10], [sflag:$0x2] =	stream.strided.gather @!p0 [hbm4b:s5+s8], $0x1000, s9, s8, $0x38;
	[tilespmem:$0x14000] =	vst v63  }
0x156: {  	s5 =	rddreg [dreg:$0xf]  }
0x157: {  	s5 =	sadd.s32 @!p0 s5, s1  }
0x158: {  	s3 =	sor.u32 @!p0 $0x400000, s3;
	s5 =	sshrl.u32 @!p0 s5, $0x3  }
0x159: {  	s10 =	simm.s32 @!p0 $0x7000;
	s1 =	sadd.s32 @!p0 s19, s1;
	s5 =	sadd.s32 @!p0 s2, s5  }
0x15a: {  	[tilespmem:s10], [sflag:$0x2] =	stream.strided.gather @!p0 [hbm4b:s5+s8], $0x1000, s9, s8, $0x38;
	[tilespmem:$0x14000] =	vst v63  }
0x15b: {  	s3 =	sadd.s32 @!p0 s2, s3;
	s1 =	sshrl.u32 @!p0 s1, $0x3;
	s5 =	simm.s32 @!p0 $0x8000  }
0x15c: {  	[tilespmem:s5], [sflag:$0x2] =	stream.strided.gather @!p0 [hbm4b:s3+s8], $0x1000, s9, s8, $0x38;
	[tilespmem:$0x14000] =	vst v63  }
0x15d: {  	s1 =	sadd.s32 @!p0 s2, s1;
	s3 =	simm.s32 @!p0 $0x9000  }
0x15e: {  	[tilespmem:s3], [sflag:$0x2] =	stream.strided.gather @!p0 [hbm4b:s1+s8], $0x1000, s9, s8, $0x38;
	[tilespmem:$0x14000] =	vst v63  }
0x15f: {  	_ =	swait.ge [sflag:s7], $0x1000  }
0x160: {  	[sflag:s7] =	ssyncset.done $0x0  }
0x161: {  	[sflag:s7] =	ssyncadd.s32 $0xFFFFF000  }
0x162: {  	_ =	swait.ge [sflag:s7], $0x1000  }
0x163: {  	[sflag:s7] =	ssyncset.done $0x0  }
0x164: {  	[sflag:s7] =	ssyncadd.s32 $0xFFFFF000  }
0x165: {  	_ =	swait.ge [sflag:s7], $0x1000  }
0x166: {  	[sflag:s7] =	ssyncset.done $0x0  }
0x167: {  	[sflag:s7] =	ssyncadd.s32 $0xFFFFF000  }
0x168: {  	_ =	swait.ge [sflag:s7], $0x1000  }
0x169: {  	[sflag:s7] =	ssyncset.done $0x0  }
0x16a: {  	s28 =	simm.s32 $0x0;
	[sflag:s7] =	ssyncadd.s32 $0xFFFFF000  }
0x16b: {  	s29 =	sand.u32 $0xF00, s28;
	s30 =	sand.u32 $0x80, s28;
	_ =	swait.ge [sflag:s7], $0x1000  }
0x16c: {  	s1 =	sand.u32 $0x40, s28;
	s3 =	sor.u32 s30, s29;
	[sflag:s7] =	ssyncset.done $0x0  }
0x16d: {  	s16 =	sor.u32 s1, s3;
	[sflag:s7] =	ssyncadd.s32 $0xFFFFF000  }
0x16e: {  	v2 =	vld [tilespmem:s16+$0xF000]  }
0x16f: {  	v5 =	vld [tilespmem:s16+$0xF010]  }
0x170: {  	v1 =	vld [tilespmem:s16+$0xF020]  }
0x171: {  	v3 =	vld [tilespmem:s16+$0x10000]  }
0x172: {  	v4 =	vld [tilespmem:s16+$0x11000]  }
0x173: {  	v6 =	vld [tilespmem:s16+$0x12000]  }
0x174: {  	v7 =	vld [tilespmem:s16+$0x13000]  }
0x175: {  	v8 =	vld [tilespmem:s16+$0x10010]  }
0x176: {  	v9 =	vld [tilespmem:s16+$0x11010]  }
0x177: {  	v0 =	vld [tilespmem:s16+$0xF030];
	v3 =	vadd.f32 v3, v2  }
0x178: {  	v10 =	vld [tilespmem:s16+$0x12010];
	v4 =	vadd.f32 v4, v2  }
0x179: {  	v11 =	vld [tilespmem:s16+$0x13010];
	[tilespmem:s16+$0x10000] =	vst v3;
	v3 =	vadd.f32 v6, v2  }
0x17a: {  	[tilespmem:s16+$0x11000] =	vst v4;
	v6 =	vld [tilespmem:s16+$0x10020];
	v2 =	vadd.f32 v7, v2  }
0x17b: {  	v7 =	vadd.f32 v8, v5;
	v8 =	vadd.f32 v9, v5;
	[tilespmem:s16+$0x12000] =	vst v3;
	v3 =	vld [tilespmem:s16+$0x11020]  }
0x17c: {  	v4 =	vld [tilespmem:s16+$0x12020];
	[tilespmem:s16+$0x13000] =	vst v2  }
0x17d: {  	v2 =	vld [tilespmem:s16+$0x13020];
	[tilespmem:s16+$0x11010] =	vst v8;
	v8 =	vadd.f32 v10, v5  }
0x17e: {  	s5 =	simm.s32 $0x4;
	s9 =	simm.s32 $0x40;
	s1 =	simm.s32 $0x80;
	[tilespmem:s16+$0x10010] =	vst v7;
	v7 =	vadd.f32 v11, v5;
	v5 =	vld [tilespmem:s16+$0x10030]  }
.LBB2_9:
0x17f: {  	s3 =	sand.u32 $0xF00, s1;
	s8 =	sand.u32 $0x80, s5;
	p0 =	sne.s32 s5, $0xFC;
	[tilespmem:s16+$0x12010] =	vst v8;
	v6 =	vadd.f32 v6, v1;
	v8 =	vld [tilespmem:s16+$0x11030]  }
0x180: {  	s10 =	sand.u32 $0x40, s9;
	s3 =	sor.u32 s8, s3;
	[tilespmem:s16+$0x13010] =	vst v7;
	v3 =	vadd.f32 v3, v1;
	v7 =	vld [tilespmem:s16+$0x12030]  }
0x181: {  	s3 =	sor.u32 s10, s3;
	[tilespmem:s16+$0x10020] =	vst v6;
	v4 =	vadd.f32 v4, v1;
	v6 =	vld [tilespmem:s16+$0x13030]  }
0x182: {  	v9 =	vld [tilespmem:s3+$0xF000];
	[tilespmem:s16+$0x11020] =	vst v3;
	v2 =	vadd.f32 v2, v1  }
0x183: {  	v10 =	vld [tilespmem:s3+$0xF010];
	[tilespmem:s16+$0x12020] =	vst v4;
	v3 =	vadd.f32 v5, v0  }
0x184: {  	v1 =	vld [tilespmem:s3+$0xF020];
	[tilespmem:s16+$0x13020] =	vst v2;
	v2 =	vadd.f32 v8, v0  }
0x185: {  	v4 =	vld [tilespmem:s3+$0xF030];
	[tilespmem:s16+$0x10030] =	vst v3;
	v3 =	vadd.f32 v7, v0  }
0x186: {  	v5 =	vld [tilespmem:s3+$0x10000];
	[tilespmem:s16+$0x11030] =	vst v2;
	v0 =	vadd.f32 v6, v0  }
0x187: {  	v2 =	vld [tilespmem:s3+$0x11000];
	[tilespmem:s16+$0x12030] =	vst v3  }
0x188: {  	v3 =	vld [tilespmem:s3+$0x12000];
	[tilespmem:s16+$0x13030] =	vst v0;
	s16 =	smov.u32 s3  }
0x189: {  	v6 =	vld [tilespmem:s16+$0x13000]  }
0x18a: {  	v7 =	vld [tilespmem:s16+$0x10010];
	v0 =	vmov v4  }
0x18b: {  	v4 =	vadd.f32 v5, v9;
	v5 =	vld [tilespmem:s16+$0x11010]  }
0x18c: {  	v2 =	vadd.f32 v2, v9;
	v8 =	vld [tilespmem:s16+$0x12010]  }
0x18d: {  	[tilespmem:s16+$0x10000] =	vst v4;
	v3 =	vadd.f32 v3, v9;
	v11 =	vld [tilespmem:s16+$0x13010]  }
.Ltmp3:
0x18e: {  	[tilespmem:s16+$0x11000] =	vst v2;
	v2 =	vadd.f32 v6, v9;
	v6 =	vld [tilespmem:s16+$0x10020];
	(pc) =	sbr.rel @p0 .LBB2_9-.Ltmp3, $4  }
0x18f: {  	[tilespmem:s16+$0x12000] =	vst v3;
	v7 =	vadd.f32 v7, v10;
	v3 =	vld [tilespmem:s16+$0x11020]  }
0x190: {  	[tilespmem:s16+$0x13000] =	vst v2;
	v5 =	vadd.f32 v5, v10;
	v4 =	vld [tilespmem:s16+$0x12020]  }
0x191: {  	[tilespmem:s16+$0x10010] =	vst v7;
	v8 =	vadd.f32 v8, v10;
	v2 =	vld [tilespmem:s16+$0x13020]  }
0x192: {  	s9 =	sadd.s32 $0x40, s9;
	s1 =	sadd.s32 $0x80, s1;
	s5 =	sadd.s32 $0x4, s5;
	[tilespmem:s16+$0x11010] =	vst v5;
	v7 =	vadd.f32 v11, v10;
	v5 =	vld [tilespmem:s16+$0x10030]  }
0x193: {  	[tilespmem:s16+$0x12010] =	vst v8;
	v56 =	vld [tilespmem:s16+$0x11030];
	v6 =	vadd.f32 v6, v1  }
0x194: {  	v57 =	vld [tilespmem:s16+$0x12030];
	[tilespmem:s16+$0x13010] =	vst v7;
	v3 =	vadd.f32 v3, v1  }
0x195: {  	v58 =	vld [tilespmem:s16+$0x13030];
	[tilespmem:s16+$0x10020] =	vst v6;
	v4 =	vadd.f32 v4, v1  }
0x196: {  	[tilespmem:s16+$0x11020] =	vst v3;
	v59 =	vadd.f32 v2, v1  }
0x197: {  	[tilespmem:s16+$0x12020] =	vst v4;
	v60 =	vadd.f32 v5, v0  }
0x198: {  	[tilespmem:s16+$0x13020] =	vst v59;
	v61 =	vadd.f32 v56, v0  }
0x199: {  	v62 =	vadd.f32 v57, v0;
	[tilespmem:s16+$0x10030] =	vst v60  }
0x19a: {  	v63 =	vadd.f32 v58, v0;
	[tilespmem:s16+$0x11030] =	vst v61  }
0x19b: {  	[tilespmem:s16+$0x12030] =	vst v62  }
0x19c: {  	s1 =	sadd.s32 s4, s22;
	s8 =	simm.s32 $0x10000;
	s20 =	sadd.s32 $0x1, s20;
	[tilespmem:s16+$0x13030] =	vst v63  }
0x19d: {  	[hbm4b:s1+s31] =	stream.strided.scatter [tilespmem:s8], [sflag:$0x8], $0x1000, s0, s31, $0x38;
	[tilespmem:$0x14000] =	vst v63  }
0x19e: {  	s23 =	sadd.s32 s4, s23;
	s10 =	simm.s32 $0x11000;
	p0 =	sne.s32 s20, $0x20  }
0x19f: {  	[hbm4b:s23+s31] =	stream.strided.scatter [tilespmem:s10], [sflag:$0x8], $0x1000, s0, s31, $0x38;
	[tilespmem:$0x14000] =	vst v63  }
.Ltmp4:
0x1a0: {  	_ = 	snop;
	(pc) =	sbr.rel @p0 .LBB2_2-.Ltmp4, $4  }
0x1a1: {  	s28 =	sadd.s32 s4, s24;
	s3 =	simm.s32 $0x12000  }
0x1a2: {  	[hbm4b:s28+s31] =	stream.strided.scatter [tilespmem:s3], [sflag:$0x8], $0x1000, s0, s31, $0x38;
	[tilespmem:$0x14000] =	vst v63  }
0x1a3: {  	s29 =	sadd.s32 s4, s26;
	s30 =	simm.s32 $0x13000  }
0x1a4: {  	[hbm4b:s29+s31] =	stream.strided.scatter [tilespmem:s30], [sflag:$0x8], $0x1000, s0, s31, $0x38;
	[tilespmem:$0x14000] =	vst v63  }
0x1a5: {  	s1 =	simm.s32 $0x7  }
0x1a6: {  	_ =	swait.ge [sflag:s1], $0x1000  }
0x1a7: {  	[sflag:s1] =	ssyncset.done $0x0  }
0x1a8: {  	[sflag:s1] =	ssyncadd.s32 $0xFFFFF000  }
0x1a9: {  	_ =	swait.ge [sflag:s1], $0x1000  }
0x1aa: {  	[sflag:s1] =	ssyncset.done $0x0  }
0x1ab: {  	[sflag:s1] =	ssyncadd.s32 $0xFFFFF000  }
0x1ac: {  	_ =	swait.ge [sflag:s1], $0x1000  }
0x1ad: {  	[sflag:s1] =	ssyncset.done $0x0  }
0x1ae: {  	[sflag:s1] =	ssyncadd.s32 $0xFFFFF000  }
0x1af: {  	_ =	swait.ge [sflag:s1], $0x1000  }
0x1b0: {  	[sflag:s1] =	ssyncset.done $0x0  }
0x1b1: {  	s3 =	simm.s32 $0x8;
	[sflag:s1] =	ssyncadd.s32 $0xFFFFF000  }
0x1b2: {  	_ =	swait.ge [sflag:s3], $0x1000  }
0x1b3: {  	[sflag:s3] =	ssyncset.done $0x0  }
0x1b4: {  	[sflag:s3] =	ssyncadd.s32 $0xFFFFF000  }
0x1b5: {  	_ =	swait.ge [sflag:s3], $0x1000  }
0x1b6: {  	[sflag:s3] =	ssyncset.done $0x0  }
0x1b7: {  	[sflag:s3] =	ssyncadd.s32 $0xFFFFF000  }
0x1b8: {  	_ =	swait.ge [sflag:s3], $0x1000  }
0x1b9: {  	[sflag:s3] =	ssyncset.done $0x0  }
0x1ba: {  	[sflag:s3] =	ssyncadd.s32 $0xFFFFF000  }
0x1bb: {  	_ =	swait.ge [sflag:s3], $0x1000  }
0x1bc: {  	s5 =	rddreg [dreg:$0x1a]  }
0x1bd: {  	s30 =	rddreg [dreg:$0x15];
	s5 =	sadd.s32 $0x1, s5  }
0x1be: {  	p0 =	sne.s32 s5, s30  }
.Ltmp5:
0x1bf: {  	_ = 	snop;
	(pc) =	sbr.rel @p0 .LBB2_1-.Ltmp5, $3  }
0x1c0: {  	_ =	sdelay $0x1  }
0x1c1: {  	[sflag:s3] =	ssyncset.done $0x0  }
0x1c2: {  	[sflag:s3] =	ssyncadd.s32 $0xFFFFF000  }
0x1c3: {  	_ =	sfence.sel $0x180000  }
0x1c4: {  	[bflag:$0x0] =	sbarrier.arrive $0xFFFF  }
0x1c5: {  	_ =	strace $0x90000047  }
0x1c6: {  	s0 =	stileid.u32;
	[bflag:$0x2] =	sbarrier.arrive $0xFFFF  }
0x1c7: {  	p0 =	sne.s32 s0, $0x0;
	s0 =	rddreg [dreg:$0x3]  }
0x1c8: {  	s0 =	sadd.s32 @!p0 $0x100000, s0  }
0x1c9: {  	[sflag:s0] =	ssyncadd.tile.s32 @!p0 $0x1;
	_ =	shalt  }
.Lfunc_end2:
_tile_overlayer_lowered:
.L_overlay_start_2:
0x1ca: {  	(tag) =	ssettag $0x2  }
0x1cb: {  	s0 =	rddreg [dreg:$0x0];
	s2 =	stileid.u32  }
0x1cc: {  	s1 =	rddreg [dreg:$0x1];
	p0 =	sne.s32 s2, $0x0  }
0x1cd: {  	s3 =	rddreg [dreg:$0x2];
	[bflag:$0x3] =	sbarrier.arrive $0xFFFF;
	s2 =	simm.s32 @!p0 $0x1C09  }
0x1ce: {  	[timem:s3], [sflag:s2] =	dma.local @!p0 [hbm:s0], s1  }
0x1cf: {  	s0 =	simm.s32 @!p0 $0x9  }
0x1d0: {  	_ =	swait.ge @!p0 [sflag:s0], s1  }
0x1d1: {  	s1 =	ssub.s32 @!p0 $0x0, s1;
	[sflag:s0] =	ssyncset.done @!p0 $0x0  }
0x1d2: {  	[sflag:s0] =	ssyncadd.s32 @!p0 s1  }
0x1d3: {  	[bflag:$0x3] =	sbarrier.arrive $0xFFFF  }
0x1d4: {  	_ =	shalt  }

</sc_bundles>
